<compile_context>
chip_gen: v7x
topology: tpu7x:2x2x1
jax: 0.10.2.dev20260603
libtpu: 0.0.44.dev20260713+nightly
codegen_flags: <defaults>
</compile_context>

<pallas_src>
import functools

import jax
import jax.numpy as jnp
import numpy as np
from jax.experimental import pallas as pl
from jax.experimental.pallas import tpu as pltpu

H, L, E = 12, 2048, 64
C = 100
CP = 128
BITS = 32
ITERS = 10
TOPK = 32
BQ = 256
NBQ = L // BQ
TEMP = 1.0 / np.sqrt(E).astype(np.float32)


def _cluster_kernel(q_ref, w_ref, b_ref, qg_ref, dest_ref, sq_ref, sindx_ref,
                    sclus_ref):
    q = q_ref[0]
    h = jnp.dot(q.astype(jnp.bfloat16), w_ref[...].astype(jnp.bfloat16),
                preferred_element_type=jnp.float32)
    h = h + b_ref[0:1, :]
    bit = (h > 0).astype(jnp.float32)
    rs_bit = jnp.sum(bit, axis=1, keepdims=True)

    iota_c = jax.lax.broadcasted_iota(jnp.int32, (1, CP), 1)
    iota_cf = iota_c.astype(jnp.float32)
    iota_l = jax.lax.broadcasted_iota(jnp.int32, (CP, L), 1)
    ci = jax.lax.broadcasted_iota(jnp.int32, (CP, 1), 0).astype(jnp.float32)
    init_idx = jnp.floor(ci * float(L) / float(C)).astype(jnp.int32)
    oh_init = (iota_l == init_idx).astype(jnp.bfloat16)
    bitb = bit.astype(jnp.bfloat16)
    bit16 = (16.0 * bit).astype(jnp.bfloat16)
    cbit0 = jnp.dot(oh_init, bitb, preferred_element_type=jnp.float32)
    invalid = (iota_c >= C).astype(jnp.float32) * 1e9
    rs128 = 128.0 * rs_bit

    def dist_labels(cbit):
        rs_c = jnp.sum(cbit, axis=1)[None, :]
        base = 128.0 * rs_c + iota_cf + invalid
        cbit16 = (16.0 * cbit).astype(jnp.bfloat16)
        dot256 = jax.lax.dot_general(bit16, cbit16, (((1,), (1,)), ((), ())),
                                     preferred_element_type=jnp.float32)
        key = (rs128 + base) - dot256
        m = jnp.min(key, axis=1, keepdims=True)
        labf = m - 128.0 * jnp.floor(m * (1.0 / 128.0))
        oh = (iota_cf == labf).astype(jnp.float32)
        return labf, oh

    def body(_, cbit):
        _, oh = dist_labels(cbit)
        cnt = jnp.sum(oh, axis=0)[:, None]
        bcnt = jax.lax.dot_general(oh.astype(jnp.bfloat16), bitb,
                                   (((0,), (0,)), ((), ())),
                                   preferred_element_type=jnp.float32)
        newc = (2.0 * bcnt > cnt).astype(jnp.float32)
        return jnp.where(cnt > 0, newc, cbit)

    cbit = jax.lax.fori_loop(0, ITERS, body, cbit0)
    labf, oh = dist_labels(cbit)
    lab = labf.astype(jnp.int32)
    cnt = jnp.sum(oh, axis=0)[:, None]
    f = 1.0 / jnp.maximum(cnt, 1.0)
    qg = jax.lax.dot_general(oh, q, (((0,), (0,)), ((), ())),
                             preferred_element_type=jnp.float32,
                             precision=jax.lax.Precision.HIGHEST) * f
    qg_ref[0] = qg

    cnt_row = jnp.sum(oh, axis=0, keepdims=True)
    iu_r = jax.lax.broadcasted_iota(jnp.int32, (CP, CP), 0)
    iu_c = jax.lax.broadcasted_iota(jnp.int32, (CP, CP), 1)
    U = (iu_r < iu_c).astype(jnp.bfloat16)
    cnt_hi = jnp.floor(cnt_row / 256.0)
    cnt_lo = cnt_row - 256.0 * cnt_hi
    off_row = (256.0 * jnp.dot(cnt_hi.astype(jnp.bfloat16), U,
                               preferred_element_type=jnp.float32)
               + jnp.dot(cnt_lo.astype(jnp.bfloat16), U,
                         preferred_element_type=jnp.float32))

    CH = 128
    it_r = jax.lax.broadcasted_iota(jnp.int32, (CH, CH), 0)
    it_c = jax.lax.broadcasted_iota(jnp.int32, (CH, CH), 1)
    T = (it_r > it_c).astype(jnp.bfloat16)
    ohb = oh.astype(jnp.bfloat16)
    carry = off_row
    dest_chunks = []
    for t in range(L // CH):
        ohc = oh[t * CH:(t + 1) * CH, :]
        win = jnp.dot(T, ohb[t * CH:(t + 1) * CH, :],
                      preferred_element_type=jnp.float32)
        sel = jnp.sum(ohc * (carry + win), axis=1, keepdims=True)
        dest_chunks.append(sel)
        carry = carry + jnp.sum(ohc, axis=0, keepdims=True)
    dest = jnp.concatenate(dest_chunks, axis=0)
    dest_ref[0] = dest.astype(jnp.int32)

    iota_j = jax.lax.broadcasted_iota(jnp.int32, (L, L), 1)
    OHb = (iota_j == dest.astype(jnp.int32)).astype(jnp.bfloat16)
    sq = jax.lax.dot_general(OHb, q.astype(jnp.bfloat16),
                             (((0,), (0,)), ((), ())),
                             preferred_element_type=jnp.float32)
    sq_ref[0] = sq.astype(jnp.bfloat16)

    ivec = jax.lax.broadcasted_iota(jnp.int32, (L, 1), 0).astype(jnp.float32)
    ihi = jnp.floor(ivec / 256.0)
    ilo = ivec - 256.0 * ihi
    sidx = (256.0 * jax.lax.dot_general(OHb, ihi.astype(jnp.bfloat16),
                                        (((0,), (0,)), ((), ())),
                                        preferred_element_type=jnp.float32)
            + jax.lax.dot_general(OHb, ilo.astype(jnp.bfloat16),
                                  (((0,), (0,)), ((), ())),
                                  preferred_element_type=jnp.float32))
    sindx_ref[0] = sidx.astype(jnp.int32)

    scl = jax.lax.dot_general(OHb, lab.astype(jnp.bfloat16),
                              (((0,), (0,)), ((), ())),
                              preferred_element_type=jnp.float32)
    sclus_ref[0] = scl.astype(jnp.int32)


def _run_cluster(qt, w, b):
    return pl.pallas_call(
        _cluster_kernel,
        grid=(H,),
        in_specs=[
            pl.BlockSpec((1, L, E), lambda h: (h, 0, 0)),
            pl.BlockSpec((E, BITS), lambda h: (0, 0)),
            pl.BlockSpec((8, BITS), lambda h: (0, 0)),
        ],
        out_specs=[
            pl.BlockSpec((1, CP, E), lambda h: (h, 0, 0)),
            pl.BlockSpec((1, L, 1), lambda h: (h, 0, 0)),
            pl.BlockSpec((1, L, E), lambda h: (h, 0, 0)),
            pl.BlockSpec((1, L, 1), lambda h: (h, 0, 0)),
            pl.BlockSpec((1, L, 1), lambda h: (h, 0, 0)),
        ],
        out_shape=[
            jax.ShapeDtypeStruct((H, CP, E), jnp.float32),
            jax.ShapeDtypeStruct((H, L, 1), jnp.int32),
            jax.ShapeDtypeStruct((H, L, E), jnp.bfloat16),
            jax.ShapeDtypeStruct((H, L, 1), jnp.int32),
            jax.ShapeDtypeStruct((H, L, 1), jnp.int32),
        ],
    )(qt, w, b)


def _topk_kernel(qg_ref, k_ref, v_ref, mask_ref, topi_ref, gk_ref, gv_ref):
    qg = qg_ref[0]
    k = k_ref[0]
    kb = k.astype(jnp.bfloat16)
    vb = v_ref[0].astype(jnp.bfloat16)
    s = jax.lax.dot_general(qg.astype(jnp.bfloat16), kb,
                            (((1,), (1,)), ((), ())),
                            preferred_element_type=jnp.float32)
    s = s + mask_ref[0:1, :]
    iota_l = jax.lax.broadcasted_iota(jnp.int32, (CP, L), 1)
    for j in range(TOPK):
        m = jnp.max(s, axis=1, keepdims=True)
        cand = jnp.where(s == m, iota_l, L)
        idx = jnp.min(cand, axis=1, keepdims=True)
        topi_ref[0, :, j:j + 1] = idx
        ohk = (iota_l == idx).astype(jnp.bfloat16)
        gk_ref[0, j] = jnp.dot(ohk, kb,
                               preferred_element_type=jnp.float32
                               ).astype(jnp.bfloat16)
        gv_ref[0, j] = jnp.dot(ohk, vb,
                               preferred_element_type=jnp.float32
                               ).astype(jnp.bfloat16)
        s = jnp.where(iota_l == idx, -jnp.inf, s)


def _run_topk(qg, kt, vt, maskvec):
    return pl.pallas_call(
        _topk_kernel,
        grid=(H,),
        in_specs=[
            pl.BlockSpec((1, CP, E), lambda h: (h, 0, 0)),
            pl.BlockSpec((1, L, E), lambda h: (h, 0, 0)),
            pl.BlockSpec((1, L, E), lambda h: (h, 0, 0)),
            pl.BlockSpec((8, L), lambda h: (0, 0)),
        ],
        out_specs=[
            pl.BlockSpec((1, CP, TOPK), lambda h: (h, 0, 0)),
            pl.BlockSpec((1, TOPK, CP, E), lambda h: (h, 0, 0, 0)),
            pl.BlockSpec((1, TOPK, CP, E), lambda h: (h, 0, 0, 0)),
        ],
        out_shape=[
            jax.ShapeDtypeStruct((H, CP, TOPK), jnp.int32),
            jax.ShapeDtypeStruct((H, TOPK, CP, E), jnp.bfloat16),
            jax.ShapeDtypeStruct((H, TOPK, CP, E), jnp.bfloat16),
        ],
    )(qg, kt, vt, maskvec)


GC = 8
GW = GC * TOPK
NG = CP // GC


def _attn_kernel(cb_ref, sq_ref, spos_ref, sc_ref, topi_ref, gk_ref, gv_ref,
                 out_ref):
    h = pl.program_id(0)
    b = pl.program_id(1)
    g_lo = cb_ref[h, b, 0] // GC
    g_hi = cb_ref[h, b, 1] // GC
    sqb = sq_ref[0]
    spos = spos_ref[0]
    sc = sc_ref[0]
    colc = jax.lax.broadcasted_iota(jnp.int32, (1, GW), 1) // TOPK
    neg_inf = jnp.float32(-jnp.inf)

    def body(g, acc):
        kk = gk_ref[0, pl.ds(g * GW, GW), :]
        vv = gv_ref[0, pl.ds(g * GW, GW), :]
        ti = topi_ref[0, pl.ds(g, 1), :]
        s = jax.lax.dot_general(sqb, kk, (((1,), (1,)), ((), ())),
                                preferred_element_type=jnp.float32)
        future = ti > spos
        own = sc == (colc + g * GC)
        s = jnp.where(future, -1e7, s) * TEMP
        s = jnp.where(own, s, neg_inf)
        m = jnp.max(s, axis=1, keepdims=True)
        p = jnp.exp(s - jnp.maximum(m, -1e30))
        den = jnp.sum(p, axis=1, keepdims=True)
        a = p / jnp.maximum(den, 1e-30)
        a = jnp.where(future, 0.0, a)
        return acc + jnp.dot(a.astype(jnp.bfloat16), vv,
                             preferred_element_type=jnp.float32)

    acc = jax.lax.fori_loop(g_lo, g_hi + 1, body,
                            jnp.zeros((BQ, E), jnp.float32))
    out_ref[0] = acc


def _run_attn(cbounds, sq, spos3, sc3, topi_g, gk, gv):
    grid_spec = pltpu.PrefetchScalarGridSpec(
        num_scalar_prefetch=1,
        grid=(H, NBQ),
        in_specs=[
            pl.BlockSpec((1, BQ, E), lambda h, b, cb: (h, b, 0)),
            pl.BlockSpec((1, BQ, 1), lambda h, b, cb: (h * NBQ + b, 0, 0)),
            pl.BlockSpec((1, BQ, 1), lambda h, b, cb: (h * NBQ + b, 0, 0)),
            pl.BlockSpec((1, NG, GW), lambda h, b, cb: (h, 0, 0)),
            pl.BlockSpec((1, CP * TOPK, E), lambda h, b, cb: (h, 0, 0)),
            pl.BlockSpec((1, CP * TOPK, E), lambda h, b, cb: (h, 0, 0)),
        ],
        out_specs=pl.BlockSpec((1, BQ, E), lambda h, b, cb: (h, b, 0)),
    )
    return pl.pallas_call(
        _attn_kernel,
        grid_spec=grid_spec,
        out_shape=jax.ShapeDtypeStruct((H, L, E), jnp.float32),
    )(cbounds, sq, spos3, sc3, topi_g, gk, gv)


def kernel(queries, keys, values, attn_mask, query_lengths, key_lengths,
           planes):
    qt = jnp.transpose(queries, (0, 2, 1, 3)).reshape(H, L, E)
    kt = jnp.transpose(keys, (0, 2, 1, 3)).reshape(H, L, E)
    vt = jnp.transpose(values, (0, 2, 1, 3)).reshape(H, L, E)
    w = planes[:, :E].T
    b = jnp.broadcast_to(planes[:, E][None, :], (8, BITS)) + 0.0

    qg, dest, sq, sindx, sclus = _run_cluster(qt, w, b)

    maskvec = jnp.where(jnp.arange(L) < key_lengths, 0.0, -1e9)
    maskvec = jnp.broadcast_to(maskvec[None, :].astype(jnp.float32), (8, L)) + 0.0
    topi, gk4, gv4 = _run_topk(qg, kt, vt, maskvec)
    gk = gk4.transpose(0, 2, 1, 3).reshape(H, CP * TOPK, E)
    gv = gv4.transpose(0, 2, 1, 3).reshape(H, CP * TOPK, E)

    sclus2 = sclus[..., 0]
    cb_lo = sclus2[:, ::BQ]
    cb_hi = sclus2[:, BQ - 1::BQ]
    cbounds = jnp.stack([cb_lo, cb_hi], axis=-1).astype(jnp.int32)

    spos3 = sindx.reshape(H * NBQ, BQ, 1)
    sc3 = sclus.reshape(H * NBQ, BQ, 1)
    topi_g = topi.reshape(H, NG, GW)

    out_s = _run_attn(cbounds, sq, spos3, sc3, topi_g, gk, gv)

    out = jnp.take_along_axis(out_s, dest, axis=1)
    out = jnp.transpose(out.reshape(1, H, L, E), (0, 2, 1, 3))
    causal_ok = attn_mask != 0
    return jnp.where(causal_ok, out, jnp.full_like(out, jnp.nan))

# --- scband reference (transcript-rebuilt; emitter-appended) ---
"""Pipeline reference for scband-improved-clustered-causal-attention-73443940761953 (READ-ONLY COPY).

The authoritative reference and input builder live on the scoring server;
editing this copy changes nothing except your own understanding.
"""

import jax, jax.numpy as jnp
import numpy as np

N, H, L, E = 1, 12, 2048, 64
C = 100
BITS = 32
ITERS = 10
TOPK = 32
BITW = jnp.asarray(np.left_shift(np.uint32(1), np.arange(BITS, dtype=np.uint32)))


def compute_hashes(X, planes):
    # X: [M, E], planes: [BITS, E+1] (last column is bias -> hash_bias=True)
    h = X @ planes[:, :-1].T + planes[:, -1]
    b = (h > 0).astype(jnp.uint32)
    return jnp.sum(b * BITW[None, :], axis=-1, dtype=jnp.uint32)


def cluster_one(hashes):
    # Lloyd iterations with hamming distance on BITS-bit hash codes.
    init_idx = (jnp.arange(C) * L) // C
    centroids = hashes[init_idx]

    def body(cent, _):
        d = jax.lax.population_count(jnp.bitwise_xor(hashes[:, None], cent[None, :]))
        labels = jnp.argmin(d, axis=-1)
        oh = jax.nn.one_hot(labels, C, dtype=jnp.float32)
        cnt = jnp.sum(oh, axis=0)
        bit_pts = ((hashes[:, None] & BITW[None, :]) > 0).astype(jnp.float32)
        bit_cnt = oh.T @ bit_pts
        maj = (2.0 * bit_cnt > cnt[:, None]).astype(jnp.uint32)
        new_cent = jnp.sum(maj * BITW[None, :], axis=-1, dtype=jnp.uint32)
        new_cent = jnp.where(cnt > 0, new_cent, cent)
        return new_cent, None

    centroids, _ = jax.lax.scan(body, centroids, None, length=ITERS)
    d = jax.lax.population_count(jnp.bitwise_xor(hashes[:, None], centroids[None, :]))
    labels = jnp.argmin(d, axis=-1)
    counts = jnp.sum(jax.nn.one_hot(labels, C, dtype=jnp.int32), axis=0)
    return labels, counts


def _forward(queries, keys, values, planes, q_len, k_len):
    Q = jnp.transpose(queries, (0, 2, 1, 3))
    K = jnp.transpose(keys, (0, 2, 1, 3))
    V = jnp.transpose(values, (0, 2, 1, 3))
    n, h, l, e = Q.shape
    s = K.shape[2]
    d = V.shape[3]
    nh = n * h
    temp = 1.0 / np.sqrt(e)

    hashes = compute_hashes(Q.reshape(-1, e), planes).reshape(nh, l)
    labels, counts = jax.vmap(cluster_one)(hashes)

    sorted_indx = jnp.argsort(labels, axis=-1)
    sorted_clusters = jnp.take_along_axis(labels, sorted_indx, axis=-1)

    Qf = Q.reshape(nh, l, e)
    Kf = K.reshape(nh, s, e)
    Vf = V.reshape(nh, s, d)
    s_q = jnp.take_along_axis(Qf, sorted_indx[:, :, None], axis=1)

    # _GroupQueries: per-cluster mean of queries (segment sum with 1/count factors)
    factors = 1.0 / jnp.maximum(counts, 1).astype(jnp.float32)
    f_per = jnp.take_along_axis(factors, sorted_clusters, axis=1)
    Qg = jax.vmap(lambda sq, sc, fp: jax.ops.segment_sum(sq * fp[:, None], sc, num_segments=C))(
        s_q, sorted_clusters.astype(jnp.int32), f_per)

    QKc = jnp.einsum('bce,bse->bcs', Qg, Kf)
    add = jnp.where(jnp.arange(s)[None, :] < k_len, 0.0, -1e9)
    QKc = QKc + add

    topv, topi = jax.lax.top_k(QKc, TOPK)  # [nh, C, k]

    # broadcast top-k key ids to every query of the corresponding cluster
    idx = jnp.broadcast_to(sorted_clusters[:, :, None], (nh, l, TOPK))
    topi_q = jnp.take_along_axis(topi, idx, axis=1)  # [nh, l, k]

    # clustered_sparse_dot_product: per-query dot with its cluster's top-k keys
    K_top = jax.vmap(lambda kf, ti: kf[ti])(Kf, topi_q)  # [nh, l, k, e]
    QKs = jnp.einsum('ble,blke->blk', s_q, K_top)

    # causal mask: key id strictly greater than the query's original position
    s_seq_ids = sorted_indx  # original positions in sorted order
    future = topi_q > s_seq_ids[:, :, None]
    QKs = jnp.where(future, -1e7, QKs)
    A = jax.nn.softmax(temp * QKs, axis=-1)
    A = A * (1.0 - future.astype(A.dtype))
    # dropout in eval mode -> identity

    V_top = jax.vmap(lambda vf, ti: vf[ti])(Vf, topi_q)  # [nh, l, k, d]
    Vn = jnp.einsum('blk,blkd->bld', A, V_top)

    rev = jnp.argsort(sorted_indx, axis=-1)
    Vout = jnp.take_along_axis(Vn, rev[:, :, None], axis=1)
    Vout = Vout.reshape(n, h, l, d)
    return jnp.transpose(Vout, (0, 2, 1, 3))


def setup_inputs(seed: int = 0):
    key = jax.random.key(seed)
    k1, k2, k3, k4 = jax.random.split(key, 4)
    queries = jax.random.normal(k1, (N, L, H, E), dtype=jnp.float32)
    keys = jax.random.normal(k2, (N, L, H, E), dtype=jnp.float32)
    values = jax.random.normal(k3, (N, L, H, E), dtype=jnp.float32)
    planes = jax.random.normal(k4, (BITS, E + 1), dtype=jnp.float32)
    return {"queries": queries, "keys": keys, "values": values,
            "attn_mask": 1, "query_lengths": L, "key_lengths": L,
            "planes": planes}


def reference(queries, keys, values, attn_mask, query_lengths, key_lengths, planes):
    causal_ok = attn_mask != 0  # must be lower triangular (causal)
    out = _forward(queries, keys, values, planes, query_lengths, key_lengths)
    return jnp.where(causal_ok, out, jnp.full_like(out, jnp.nan))

if __name__ == "__main__":
    import jax
    _d = setup_inputs()
    print(jax.jit(kernel)(*tuple(_d.values())))

</pallas_src>

<mosaic_0001>
module attributes {stable_mosaic.version = 14 : i64} {
  func.func @_cluster_kernel(%arg0: i32, %arg1: memref<1x2048x64xf32, #tpu.memory_space<vmem>>, %arg2: memref<64x32xf32, #tpu.memory_space<vmem>>, %arg3: memref<8x32xf32, #tpu.memory_space<vmem>>, %arg4: memref<1x128x64xf32, #tpu.memory_space<vmem>>, %arg5: memref<1x2048x1xi32, #tpu.memory_space<vmem>>, %arg6: memref<1x2048x64xbf16, #tpu.memory_space<vmem>>, %arg7: memref<1x2048x1xi32, #tpu.memory_space<vmem>>, %arg8: memref<1x2048x1xi32, #tpu.memory_space<vmem>>) attributes {dimension_semantics = [#tpu.dimension_semantics<arbitrary>], iteration_bounds = array<i64: 12>, scalar_prefetch = 0 : i64, scratch_operands = 0 : i64, tpu.core_type = #tpu.core_type<tc>, window_params = [{transform_indices = @transform_0, window_bounds = array<i64: 1, 2048, 64>}, {pipeline_mode = #tpu.pipeline_mode<synchronous>, transform_indices = @transform_1, window_bounds = array<i64: 64, 32>}, {pipeline_mode = #tpu.pipeline_mode<synchronous>, transform_indices = @transform_2, window_bounds = array<i64: 8, 32>}, {transform_indices = @transform_3, window_bounds = array<i64: 1, 128, 64>}, {transform_indices = @transform_4, window_bounds = array<i64: 1, 2048, 1>}, {transform_indices = @transform_5, window_bounds = array<i64: 1, 2048, 64>}, {transform_indices = @transform_6, window_bounds = array<i64: 1, 2048, 1>}, {transform_indices = @transform_7, window_bounds = array<i64: 1, 2048, 1>}]} {
    %get3A = arith.constant 0 : index
    %get3A_0 = arith.constant 0 : index
    %get3A_1 = arith.constant 0 : index
    %get3A_2 = vector.load %arg1[%get3A, %get3A_0, %get3A_1] : memref<1x2048x64xf32, #tpu.memory_space<vmem>>, vector<1x2048x64xf32>
    %get3A_3 = vector.shape_cast %get3A_2 : vector<1x2048x64xf32> to vector<2048x64xf32>
    %convert_element_type3A = arith.truncf %get3A_3 : vector<2048x64xf32> to vector<2048x64xbf16>
    %get3A_4 = arith.constant 0 : index
    %get3A_5 = arith.constant 0 : index
    %get3A_6 = vector.load %arg2[%get3A_4, %get3A_5] : memref<64x32xf32, #tpu.memory_space<vmem>>, vector<64x32xf32>
    %convert_element_type3A_7 = arith.truncf %get3A_6 : vector<64x32xf32> to vector<64x32xbf16>
    %dot_general3A = arith.constant dense<0.000000e+00> : vector<2048x32xf32>
    %dot_general3A_8 = tpu.matmul %convert_element_type3A, %convert_element_type3A_7, %dot_general3A {dimension_numbers = #tpu.dot_dimension_numbers<[1], [0], [0], [1], [0, 0, 1, 1], [], []>, transpose_lhs_hint = false} : vector<2048x64xbf16>, vector<64x32xbf16>, vector<2048x32xf32> -> vector<2048x32xf32>
    %get3A_9 = arith.constant 0 : index
    %get3A_10 = arith.constant 0 : index
    %get3A_11 = vector.load %arg3[%get3A_9, %get3A_10] : memref<8x32xf32, #tpu.memory_space<vmem>>, vector<1x32xf32>
    %add3A = vector.broadcast %get3A_11 : vector<1x32xf32> to vector<2048x32xf32>
    %add3A_12 = arith.addf %dot_general3A_8, %add3A : vector<2048x32xf32>
    %gt3A = arith.constant 0.000000e+00 : f32
    %gt3A_13 = vector.broadcast %gt3A : f32 to vector<2048x32xf32>
    %gt3A_14 = arith.cmpf ogt, %add3A_12, %gt3A_13 : vector<2048x32xf32>
    %convert_element_type3A_15 = arith.extui %gt3A_14 : vector<2048x32xi1> to vector<2048x32xi32>
    %convert_element_type3A_16 = arith.sitofp %convert_element_type3A_15 : vector<2048x32xi32> to vector<2048x32xf32>
    %reduce_sum3A = arith.constant dense<0.000000e+00> : vector<2048xf32>
    %reduce_sum3A_17 = vector.multi_reduction <add>, %convert_element_type3A_16, %reduce_sum3A [1] : vector<2048x32xf32> to vector<2048xf32>
    %broadcast_in_dim3A = vector.shape_cast %reduce_sum3A_17 : vector<2048xf32> to vector<2048x1xf32>
    %iota3A = tpu.iota {dimensions = array<i32: 1>} : vector<1x128xi32>
    %convert_element_type3A_18 = arith.sitofp %iota3A : vector<1x128xi32> to vector<1x128xf32>
    %iota3A_19 = tpu.iota {dimensions = array<i32: 1>} : vector<128x2048xi32>
    %iota3A_20 = tpu.iota {dimensions = array<i32: 0>} : vector<128x1xi32>
    %convert_element_type3A_21 = arith.sitofp %iota3A_20 : vector<128x1xi32> to vector<128x1xf32>
    %mul3A = arith.constant 2.048000e+03 : f32
    %mul3A_22 = vector.broadcast %mul3A : f32 to vector<128x1xf32>
    %mul3A_23 = arith.mulf %convert_element_type3A_21, %mul3A_22 : vector<128x1xf32>
    %div3A = arith.constant 1.000000e+02 : f32
    %div3A_24 = vector.broadcast %div3A : f32 to vector<128x1xf32>
    %div3A_25 = arith.divf %mul3A_23, %div3A_24 : vector<128x1xf32>
    %floor3A = math.floor %div3A_25 : vector<128x1xf32>
    %convert_element_type3A_26 = arith.fptosi %floor3A : vector<128x1xf32> to vector<128x1xi32>
    %eq3A = vector.broadcast %convert_element_type3A_26 : vector<128x1xi32> to vector<128x2048xi32>
    %eq3A_27 = arith.cmpi eq, %iota3A_19, %eq3A : vector<128x2048xi32>
    %convert_element_type3A_28 = arith.extui %eq3A_27 : vector<128x2048xi1> to vector<128x2048xi32>
    %convert_element_type3A_29 = arith.sitofp %convert_element_type3A_28 : vector<128x2048xi32> to vector<128x2048xf32>
    %convert_element_type3A_30 = arith.truncf %convert_element_type3A_29 : vector<128x2048xf32> to vector<128x2048xbf16>
    %convert_element_type3A_31 = arith.truncf %convert_element_type3A_16 : vector<2048x32xf32> to vector<2048x32xbf16>
    %mul3A_32 = arith.constant 1.600000e+01 : f32
    %mul3A_33 = vector.broadcast %mul3A_32 : f32 to vector<2048x32xf32>
    %mul3A_34 = arith.mulf %mul3A_33, %convert_element_type3A_16 : vector<2048x32xf32>
    %convert_element_type3A_35 = arith.truncf %mul3A_34 : vector<2048x32xf32> to vector<2048x32xbf16>
    %dot_general3A_36 = arith.constant dense<0.000000e+00> : vector<128x32xf32>
    %dot_general3A_37 = tpu.matmul %convert_element_type3A_30, %convert_element_type3A_31, %dot_general3A_36 {dimension_numbers = #tpu.dot_dimension_numbers<[1], [0], [0], [1], [0, 0, 1, 1], [], []>, transpose_lhs_hint = false} : vector<128x2048xbf16>, vector<2048x32xbf16>, vector<128x32xf32> -> vector<128x32xf32>
    %ge3A = arith.constant 100 : i32
    %ge3A_38 = vector.broadcast %ge3A : i32 to vector<1x128xi32>
    %ge3A_39 = arith.cmpi sge, %iota3A, %ge3A_38 : vector<1x128xi32>
    %convert_element_type3A_40 = arith.extui %ge3A_39 : vector<1x128xi1> to vector<1x128xi32>
    %convert_element_type3A_41 = arith.sitofp %convert_element_type3A_40 : vector<1x128xi32> to vector<1x128xf32>
    %mul3A_42 = arith.constant 1.000000e+09 : f32
    %mul3A_43 = vector.broadcast %mul3A_42 : f32 to vector<1x128xf32>
    %mul3A_44 = arith.mulf %convert_element_type3A_41, %mul3A_43 : vector<1x128xf32>
    %mul3A_45 = arith.constant 1.280000e+02 : f32
    %mul3A_46 = vector.broadcast %mul3A_45 : f32 to vector<2048x1xf32>
    %mul3A_47 = arith.mulf %mul3A_46, %broadcast_in_dim3A : vector<2048x1xf32>
    %scan3A = arith.constant 0 : i32
    %scan3A_48 = arith.constant 10 : i32
    %scan3A_49 = arith.addi %scan3A, %scan3A_48 : i32
    %scan3A_50 = arith.constant 1 : i32
    %scan3A_51 = scf.for %scan3A_415 = %scan3A to %scan3A_49 step %scan3A_50 iter_args(%scan3A_416 = %dot_general3A_37) -> (vector<128x32xf32>)  : i32 {
      %reduce_sum3A_417 = arith.constant dense<0.000000e+00> : vector<128xf32>
      %reduce_sum3A_418 = vector.multi_reduction <add>, %scan3A_416, %reduce_sum3A_417 [1] : vector<128x32xf32> to vector<128xf32>
      %broadcast_in_dim3A_419 = vector.shape_cast %reduce_sum3A_418 : vector<128xf32> to vector<1x128xf32>
      %mul3A_420 = arith.constant 1.280000e+02 : f32
      %mul3A_421 = vector.broadcast %mul3A_420 : f32 to vector<1x128xf32>
      %mul3A_422 = arith.mulf %mul3A_421, %broadcast_in_dim3A_419 : vector<1x128xf32>
      %add3A_423 = arith.addf %mul3A_422, %convert_element_type3A_18 : vector<1x128xf32>
      %add3A_424 = arith.addf %add3A_423, %mul3A_44 : vector<1x128xf32>
      %mul3A_425 = arith.constant 1.600000e+01 : f32
      %mul3A_426 = vector.broadcast %mul3A_425 : f32 to vector<128x32xf32>
      %mul3A_427 = arith.mulf %mul3A_426, %scan3A_416 : vector<128x32xf32>
      %convert_element_type3A_428 = arith.truncf %mul3A_427 : vector<128x32xf32> to vector<128x32xbf16>
      %dot_general3A_429 = arith.constant dense<0.000000e+00> : vector<2048x128xf32>
      %dot_general3A_430 = tpu.matmul %convert_element_type3A_35, %convert_element_type3A_428, %dot_general3A_429 {dimension_numbers = #tpu.dot_dimension_numbers<[1], [1], [0], [0], [0, 0, 1, 0], [], []>, transpose_lhs_hint = false} : vector<2048x32xbf16>, vector<128x32xbf16>, vector<2048x128xf32> -> vector<2048x128xf32>
      %add3A_431 = vector.broadcast %mul3A_47 : vector<2048x1xf32> to vector<2048x128xf32>
      %add3A_432 = vector.broadcast %add3A_424 : vector<1x128xf32> to vector<2048x128xf32>
      %add3A_433 = arith.addf %add3A_431, %add3A_432 : vector<2048x128xf32>
      %sub3A_434 = arith.subf %add3A_433, %dot_general3A_430 : vector<2048x128xf32>
      %reduce_min3A_435 = arith.constant dense<0x7F800000> : vector<2048xf32>
      %reduce_min3A_436 = vector.multi_reduction <minimumf>, %sub3A_434, %reduce_min3A_435 [1] : vector<2048x128xf32> to vector<2048xf32>
      %broadcast_in_dim3A_437 = vector.shape_cast %reduce_min3A_436 : vector<2048xf32> to vector<2048x1xf32>
      %mul3A_438 = arith.constant 7.812500e-03 : f32
      %mul3A_439 = vector.broadcast %mul3A_438 : f32 to vector<2048x1xf32>
      %mul3A_440 = arith.mulf %broadcast_in_dim3A_437, %mul3A_439 : vector<2048x1xf32>
      %floor3A_441 = math.floor %mul3A_440 : vector<2048x1xf32>
      %mul3A_442 = arith.constant 1.280000e+02 : f32
      %mul3A_443 = vector.broadcast %mul3A_442 : f32 to vector<2048x1xf32>
      %mul3A_444 = arith.mulf %mul3A_443, %floor3A_441 : vector<2048x1xf32>
      %sub3A_445 = arith.subf %broadcast_in_dim3A_437, %mul3A_444 : vector<2048x1xf32>
      %eq3A_446 = vector.broadcast %convert_element_type3A_18 : vector<1x128xf32> to vector<2048x128xf32>
      %eq3A_447 = vector.broadcast %sub3A_445 : vector<2048x1xf32> to vector<2048x128xf32>
      %eq3A_448 = arith.cmpf oeq, %eq3A_446, %eq3A_447 : vector<2048x128xf32>
      %convert_element_type3A_449 = arith.extui %eq3A_448 : vector<2048x128xi1> to vector<2048x128xi32>
      %convert_element_type3A_450 = arith.sitofp %convert_element_type3A_449 : vector<2048x128xi32> to vector<2048x128xf32>
      %reduce_sum3A_451 = arith.constant dense<0.000000e+00> : vector<128xf32>
      %reduce_sum3A_452 = vector.multi_reduction <add>, %convert_element_type3A_450, %reduce_sum3A_451 [0] : vector<2048x128xf32> to vector<128xf32>
      %broadcast_in_dim3A_453 = vector.shape_cast %reduce_sum3A_452 : vector<128xf32> to vector<128x1xf32>
      %convert_element_type3A_454 = arith.truncf %convert_element_type3A_450 : vector<2048x128xf32> to vector<2048x128xbf16>
      %dot_general3A_455 = arith.constant dense<0.000000e+00> : vector<128x32xf32>
      %dot_general3A_456 = tpu.matmul %convert_element_type3A_454, %convert_element_type3A_31, %dot_general3A_455 {dimension_numbers = #tpu.dot_dimension_numbers<[0], [0], [1], [1], [0, 1, 1, 1], [], []>, transpose_lhs_hint = false} : vector<2048x128xbf16>, vector<2048x32xbf16>, vector<128x32xf32> -> vector<128x32xf32>
      %mul3A_457 = arith.constant 2.000000e+00 : f32
      %mul3A_458 = vector.broadcast %mul3A_457 : f32 to vector<128x32xf32>
      %mul3A_459 = arith.mulf %mul3A_458, %dot_general3A_456 : vector<128x32xf32>
      %gt3A_460 = vector.broadcast %broadcast_in_dim3A_453 : vector<128x1xf32> to vector<128x32xf32>
      %gt3A_461 = arith.cmpf ogt, %mul3A_459, %gt3A_460 : vector<128x32xf32>
      %convert_element_type3A_462 = arith.extui %gt3A_461 : vector<128x32xi1> to vector<128x32xi32>
      %convert_element_type3A_463 = arith.sitofp %convert_element_type3A_462 : vector<128x32xi32> to vector<128x32xf32>
      %gt3A_464 = arith.constant 0.000000e+00 : f32
      %gt3A_465 = vector.broadcast %gt3A_464 : f32 to vector<128x1xf32>
      %gt3A_466 = arith.cmpf ogt, %broadcast_in_dim3A_453, %gt3A_465 : vector<128x1xf32>
      %broadcast_in_dim3A_467 = vector.shape_cast %gt3A_466 : vector<128x1xi1> to vector<128x1xi1>
      %broadcast_in_dim3A_468 = vector.broadcast %broadcast_in_dim3A_467 : vector<128x1xi1> to vector<128x32xi1>
      %select_n3A = arith.select %broadcast_in_dim3A_468, %convert_element_type3A_463, %scan3A_416 : vector<128x32xi1>, vector<128x32xf32>
      scf.yield %select_n3A : vector<128x32xf32>
    }
    %reduce_sum3A_52 = arith.constant dense<0.000000e+00> : vector<128xf32>
    %reduce_sum3A_53 = vector.multi_reduction <add>, %scan3A_51, %reduce_sum3A_52 [1] : vector<128x32xf32> to vector<128xf32>
    %broadcast_in_dim3A_54 = vector.shape_cast %reduce_sum3A_53 : vector<128xf32> to vector<1x128xf32>
    %mul3A_55 = arith.constant 1.280000e+02 : f32
    %mul3A_56 = vector.broadcast %mul3A_55 : f32 to vector<1x128xf32>
    %mul3A_57 = arith.mulf %mul3A_56, %broadcast_in_dim3A_54 : vector<1x128xf32>
    %add3A_58 = arith.addf %mul3A_57, %convert_element_type3A_18 : vector<1x128xf32>
    %add3A_59 = arith.addf %add3A_58, %mul3A_44 : vector<1x128xf32>
    %mul3A_60 = arith.constant 1.600000e+01 : f32
    %mul3A_61 = vector.broadcast %mul3A_60 : f32 to vector<128x32xf32>
    %mul3A_62 = arith.mulf %mul3A_61, %scan3A_51 : vector<128x32xf32>
    %convert_element_type3A_63 = arith.truncf %mul3A_62 : vector<128x32xf32> to vector<128x32xbf16>
    %dot_general3A_64 = arith.constant dense<0.000000e+00> : vector<2048x128xf32>
    %dot_general3A_65 = tpu.matmul %convert_element_type3A_35, %convert_element_type3A_63, %dot_general3A_64 {dimension_numbers = #tpu.dot_dimension_numbers<[1], [1], [0], [0], [0, 0, 1, 0], [], []>, transpose_lhs_hint = false} : vector<2048x32xbf16>, vector<128x32xbf16>, vector<2048x128xf32> -> vector<2048x128xf32>
    %add3A_66 = vector.broadcast %mul3A_47 : vector<2048x1xf32> to vector<2048x128xf32>
    %add3A_67 = vector.broadcast %add3A_59 : vector<1x128xf32> to vector<2048x128xf32>
    %add3A_68 = arith.addf %add3A_66, %add3A_67 : vector<2048x128xf32>
    %sub3A = arith.subf %add3A_68, %dot_general3A_65 : vector<2048x128xf32>
    %reduce_min3A = arith.constant dense<0x7F800000> : vector<2048xf32>
    %reduce_min3A_69 = vector.multi_reduction <minimumf>, %sub3A, %reduce_min3A [1] : vector<2048x128xf32> to vector<2048xf32>
    %broadcast_in_dim3A_70 = vector.shape_cast %reduce_min3A_69 : vector<2048xf32> to vector<2048x1xf32>
    %mul3A_71 = arith.constant 7.812500e-03 : f32
    %mul3A_72 = vector.broadcast %mul3A_71 : f32 to vector<2048x1xf32>
    %mul3A_73 = arith.mulf %broadcast_in_dim3A_70, %mul3A_72 : vector<2048x1xf32>
    %floor3A_74 = math.floor %mul3A_73 : vector<2048x1xf32>
    %mul3A_75 = arith.constant 1.280000e+02 : f32
    %mul3A_76 = vector.broadcast %mul3A_75 : f32 to vector<2048x1xf32>
    %mul3A_77 = arith.mulf %mul3A_76, %floor3A_74 : vector<2048x1xf32>
    %sub3A_78 = arith.subf %broadcast_in_dim3A_70, %mul3A_77 : vector<2048x1xf32>
    %eq3A_79 = vector.broadcast %convert_element_type3A_18 : vector<1x128xf32> to vector<2048x128xf32>
    %eq3A_80 = vector.broadcast %sub3A_78 : vector<2048x1xf32> to vector<2048x128xf32>
    %eq3A_81 = arith.cmpf oeq, %eq3A_79, %eq3A_80 : vector<2048x128xf32>
    %convert_element_type3A_82 = arith.extui %eq3A_81 : vector<2048x128xi1> to vector<2048x128xi32>
    %convert_element_type3A_83 = arith.sitofp %convert_element_type3A_82 : vector<2048x128xi32> to vector<2048x128xf32>
    %convert_element_type3A_84 = arith.fptosi %sub3A_78 : vector<2048x1xf32> to vector<2048x1xi32>
    %reduce_sum3A_85 = arith.constant dense<0.000000e+00> : vector<128xf32>
    %reduce_sum3A_86 = vector.multi_reduction <add>, %convert_element_type3A_83, %reduce_sum3A_85 [0] : vector<2048x128xf32> to vector<128xf32>
    %broadcast_in_dim3A_87 = vector.shape_cast %reduce_sum3A_86 : vector<128xf32> to vector<128x1xf32>
    %max3A = arith.constant 1.000000e+00 : f32
    %max3A_88 = vector.broadcast %max3A : f32 to vector<128x1xf32>
    %max3A_89 = arith.maximumf %broadcast_in_dim3A_87, %max3A_88 : vector<128x1xf32>
    %div3A_90 = arith.constant 1.000000e+00 : f32
    %div3A_91 = vector.broadcast %div3A_90 : f32 to vector<128x1xf32>
    %div3A_92 = arith.divf %div3A_91, %max3A_89 : vector<128x1xf32>
    %dot_general3A_93 = arith.constant dense<0.000000e+00> : vector<128x64xf32>
    %dot_general3A_94 = tpu.matmul %convert_element_type3A_83, %get3A_3, %dot_general3A_93 {dimension_numbers = #tpu.dot_dimension_numbers<[0], [0], [1], [1], [0, 1, 1, 1], [], []>, precision = #tpu.contract_precision<fp32>, transpose_lhs_hint = false} : vector<2048x128xf32>, vector<2048x64xf32>, vector<128x64xf32> -> vector<128x64xf32>
    %mul3A_95 = vector.broadcast %div3A_92 : vector<128x1xf32> to vector<128x64xf32>
    %mul3A_96 = arith.mulf %dot_general3A_94, %mul3A_95 : vector<128x64xf32>
    %swap3A = arith.constant 0 : index
    %swap3A_97 = arith.constant 0 : index
    %swap3A_98 = arith.constant 0 : index
    %swap3A_99 = vector.load %arg4[%swap3A, %swap3A_97, %swap3A_98] : memref<1x128x64xf32, #tpu.memory_space<vmem>>, vector<1x128x64xf32>
    %swap3A_100 = vector.shape_cast %swap3A_99 : vector<1x128x64xf32> to vector<128x64xf32>
    %swap3A_101 = vector.shape_cast %mul3A_96 : vector<128x64xf32> to vector<1x128x64xf32>
    tpu.vector_store %arg4[%swap3A, %swap3A_97, %swap3A_98], %swap3A_101 {strides = array<i32>} : memref<1x128x64xf32, #tpu.memory_space<vmem>>, vector<1x128x64xf32>,
    %reduce_sum3A_102 = arith.constant dense<0.000000e+00> : vector<128xf32>
    %reduce_sum3A_103 = vector.multi_reduction <add>, %convert_element_type3A_83, %reduce_sum3A_102 [0] : vector<2048x128xf32> to vector<128xf32>
    %broadcast_in_dim3A_104 = vector.shape_cast %reduce_sum3A_103 : vector<128xf32> to vector<1x128xf32>
    %iota3A_105 = tpu.iota {dimensions = array<i32: 0>} : vector<128x128xi32>
    %iota3A_106 = tpu.iota {dimensions = array<i32: 1>} : vector<128x128xi32>
    %lt3A = arith.cmpi slt, %iota3A_105, %iota3A_106 : vector<128x128xi32>
    %convert_element_type3A_107 = arith.extui %lt3A : vector<128x128xi1> to vector<128x128xi32>
    %convert_element_type3A_108 = arith.sitofp %convert_element_type3A_107 : vector<128x128xi32> to vector<128x128xf32>
    %convert_element_type3A_109 = arith.truncf %convert_element_type3A_108 : vector<128x128xf32> to vector<128x128xbf16>
    %div3A_110 = arith.constant 2.560000e+02 : f32
    %div3A_111 = vector.broadcast %div3A_110 : f32 to vector<1x128xf32>
    %div3A_112 = arith.divf %broadcast_in_dim3A_104, %div3A_111 : vector<1x128xf32>
    %floor3A_113 = math.floor %div3A_112 : vector<1x128xf32>
    %mul3A_114 = arith.constant 2.560000e+02 : f32
    %mul3A_115 = vector.broadcast %mul3A_114 : f32 to vector<1x128xf32>
    %mul3A_116 = arith.mulf %mul3A_115, %floor3A_113 : vector<1x128xf32>
    %sub3A_117 = arith.subf %broadcast_in_dim3A_104, %mul3A_116 : vector<1x128xf32>
    %convert_element_type3A_118 = arith.truncf %floor3A_113 : vector<1x128xf32> to vector<1x128xbf16>
    %dot_general3A_119 = arith.constant dense<0.000000e+00> : vector<1x128xf32>
    %dot_general3A_120 = tpu.matmul %convert_element_type3A_118, %convert_element_type3A_109, %dot_general3A_119 {dimension_numbers = #tpu.dot_dimension_numbers<[1], [0], [0], [1], [0, 0, 1, 1], [], []>, transpose_lhs_hint = false} : vector<1x128xbf16>, vector<128x128xbf16>, vector<1x128xf32> -> vector<1x128xf32>
    %mul3A_121 = arith.constant 2.560000e+02 : f32
    %mul3A_122 = vector.broadcast %mul3A_121 : f32 to vector<1x128xf32>
    %mul3A_123 = arith.mulf %mul3A_122, %dot_general3A_120 : vector<1x128xf32>
    %convert_element_type3A_124 = arith.truncf %sub3A_117 : vector<1x128xf32> to vector<1x128xbf16>
    %dot_general3A_125 = arith.constant dense<0.000000e+00> : vector<1x128xf32>
    %dot_general3A_126 = tpu.matmul %convert_element_type3A_124, %convert_element_type3A_109, %dot_general3A_125 {dimension_numbers = #tpu.dot_dimension_numbers<[1], [0], [0], [1], [0, 0, 1, 1], [], []>, transpose_lhs_hint = false} : vector<1x128xbf16>, vector<128x128xbf16>, vector<1x128xf32> -> vector<1x128xf32>
    %add3A_127 = arith.addf %mul3A_123, %dot_general3A_126 : vector<1x128xf32>
    %iota3A_128 = tpu.iota {dimensions = array<i32: 0>} : vector<128x128xi32>
    %iota3A_129 = tpu.iota {dimensions = array<i32: 1>} : vector<128x128xi32>
    %gt3A_130 = arith.cmpi sgt, %iota3A_128, %iota3A_129 : vector<128x128xi32>
    %convert_element_type3A_131 = arith.extui %gt3A_130 : vector<128x128xi1> to vector<128x128xi32>
    %convert_element_type3A_132 = arith.sitofp %convert_element_type3A_131 : vector<128x128xi32> to vector<128x128xf32>
    %convert_element_type3A_133 = arith.truncf %convert_element_type3A_132 : vector<128x128xf32> to vector<128x128xbf16>
    %convert_element_type3A_134 = arith.truncf %convert_element_type3A_83 : vector<2048x128xf32> to vector<2048x128xbf16>
    %slice3A = vector.extract_strided_slice %convert_element_type3A_83 {offsets = [0, 0], sizes = [128, 128], strides = [1, 1]} : vector<2048x128xf32> to vector<128x128xf32>
    %slice3A_135 = vector.extract_strided_slice %convert_element_type3A_134 {offsets = [0, 0], sizes = [128, 128], strides = [1, 1]} : vector<2048x128xbf16> to vector<128x128xbf16>
    %dot_general3A_136 = arith.constant dense<0.000000e+00> : vector<128x128xf32>
    %dot_general3A_137 = tpu.matmul %convert_element_type3A_133, %slice3A_135, %dot_general3A_136 {dimension_numbers = #tpu.dot_dimension_numbers<[1], [0], [0], [1], [0, 0, 1, 1], [], []>, transpose_lhs_hint = false} : vector<128x128xbf16>, vector<128x128xbf16>, vector<128x128xf32> -> vector<128x128xf32>
    %add3A_138 = vector.broadcast %add3A_127 : vector<1x128xf32> to vector<128x128xf32>
    %add3A_139 = arith.addf %add3A_138, %dot_general3A_137 : vector<128x128xf32>
    %mul3A_140 = arith.mulf %slice3A, %add3A_139 : vector<128x128xf32>
    %reduce_sum3A_141 = arith.constant dense<0.000000e+00> : vector<128xf32>
    %reduce_sum3A_142 = vector.multi_reduction <add>, %mul3A_140, %reduce_sum3A_141 [1] : vector<128x128xf32> to vector<128xf32>
    %broadcast_in_dim3A_143 = vector.shape_cast %reduce_sum3A_142 : vector<128xf32> to vector<128x1xf32>
    %reduce_sum3A_144 = arith.constant dense<0.000000e+00> : vector<128xf32>
    %reduce_sum3A_145 = vector.multi_reduction <add>, %slice3A, %reduce_sum3A_144 [0] : vector<128x128xf32> to vector<128xf32>
    %broadcast_in_dim3A_146 = vector.shape_cast %reduce_sum3A_145 : vector<128xf32> to vector<1x128xf32>
    %add3A_147 = arith.addf %add3A_127, %broadcast_in_dim3A_146 : vector<1x128xf32>
    %slice3A_148 = vector.extract_strided_slice %convert_element_type3A_83 {offsets = [128, 0], sizes = [128, 128], strides = [1, 1]} : vector<2048x128xf32> to vector<128x128xf32>
    %slice3A_149 = vector.extract_strided_slice %convert_element_type3A_134 {offsets = [128, 0], sizes = [128, 128], strides = [1, 1]} : vector<2048x128xbf16> to vector<128x128xbf16>
    %dot_general3A_150 = arith.constant dense<0.000000e+00> : vector<128x128xf32>
    %dot_general3A_151 = tpu.matmul %convert_element_type3A_133, %slice3A_149, %dot_general3A_150 {dimension_numbers = #tpu.dot_dimension_numbers<[1], [0], [0], [1], [0, 0, 1, 1], [], []>, transpose_lhs_hint = false} : vector<128x128xbf16>, vector<128x128xbf16>, vector<128x128xf32> -> vector<128x128xf32>
    %add3A_152 = vector.broadcast %add3A_147 : vector<1x128xf32> to vector<128x128xf32>
    %add3A_153 = arith.addf %add3A_152, %dot_general3A_151 : vector<128x128xf32>
    %mul3A_154 = arith.mulf %slice3A_148, %add3A_153 : vector<128x128xf32>
    %reduce_sum3A_155 = arith.constant dense<0.000000e+00> : vector<128xf32>
    %reduce_sum3A_156 = vector.multi_reduction <add>, %mul3A_154, %reduce_sum3A_155 [1] : vector<128x128xf32> to vector<128xf32>
    %broadcast_in_dim3A_157 = vector.shape_cast %reduce_sum3A_156 : vector<128xf32> to vector<128x1xf32>
    %reduce_sum3A_158 = arith.constant dense<0.000000e+00> : vector<128xf32>
    %reduce_sum3A_159 = vector.multi_reduction <add>, %slice3A_148, %reduce_sum3A_158 [0] : vector<128x128xf32> to vector<128xf32>
    %broadcast_in_dim3A_160 = vector.shape_cast %reduce_sum3A_159 : vector<128xf32> to vector<1x128xf32>
    %add3A_161 = arith.addf %add3A_147, %broadcast_in_dim3A_160 : vector<1x128xf32>
    %slice3A_162 = vector.extract_strided_slice %convert_element_type3A_83 {offsets = [256, 0], sizes = [128, 128], strides = [1, 1]} : vector<2048x128xf32> to vector<128x128xf32>
    %slice3A_163 = vector.extract_strided_slice %convert_element_type3A_134 {offsets = [256, 0], sizes = [128, 128], strides = [1, 1]} : vector<2048x128xbf16> to vector<128x128xbf16>
    %dot_general3A_164 = arith.constant dense<0.000000e+00> : vector<128x128xf32>
    %dot_general3A_165 = tpu.matmul %convert_element_type3A_133, %slice3A_163, %dot_general3A_164 {dimension_numbers = #tpu.dot_dimension_numbers<[1], [0], [0], [1], [0, 0, 1, 1], [], []>, transpose_lhs_hint = false} : vector<128x128xbf16>, vector<128x128xbf16>, vector<128x128xf32> -> vector<128x128xf32>
    %add3A_166 = vector.broadcast %add3A_161 : vector<1x128xf32> to vector<128x128xf32>
    %add3A_167 = arith.addf %add3A_166, %dot_general3A_165 : vector<128x128xf32>
    %mul3A_168 = arith.mulf %slice3A_162, %add3A_167 : vector<128x128xf32>
    %reduce_sum3A_169 = arith.constant dense<0.000000e+00> : vector<128xf32>
    %reduce_sum3A_170 = vector.multi_reduction <add>, %mul3A_168, %reduce_sum3A_169 [1] : vector<128x128xf32> to vector<128xf32>
    %broadcast_in_dim3A_171 = vector.shape_cast %reduce_sum3A_170 : vector<128xf32> to vector<128x1xf32>
    %reduce_sum3A_172 = arith.constant dense<0.000000e+00> : vector<128xf32>
    %reduce_sum3A_173 = vector.multi_reduction <add>, %slice3A_162, %reduce_sum3A_172 [0] : vector<128x128xf32> to vector<128xf32>
    %broadcast_in_dim3A_174 = vector.shape_cast %reduce_sum3A_173 : vector<128xf32> to vector<1x128xf32>
    %add3A_175 = arith.addf %add3A_161, %broadcast_in_dim3A_174 : vector<1x128xf32>
    %slice3A_176 = vector.extract_strided_slice %convert_element_type3A_83 {offsets = [384, 0], sizes = [128, 128], strides = [1, 1]} : vector<2048x128xf32> to vector<128x128xf32>
    %slice3A_177 = vector.extract_strided_slice %convert_element_type3A_134 {offsets = [384, 0], sizes = [128, 128], strides = [1, 1]} : vector<2048x128xbf16> to vector<128x128xbf16>
    %dot_general3A_178 = arith.constant dense<0.000000e+00> : vector<128x128xf32>
    %dot_general3A_179 = tpu.matmul %convert_element_type3A_133, %slice3A_177, %dot_general3A_178 {dimension_numbers = #tpu.dot_dimension_numbers<[1], [0], [0], [1], [0, 0, 1, 1], [], []>, transpose_lhs_hint = false} : vector<128x128xbf16>, vector<128x128xbf16>, vector<128x128xf32> -> vector<128x128xf32>
    %add3A_180 = vector.broadcast %add3A_175 : vector<1x128xf32> to vector<128x128xf32>
    %add3A_181 = arith.addf %add3A_180, %dot_general3A_179 : vector<128x128xf32>
    %mul3A_182 = arith.mulf %slice3A_176, %add3A_181 : vector<128x128xf32>
    %reduce_sum3A_183 = arith.constant dense<0.000000e+00> : vector<128xf32>
    %reduce_sum3A_184 = vector.multi_reduction <add>, %mul3A_182, %reduce_sum3A_183 [1] : vector<128x128xf32> to vector<128xf32>
    %broadcast_in_dim3A_185 = vector.shape_cast %reduce_sum3A_184 : vector<128xf32> to vector<128x1xf32>
    %reduce_sum3A_186 = arith.constant dense<0.000000e+00> : vector<128xf32>
    %reduce_sum3A_187 = vector.multi_reduction <add>, %slice3A_176, %reduce_sum3A_186 [0] : vector<128x128xf32> to vector<128xf32>
    %broadcast_in_dim3A_188 = vector.shape_cast %reduce_sum3A_187 : vector<128xf32> to vector<1x128xf32>
    %add3A_189 = arith.addf %add3A_175, %broadcast_in_dim3A_188 : vector<1x128xf32>
    %slice3A_190 = vector.extract_strided_slice %convert_element_type3A_83 {offsets = [512, 0], sizes = [128, 128], strides = [1, 1]} : vector<2048x128xf32> to vector<128x128xf32>
    %slice3A_191 = vector.extract_strided_slice %convert_element_type3A_134 {offsets = [512, 0], sizes = [128, 128], strides = [1, 1]} : vector<2048x128xbf16> to vector<128x128xbf16>
    %dot_general3A_192 = arith.constant dense<0.000000e+00> : vector<128x128xf32>
    %dot_general3A_193 = tpu.matmul %convert_element_type3A_133, %slice3A_191, %dot_general3A_192 {dimension_numbers = #tpu.dot_dimension_numbers<[1], [0], [0], [1], [0, 0, 1, 1], [], []>, transpose_lhs_hint = false} : vector<128x128xbf16>, vector<128x128xbf16>, vector<128x128xf32> -> vector<128x128xf32>
    %add3A_194 = vector.broadcast %add3A_189 : vector<1x128xf32> to vector<128x128xf32>
    %add3A_195 = arith.addf %add3A_194, %dot_general3A_193 : vector<128x128xf32>
    %mul3A_196 = arith.mulf %slice3A_190, %add3A_195 : vector<128x128xf32>
    %reduce_sum3A_197 = arith.constant dense<0.000000e+00> : vector<128xf32>
    %reduce_sum3A_198 = vector.multi_reduction <add>, %mul3A_196, %reduce_sum3A_197 [1] : vector<128x128xf32> to vector<128xf32>
    %broadcast_in_dim3A_199 = vector.shape_cast %reduce_sum3A_198 : vector<128xf32> to vector<128x1xf32>
    %reduce_sum3A_200 = arith.constant dense<0.000000e+00> : vector<128xf32>
    %reduce_sum3A_201 = vector.multi_reduction <add>, %slice3A_190, %reduce_sum3A_200 [0] : vector<128x128xf32> to vector<128xf32>
    %broadcast_in_dim3A_202 = vector.shape_cast %reduce_sum3A_201 : vector<128xf32> to vector<1x128xf32>
    %add3A_203 = arith.addf %add3A_189, %broadcast_in_dim3A_202 : vector<1x128xf32>
    %slice3A_204 = vector.extract_strided_slice %convert_element_type3A_83 {offsets = [640, 0], sizes = [128, 128], strides = [1, 1]} : vector<2048x128xf32> to vector<128x128xf32>
    %slice3A_205 = vector.extract_strided_slice %convert_element_type3A_134 {offsets = [640, 0], sizes = [128, 128], strides = [1, 1]} : vector<2048x128xbf16> to vector<128x128xbf16>
    %dot_general3A_206 = arith.constant dense<0.000000e+00> : vector<128x128xf32>
    %dot_general3A_207 = tpu.matmul %convert_element_type3A_133, %slice3A_205, %dot_general3A_206 {dimension_numbers = #tpu.dot_dimension_numbers<[1], [0], [0], [1], [0, 0, 1, 1], [], []>, transpose_lhs_hint = false} : vector<128x128xbf16>, vector<128x128xbf16>, vector<128x128xf32> -> vector<128x128xf32>
    %add3A_208 = vector.broadcast %add3A_203 : vector<1x128xf32> to vector<128x128xf32>
    %add3A_209 = arith.addf %add3A_208, %dot_general3A_207 : vector<128x128xf32>
    %mul3A_210 = arith.mulf %slice3A_204, %add3A_209 : vector<128x128xf32>
    %reduce_sum3A_211 = arith.constant dense<0.000000e+00> : vector<128xf32>
    %reduce_sum3A_212 = vector.multi_reduction <add>, %mul3A_210, %reduce_sum3A_211 [1] : vector<128x128xf32> to vector<128xf32>
    %broadcast_in_dim3A_213 = vector.shape_cast %reduce_sum3A_212 : vector<128xf32> to vector<128x1xf32>
    %reduce_sum3A_214 = arith.constant dense<0.000000e+00> : vector<128xf32>
    %reduce_sum3A_215 = vector.multi_reduction <add>, %slice3A_204, %reduce_sum3A_214 [0] : vector<128x128xf32> to vector<128xf32>
    %broadcast_in_dim3A_216 = vector.shape_cast %reduce_sum3A_215 : vector<128xf32> to vector<1x128xf32>
    %add3A_217 = arith.addf %add3A_203, %broadcast_in_dim3A_216 : vector<1x128xf32>
    %slice3A_218 = vector.extract_strided_slice %convert_element_type3A_83 {offsets = [768, 0], sizes = [128, 128], strides = [1, 1]} : vector<2048x128xf32> to vector<128x128xf32>
    %slice3A_219 = vector.extract_strided_slice %convert_element_type3A_134 {offsets = [768, 0], sizes = [128, 128], strides = [1, 1]} : vector<2048x128xbf16> to vector<128x128xbf16>
    %dot_general3A_220 = arith.constant dense<0.000000e+00> : vector<128x128xf32>
    %dot_general3A_221 = tpu.matmul %convert_element_type3A_133, %slice3A_219, %dot_general3A_220 {dimension_numbers = #tpu.dot_dimension_numbers<[1], [0], [0], [1], [0, 0, 1, 1], [], []>, transpose_lhs_hint = false} : vector<128x128xbf16>, vector<128x128xbf16>, vector<128x128xf32> -> vector<128x128xf32>
    %add3A_222 = vector.broadcast %add3A_217 : vector<1x128xf32> to vector<128x128xf32>
    %add3A_223 = arith.addf %add3A_222, %dot_general3A_221 : vector<128x128xf32>
    %mul3A_224 = arith.mulf %slice3A_218, %add3A_223 : vector<128x128xf32>
    %reduce_sum3A_225 = arith.constant dense<0.000000e+00> : vector<128xf32>
    %reduce_sum3A_226 = vector.multi_reduction <add>, %mul3A_224, %reduce_sum3A_225 [1] : vector<128x128xf32> to vector<128xf32>
    %broadcast_in_dim3A_227 = vector.shape_cast %reduce_sum3A_226 : vector<128xf32> to vector<128x1xf32>
    %reduce_sum3A_228 = arith.constant dense<0.000000e+00> : vector<128xf32>
    %reduce_sum3A_229 = vector.multi_reduction <add>, %slice3A_218, %reduce_sum3A_228 [0] : vector<128x128xf32> to vector<128xf32>
    %broadcast_in_dim3A_230 = vector.shape_cast %reduce_sum3A_229 : vector<128xf32> to vector<1x128xf32>
    %add3A_231 = arith.addf %add3A_217, %broadcast_in_dim3A_230 : vector<1x128xf32>
    %slice3A_232 = vector.extract_strided_slice %convert_element_type3A_83 {offsets = [896, 0], sizes = [128, 128], strides = [1, 1]} : vector<2048x128xf32> to vector<128x128xf32>
    %slice3A_233 = vector.extract_strided_slice %convert_element_type3A_134 {offsets = [896, 0], sizes = [128, 128], strides = [1, 1]} : vector<2048x128xbf16> to vector<128x128xbf16>
    %dot_general3A_234 = arith.constant dense<0.000000e+00> : vector<128x128xf32>
    %dot_general3A_235 = tpu.matmul %convert_element_type3A_133, %slice3A_233, %dot_general3A_234 {dimension_numbers = #tpu.dot_dimension_numbers<[1], [0], [0], [1], [0, 0, 1, 1], [], []>, transpose_lhs_hint = false} : vector<128x128xbf16>, vector<128x128xbf16>, vector<128x128xf32> -> vector<128x128xf32>
    %add3A_236 = vector.broadcast %add3A_231 : vector<1x128xf32> to vector<128x128xf32>
    %add3A_237 = arith.addf %add3A_236, %dot_general3A_235 : vector<128x128xf32>
    %mul3A_238 = arith.mulf %slice3A_232, %add3A_237 : vector<128x128xf32>
    %reduce_sum3A_239 = arith.constant dense<0.000000e+00> : vector<128xf32>
    %reduce_sum3A_240 = vector.multi_reduction <add>, %mul3A_238, %reduce_sum3A_239 [1] : vector<128x128xf32> to vector<128xf32>
    %broadcast_in_dim3A_241 = vector.shape_cast %reduce_sum3A_240 : vector<128xf32> to vector<128x1xf32>
    %reduce_sum3A_242 = arith.constant dense<0.000000e+00> : vector<128xf32>
    %reduce_sum3A_243 = vector.multi_reduction <add>, %slice3A_232, %reduce_sum3A_242 [0] : vector<128x128xf32> to vector<128xf32>
    %broadcast_in_dim3A_244 = vector.shape_cast %reduce_sum3A_243 : vector<128xf32> to vector<1x128xf32>
    %add3A_245 = arith.addf %add3A_231, %broadcast_in_dim3A_244 : vector<1x128xf32>
    %slice3A_246 = vector.extract_strided_slice %convert_element_type3A_83 {offsets = [1024, 0], sizes = [128, 128], strides = [1, 1]} : vector<2048x128xf32> to vector<128x128xf32>
    %slice3A_247 = vector.extract_strided_slice %convert_element_type3A_134 {offsets = [1024, 0], sizes = [128, 128], strides = [1, 1]} : vector<2048x128xbf16> to vector<128x128xbf16>
    %dot_general3A_248 = arith.constant dense<0.000000e+00> : vector<128x128xf32>
    %dot_general3A_249 = tpu.matmul %convert_element_type3A_133, %slice3A_247, %dot_general3A_248 {dimension_numbers = #tpu.dot_dimension_numbers<[1], [0], [0], [1], [0, 0, 1, 1], [], []>, transpose_lhs_hint = false} : vector<128x128xbf16>, vector<128x128xbf16>, vector<128x128xf32> -> vector<128x128xf32>
    %add3A_250 = vector.broadcast %add3A_245 : vector<1x128xf32> to vector<128x128xf32>
    %add3A_251 = arith.addf %add3A_250, %dot_general3A_249 : vector<128x128xf32>
    %mul3A_252 = arith.mulf %slice3A_246, %add3A_251 : vector<128x128xf32>
    %reduce_sum3A_253 = arith.constant dense<0.000000e+00> : vector<128xf32>
    %reduce_sum3A_254 = vector.multi_reduction <add>, %mul3A_252, %reduce_sum3A_253 [1] : vector<128x128xf32> to vector<128xf32>
    %broadcast_in_dim3A_255 = vector.shape_cast %reduce_sum3A_254 : vector<128xf32> to vector<128x1xf32>
    %reduce_sum3A_256 = arith.constant dense<0.000000e+00> : vector<128xf32>
    %reduce_sum3A_257 = vector.multi_reduction <add>, %slice3A_246, %reduce_sum3A_256 [0] : vector<128x128xf32> to vector<128xf32>
    %broadcast_in_dim3A_258 = vector.shape_cast %reduce_sum3A_257 : vector<128xf32> to vector<1x128xf32>
    %add3A_259 = arith.addf %add3A_245, %broadcast_in_dim3A_258 : vector<1x128xf32>
    %slice3A_260 = vector.extract_strided_slice %convert_element_type3A_83 {offsets = [1152, 0], sizes = [128, 128], strides = [1, 1]} : vector<2048x128xf32> to vector<128x128xf32>
    %slice3A_261 = vector.extract_strided_slice %convert_element_type3A_134 {offsets = [1152, 0], sizes = [128, 128], strides = [1, 1]} : vector<2048x128xbf16> to vector<128x128xbf16>
    %dot_general3A_262 = arith.constant dense<0.000000e+00> : vector<128x128xf32>
    %dot_general3A_263 = tpu.matmul %convert_element_type3A_133, %slice3A_261, %dot_general3A_262 {dimension_numbers = #tpu.dot_dimension_numbers<[1], [0], [0], [1], [0, 0, 1, 1], [], []>, transpose_lhs_hint = false} : vector<128x128xbf16>, vector<128x128xbf16>, vector<128x128xf32> -> vector<128x128xf32>
    %add3A_264 = vector.broadcast %add3A_259 : vector<1x128xf32> to vector<128x128xf32>
    %add3A_265 = arith.addf %add3A_264, %dot_general3A_263 : vector<128x128xf32>
    %mul3A_266 = arith.mulf %slice3A_260, %add3A_265 : vector<128x128xf32>
    %reduce_sum3A_267 = arith.constant dense<0.000000e+00> : vector<128xf32>
    %reduce_sum3A_268 = vector.multi_reduction <add>, %mul3A_266, %reduce_sum3A_267 [1] : vector<128x128xf32> to vector<128xf32>
    %broadcast_in_dim3A_269 = vector.shape_cast %reduce_sum3A_268 : vector<128xf32> to vector<128x1xf32>
    %reduce_sum3A_270 = arith.constant dense<0.000000e+00> : vector<128xf32>
    %reduce_sum3A_271 = vector.multi_reduction <add>, %slice3A_260, %reduce_sum3A_270 [0] : vector<128x128xf32> to vector<128xf32>
    %broadcast_in_dim3A_272 = vector.shape_cast %reduce_sum3A_271 : vector<128xf32> to vector<1x128xf32>
    %add3A_273 = arith.addf %add3A_259, %broadcast_in_dim3A_272 : vector<1x128xf32>
    %slice3A_274 = vector.extract_strided_slice %convert_element_type3A_83 {offsets = [1280, 0], sizes = [128, 128], strides = [1, 1]} : vector<2048x128xf32> to vector<128x128xf32>
    %slice3A_275 = vector.extract_strided_slice %convert_element_type3A_134 {offsets = [1280, 0], sizes = [128, 128], strides = [1, 1]} : vector<2048x128xbf16> to vector<128x128xbf16>
    %dot_general3A_276 = arith.constant dense<0.000000e+00> : vector<128x128xf32>
    %dot_general3A_277 = tpu.matmul %convert_element_type3A_133, %slice3A_275, %dot_general3A_276 {dimension_numbers = #tpu.dot_dimension_numbers<[1], [0], [0], [1], [0, 0, 1, 1], [], []>, transpose_lhs_hint = false} : vector<128x128xbf16>, vector<128x128xbf16>, vector<128x128xf32> -> vector<128x128xf32>
    %add3A_278 = vector.broadcast %add3A_273 : vector<1x128xf32> to vector<128x128xf32>
    %add3A_279 = arith.addf %add3A_278, %dot_general3A_277 : vector<128x128xf32>
    %mul3A_280 = arith.mulf %slice3A_274, %add3A_279 : vector<128x128xf32>
    %reduce_sum3A_281 = arith.constant dense<0.000000e+00> : vector<128xf32>
    %reduce_sum3A_282 = vector.multi_reduction <add>, %mul3A_280, %reduce_sum3A_281 [1] : vector<128x128xf32> to vector<128xf32>
    %broadcast_in_dim3A_283 = vector.shape_cast %reduce_sum3A_282 : vector<128xf32> to vector<128x1xf32>
    %reduce_sum3A_284 = arith.constant dense<0.000000e+00> : vector<128xf32>
    %reduce_sum3A_285 = vector.multi_reduction <add>, %slice3A_274, %reduce_sum3A_284 [0] : vector<128x128xf32> to vector<128xf32>
    %broadcast_in_dim3A_286 = vector.shape_cast %reduce_sum3A_285 : vector<128xf32> to vector<1x128xf32>
    %add3A_287 = arith.addf %add3A_273, %broadcast_in_dim3A_286 : vector<1x128xf32>
    %slice3A_288 = vector.extract_strided_slice %convert_element_type3A_83 {offsets = [1408, 0], sizes = [128, 128], strides = [1, 1]} : vector<2048x128xf32> to vector<128x128xf32>
    %slice3A_289 = vector.extract_strided_slice %convert_element_type3A_134 {offsets = [1408, 0], sizes = [128, 128], strides = [1, 1]} : vector<2048x128xbf16> to vector<128x128xbf16>
    %dot_general3A_290 = arith.constant dense<0.000000e+00> : vector<128x128xf32>
    %dot_general3A_291 = tpu.matmul %convert_element_type3A_133, %slice3A_289, %dot_general3A_290 {dimension_numbers = #tpu.dot_dimension_numbers<[1], [0], [0], [1], [0, 0, 1, 1], [], []>, transpose_lhs_hint = false} : vector<128x128xbf16>, vector<128x128xbf16>, vector<128x128xf32> -> vector<128x128xf32>
    %add3A_292 = vector.broadcast %add3A_287 : vector<1x128xf32> to vector<128x128xf32>
    %add3A_293 = arith.addf %add3A_292, %dot_general3A_291 : vector<128x128xf32>
    %mul3A_294 = arith.mulf %slice3A_288, %add3A_293 : vector<128x128xf32>
    %reduce_sum3A_295 = arith.constant dense<0.000000e+00> : vector<128xf32>
    %reduce_sum3A_296 = vector.multi_reduction <add>, %mul3A_294, %reduce_sum3A_295 [1] : vector<128x128xf32> to vector<128xf32>
    %broadcast_in_dim3A_297 = vector.shape_cast %reduce_sum3A_296 : vector<128xf32> to vector<128x1xf32>
    %reduce_sum3A_298 = arith.constant dense<0.000000e+00> : vector<128xf32>
    %reduce_sum3A_299 = vector.multi_reduction <add>, %slice3A_288, %reduce_sum3A_298 [0] : vector<128x128xf32> to vector<128xf32>
    %broadcast_in_dim3A_300 = vector.shape_cast %reduce_sum3A_299 : vector<128xf32> to vector<1x128xf32>
    %add3A_301 = arith.addf %add3A_287, %broadcast_in_dim3A_300 : vector<1x128xf32>
    %slice3A_302 = vector.extract_strided_slice %convert_element_type3A_83 {offsets = [1536, 0], sizes = [128, 128], strides = [1, 1]} : vector<2048x128xf32> to vector<128x128xf32>
    %slice3A_303 = vector.extract_strided_slice %convert_element_type3A_134 {offsets = [1536, 0], sizes = [128, 128], strides = [1, 1]} : vector<2048x128xbf16> to vector<128x128xbf16>
    %dot_general3A_304 = arith.constant dense<0.000000e+00> : vector<128x128xf32>
    %dot_general3A_305 = tpu.matmul %convert_element_type3A_133, %slice3A_303, %dot_general3A_304 {dimension_numbers = #tpu.dot_dimension_numbers<[1], [0], [0], [1], [0, 0, 1, 1], [], []>, transpose_lhs_hint = false} : vector<128x128xbf16>, vector<128x128xbf16>, vector<128x128xf32> -> vector<128x128xf32>
    %add3A_306 = vector.broadcast %add3A_301 : vector<1x128xf32> to vector<128x128xf32>
    %add3A_307 = arith.addf %add3A_306, %dot_general3A_305 : vector<128x128xf32>
    %mul3A_308 = arith.mulf %slice3A_302, %add3A_307 : vector<128x128xf32>
    %reduce_sum3A_309 = arith.constant dense<0.000000e+00> : vector<128xf32>
    %reduce_sum3A_310 = vector.multi_reduction <add>, %mul3A_308, %reduce_sum3A_309 [1] : vector<128x128xf32> to vector<128xf32>
    %broadcast_in_dim3A_311 = vector.shape_cast %reduce_sum3A_310 : vector<128xf32> to vector<128x1xf32>
    %reduce_sum3A_312 = arith.constant dense<0.000000e+00> : vector<128xf32>
    %reduce_sum3A_313 = vector.multi_reduction <add>, %slice3A_302, %reduce_sum3A_312 [0] : vector<128x128xf32> to vector<128xf32>
    %broadcast_in_dim3A_314 = vector.shape_cast %reduce_sum3A_313 : vector<128xf32> to vector<1x128xf32>
    %add3A_315 = arith.addf %add3A_301, %broadcast_in_dim3A_314 : vector<1x128xf32>
    %slice3A_316 = vector.extract_strided_slice %convert_element_type3A_83 {offsets = [1664, 0], sizes = [128, 128], strides = [1, 1]} : vector<2048x128xf32> to vector<128x128xf32>
    %slice3A_317 = vector.extract_strided_slice %convert_element_type3A_134 {offsets = [1664, 0], sizes = [128, 128], strides = [1, 1]} : vector<2048x128xbf16> to vector<128x128xbf16>
    %dot_general3A_318 = arith.constant dense<0.000000e+00> : vector<128x128xf32>
    %dot_general3A_319 = tpu.matmul %convert_element_type3A_133, %slice3A_317, %dot_general3A_318 {dimension_numbers = #tpu.dot_dimension_numbers<[1], [0], [0], [1], [0, 0, 1, 1], [], []>, transpose_lhs_hint = false} : vector<128x128xbf16>, vector<128x128xbf16>, vector<128x128xf32> -> vector<128x128xf32>
    %add3A_320 = vector.broadcast %add3A_315 : vector<1x128xf32> to vector<128x128xf32>
    %add3A_321 = arith.addf %add3A_320, %dot_general3A_319 : vector<128x128xf32>
    %mul3A_322 = arith.mulf %slice3A_316, %add3A_321 : vector<128x128xf32>
    %reduce_sum3A_323 = arith.constant dense<0.000000e+00> : vector<128xf32>
    %reduce_sum3A_324 = vector.multi_reduction <add>, %mul3A_322, %reduce_sum3A_323 [1] : vector<128x128xf32> to vector<128xf32>
    %broadcast_in_dim3A_325 = vector.shape_cast %reduce_sum3A_324 : vector<128xf32> to vector<128x1xf32>
    %reduce_sum3A_326 = arith.constant dense<0.000000e+00> : vector<128xf32>
    %reduce_sum3A_327 = vector.multi_reduction <add>, %slice3A_316, %reduce_sum3A_326 [0] : vector<128x128xf32> to vector<128xf32>
    %broadcast_in_dim3A_328 = vector.shape_cast %reduce_sum3A_327 : vector<128xf32> to vector<1x128xf32>
    %add3A_329 = arith.addf %add3A_315, %broadcast_in_dim3A_328 : vector<1x128xf32>
    %slice3A_330 = vector.extract_strided_slice %convert_element_type3A_83 {offsets = [1792, 0], sizes = [128, 128], strides = [1, 1]} : vector<2048x128xf32> to vector<128x128xf32>
    %slice3A_331 = vector.extract_strided_slice %convert_element_type3A_134 {offsets = [1792, 0], sizes = [128, 128], strides = [1, 1]} : vector<2048x128xbf16> to vector<128x128xbf16>
    %dot_general3A_332 = arith.constant dense<0.000000e+00> : vector<128x128xf32>
    %dot_general3A_333 = tpu.matmul %convert_element_type3A_133, %slice3A_331, %dot_general3A_332 {dimension_numbers = #tpu.dot_dimension_numbers<[1], [0], [0], [1], [0, 0, 1, 1], [], []>, transpose_lhs_hint = false} : vector<128x128xbf16>, vector<128x128xbf16>, vector<128x128xf32> -> vector<128x128xf32>
    %add3A_334 = vector.broadcast %add3A_329 : vector<1x128xf32> to vector<128x128xf32>
    %add3A_335 = arith.addf %add3A_334, %dot_general3A_333 : vector<128x128xf32>
    %mul3A_336 = arith.mulf %slice3A_330, %add3A_335 : vector<128x128xf32>
    %reduce_sum3A_337 = arith.constant dense<0.000000e+00> : vector<128xf32>
    %reduce_sum3A_338 = vector.multi_reduction <add>, %mul3A_336, %reduce_sum3A_337 [1] : vector<128x128xf32> to vector<128xf32>
    %broadcast_in_dim3A_339 = vector.shape_cast %reduce_sum3A_338 : vector<128xf32> to vector<128x1xf32>
    %reduce_sum3A_340 = arith.constant dense<0.000000e+00> : vector<128xf32>
    %reduce_sum3A_341 = vector.multi_reduction <add>, %slice3A_330, %reduce_sum3A_340 [0] : vector<128x128xf32> to vector<128xf32>
    %broadcast_in_dim3A_342 = vector.shape_cast %reduce_sum3A_341 : vector<128xf32> to vector<1x128xf32>
    %add3A_343 = arith.addf %add3A_329, %broadcast_in_dim3A_342 : vector<1x128xf32>
    %slice3A_344 = vector.extract_strided_slice %convert_element_type3A_83 {offsets = [1920, 0], sizes = [128, 128], strides = [1, 1]} : vector<2048x128xf32> to vector<128x128xf32>
    %slice3A_345 = vector.extract_strided_slice %convert_element_type3A_134 {offsets = [1920, 0], sizes = [128, 128], strides = [1, 1]} : vector<2048x128xbf16> to vector<128x128xbf16>
    %dot_general3A_346 = arith.constant dense<0.000000e+00> : vector<128x128xf32>
    %dot_general3A_347 = tpu.matmul %convert_element_type3A_133, %slice3A_345, %dot_general3A_346 {dimension_numbers = #tpu.dot_dimension_numbers<[1], [0], [0], [1], [0, 0, 1, 1], [], []>, transpose_lhs_hint = false} : vector<128x128xbf16>, vector<128x128xbf16>, vector<128x128xf32> -> vector<128x128xf32>
    %add3A_348 = vector.broadcast %add3A_343 : vector<1x128xf32> to vector<128x128xf32>
    %add3A_349 = arith.addf %add3A_348, %dot_general3A_347 : vector<128x128xf32>
    %mul3A_350 = arith.mulf %slice3A_344, %add3A_349 : vector<128x128xf32>
    %reduce_sum3A_351 = arith.constant dense<0.000000e+00> : vector<128xf32>
    %reduce_sum3A_352 = vector.multi_reduction <add>, %mul3A_350, %reduce_sum3A_351 [1] : vector<128x128xf32> to vector<128xf32>
    %broadcast_in_dim3A_353 = vector.shape_cast %reduce_sum3A_352 : vector<128xf32> to vector<128x1xf32>
    %concatenate3A = tpu.concatenate %broadcast_in_dim3A_143, %broadcast_in_dim3A_157, %broadcast_in_dim3A_171, %broadcast_in_dim3A_185, %broadcast_in_dim3A_199, %broadcast_in_dim3A_213, %broadcast_in_dim3A_227, %broadcast_in_dim3A_241, %broadcast_in_dim3A_255, %broadcast_in_dim3A_269, %broadcast_in_dim3A_283, %broadcast_in_dim3A_297, %broadcast_in_dim3A_311, %broadcast_in_dim3A_325, %broadcast_in_dim3A_339, %broadcast_in_dim3A_353 in 0 : vector<128x1xf32>, vector<128x1xf32>, vector<128x1xf32>, vector<128x1xf32>, vector<128x1xf32>, vector<128x1xf32>, vector<128x1xf32>, vector<128x1xf32>, vector<128x1xf32>, vector<128x1xf32>, vector<128x1xf32>, vector<128x1xf32>, vector<128x1xf32>, vector<128x1xf32>, vector<128x1xf32>, vector<128x1xf32> -> vector<2048x1xf32>
    %convert_element_type3A_354 = arith.fptosi %concatenate3A : vector<2048x1xf32> to vector<2048x1xi32>
    %swap3A_355 = arith.constant 0 : index
    %swap3A_356 = arith.constant 0 : index
    %swap3A_357 = arith.constant 0 : index
    %swap3A_358 = vector.load %arg5[%swap3A_355, %swap3A_356, %swap3A_357] : memref<1x2048x1xi32, #tpu.memory_space<vmem>>, vector<1x2048x1xi32>
    %swap3A_359 = vector.shape_cast %swap3A_358 : vector<1x2048x1xi32> to vector<2048x1xi32>
    %swap3A_360 = vector.shape_cast %convert_element_type3A_354 : vector<2048x1xi32> to vector<1x2048x1xi32>
    tpu.vector_store %arg5[%swap3A_355, %swap3A_356, %swap3A_357], %swap3A_360 {strides = array<i32>} : memref<1x2048x1xi32, #tpu.memory_space<vmem>>, vector<1x2048x1xi32>,
    %iota3A_361 = tpu.iota {dimensions = array<i32: 1>} : vector<2048x2048xi32>
    %convert_element_type3A_362 = arith.fptosi %concatenate3A : vector<2048x1xf32> to vector<2048x1xi32>
    %eq3A_363 = vector.broadcast %convert_element_type3A_362 : vector<2048x1xi32> to vector<2048x2048xi32>
    %eq3A_364 = arith.cmpi eq, %iota3A_361, %eq3A_363 : vector<2048x2048xi32>
    %convert_element_type3A_365 = arith.extui %eq3A_364 : vector<2048x2048xi1> to vector<2048x2048xi32>
    %convert_element_type3A_366 = arith.sitofp %convert_element_type3A_365 : vector<2048x2048xi32> to vector<2048x2048xf32>
    %convert_element_type3A_367 = arith.truncf %convert_element_type3A_366 : vector<2048x2048xf32> to vector<2048x2048xbf16>
    %convert_element_type3A_368 = arith.truncf %get3A_3 : vector<2048x64xf32> to vector<2048x64xbf16>
    %dot_general3A_369 = arith.constant dense<0.000000e+00> : vector<2048x64xf32>
    %dot_general3A_370 = tpu.matmul %convert_element_type3A_367, %convert_element_type3A_368, %dot_general3A_369 {dimension_numbers = #tpu.dot_dimension_numbers<[0], [0], [1], [1], [0, 1, 1, 1], [], []>, transpose_lhs_hint = false} : vector<2048x2048xbf16>, vector<2048x64xbf16>, vector<2048x64xf32> -> vector<2048x64xf32>
    %convert_element_type3A_371 = arith.truncf %dot_general3A_370 : vector<2048x64xf32> to vector<2048x64xbf16>
    %swap3A_372 = arith.constant 0 : index
    %swap3A_373 = arith.constant 0 : index
    %swap3A_374 = arith.constant 0 : index
    %swap3A_375 = vector.load %arg6[%swap3A_372, %swap3A_373, %swap3A_374] : memref<1x2048x64xbf16, #tpu.memory_space<vmem>>, vector<1x2048x64xbf16>
    %swap3A_376 = vector.shape_cast %swap3A_375 : vector<1x2048x64xbf16> to vector<2048x64xbf16>
    %swap3A_377 = vector.shape_cast %convert_element_type3A_371 : vector<2048x64xbf16> to vector<1x2048x64xbf16>
    tpu.vector_store %arg6[%swap3A_372, %swap3A_373, %swap3A_374], %swap3A_377 {strides = array<i32>} : memref<1x2048x64xbf16, #tpu.memory_space<vmem>>, vector<1x2048x64xbf16>,
    %iota3A_378 = tpu.iota {dimensions = array<i32: 0>} : vector<2048x1xi32>
    %convert_element_type3A_379 = arith.sitofp %iota3A_378 : vector<2048x1xi32> to vector<2048x1xf32>
    %div3A_380 = arith.constant 2.560000e+02 : f32
    %div3A_381 = vector.broadcast %div3A_380 : f32 to vector<2048x1xf32>
    %div3A_382 = arith.divf %convert_element_type3A_379, %div3A_381 : vector<2048x1xf32>
    %floor3A_383 = math.floor %div3A_382 : vector<2048x1xf32>
    %mul3A_384 = arith.constant 2.560000e+02 : f32
    %mul3A_385 = vector.broadcast %mul3A_384 : f32 to vector<2048x1xf32>
    %mul3A_386 = arith.mulf %mul3A_385, %floor3A_383 : vector<2048x1xf32>
    %sub3A_387 = arith.subf %convert_element_type3A_379, %mul3A_386 : vector<2048x1xf32>
    %convert_element_type3A_388 = arith.truncf %floor3A_383 : vector<2048x1xf32> to vector<2048x1xbf16>
    %dot_general3A_389 = arith.constant dense<0.000000e+00> : vector<2048x1xf32>
    %dot_general3A_390 = tpu.matmul %convert_element_type3A_367, %convert_element_type3A_388, %dot_general3A_389 {dimension_numbers = #tpu.dot_dimension_numbers<[0], [0], [1], [1], [0, 1, 1, 1], [], []>, transpose_lhs_hint = false} : vector<2048x2048xbf16>, vector<2048x1xbf16>, vector<2048x1xf32> -> vector<2048x1xf32>
    %mul3A_391 = arith.constant 2.560000e+02 : f32
    %mul3A_392 = vector.broadcast %mul3A_391 : f32 to vector<2048x1xf32>
    %mul3A_393 = arith.mulf %mul3A_392, %dot_general3A_390 : vector<2048x1xf32>
    %convert_element_type3A_394 = arith.truncf %sub3A_387 : vector<2048x1xf32> to vector<2048x1xbf16>
    %dot_general3A_395 = arith.constant dense<0.000000e+00> : vector<2048x1xf32>
    %dot_general3A_396 = tpu.matmul %convert_element_type3A_367, %convert_element_type3A_394, %dot_general3A_395 {dimension_numbers = #tpu.dot_dimension_numbers<[0], [0], [1], [1], [0, 1, 1, 1], [], []>, transpose_lhs_hint = false} : vector<2048x2048xbf16>, vector<2048x1xbf16>, vector<2048x1xf32> -> vector<2048x1xf32>
    %add3A_397 = arith.addf %mul3A_393, %dot_general3A_396 : vector<2048x1xf32>
    %convert_element_type3A_398 = arith.fptosi %add3A_397 : vector<2048x1xf32> to vector<2048x1xi32>
    %swap3A_399 = arith.constant 0 : index
    %swap3A_400 = arith.constant 0 : index
    %swap3A_401 = arith.constant 0 : index
    %swap3A_402 = vector.load %arg7[%swap3A_399, %swap3A_400, %swap3A_401] : memref<1x2048x1xi32, #tpu.memory_space<vmem>>, vector<1x2048x1xi32>
    %swap3A_403 = vector.shape_cast %swap3A_402 : vector<1x2048x1xi32> to vector<2048x1xi32>
    %swap3A_404 = vector.shape_cast %convert_element_type3A_398 : vector<2048x1xi32> to vector<1x2048x1xi32>
    tpu.vector_store %arg7[%swap3A_399, %swap3A_400, %swap3A_401], %swap3A_404 {strides = array<i32>} : memref<1x2048x1xi32, #tpu.memory_space<vmem>>, vector<1x2048x1xi32>,
    %convert_element_type3A_405 = arith.sitofp %convert_element_type3A_84 : vector<2048x1xi32> to vector<2048x1xbf16>
    %dot_general3A_406 = arith.constant dense<0.000000e+00> : vector<2048x1xf32>
    %dot_general3A_407 = tpu.matmul %convert_element_type3A_367, %convert_element_type3A_405, %dot_general3A_406 {dimension_numbers = #tpu.dot_dimension_numbers<[0], [0], [1], [1], [0, 1, 1, 1], [], []>, transpose_lhs_hint = false} : vector<2048x2048xbf16>, vector<2048x1xbf16>, vector<2048x1xf32> -> vector<2048x1xf32>
    %convert_element_type3A_408 = arith.fptosi %dot_general3A_407 : vector<2048x1xf32> to vector<2048x1xi32>
    %swap3A_409 = arith.constant 0 : index
    %swap3A_410 = arith.constant 0 : index
    %swap3A_411 = arith.constant 0 : index
    %swap3A_412 = vector.load %arg8[%swap3A_409, %swap3A_410, %swap3A_411] : memref<1x2048x1xi32, #tpu.memory_space<vmem>>, vector<1x2048x1xi32>
    %swap3A_413 = vector.shape_cast %swap3A_412 : vector<1x2048x1xi32> to vector<2048x1xi32>
    %swap3A_414 = vector.shape_cast %convert_element_type3A_408 : vector<2048x1xi32> to vector<1x2048x1xi32>
    tpu.vector_store %arg8[%swap3A_409, %swap3A_410, %swap3A_411], %swap3A_414 {strides = array<i32>} : memref<1x2048x1xi32, #tpu.memory_space<vmem>>, vector<1x2048x1xi32>,
    return
  }
  func.func @transform_0(%arg0: i32) -> (i32, i32, i32) {
    %c0_i32 = arith.constant 0 : i32
    %c0_i32_0 = arith.constant 0 : i32
    %c0_i32_1 = arith.constant 0 : i32
    return %arg0, %c0_i32, %c0_i32_0 : i32, i32, i32
  }
  func.func @transform_1(%arg0: i32) -> (i32, i32) {
    %c0_i32 = arith.constant 0 : i32
    %c0_i32_0 = arith.constant 0 : i32
    %c0_i32_1 = arith.constant 0 : i32
    return %c0_i32, %c0_i32_0 : i32, i32
  }
  func.func @transform_2(%arg0: i32) -> (i32, i32) {
    %c0_i32 = arith.constant 0 : i32
    %c0_i32_0 = arith.constant 0 : i32
    %c0_i32_1 = arith.constant 0 : i32
    return %c0_i32, %c0_i32_0 : i32, i32
  }
  func.func @transform_3(%arg0: i32) -> (i32, i32, i32) {
    %c0_i32 = arith.constant 0 : i32
    %c0_i32_0 = arith.constant 0 : i32
    %c0_i32_1 = arith.constant 0 : i32
    return %arg0, %c0_i32, %c0_i32_0 : i32, i32, i32
  }
  func.func @transform_4(%arg0: i32) -> (i32, i32, i32) {
    %c0_i32 = arith.constant 0 : i32
    %c0_i32_0 = arith.constant 0 : i32
    %c0_i32_1 = arith.constant 0 : i32
    return %arg0, %c0_i32, %c0_i32_0 : i32, i32, i32
  }
  func.func @transform_5(%arg0: i32) -> (i32, i32, i32) {
    %c0_i32 = arith.constant 0 : i32
    %c0_i32_0 = arith.constant 0 : i32
    %c0_i32_1 = arith.constant 0 : i32
    return %arg0, %c0_i32, %c0_i32_0 : i32, i32, i32
  }
  func.func @transform_6(%arg0: i32) -> (i32, i32, i32) {
    %c0_i32 = arith.constant 0 : i32
    %c0_i32_0 = arith.constant 0 : i32
    %c0_i32_1 = arith.constant 0 : i32
    return %arg0, %c0_i32, %c0_i32_0 : i32, i32, i32
  }
  func.func @transform_7(%arg0: i32) -> (i32, i32, i32) {
    %c0_i32 = arith.constant 0 : i32
    %c0_i32_0 = arith.constant 0 : i32
    %c0_i32_1 = arith.constant 0 : i32
    return %arg0, %c0_i32, %c0_i32_0 : i32, i32, i32
  }
}

module attributes {stable_mosaic.version = 14 : i64} {
  func.func @_topk_kernel(%arg0: i32, %arg1: memref<1x128x64xf32, #tpu.memory_space<vmem>>, %arg2: memref<1x2048x64xf32, #tpu.memory_space<vmem>>, %arg3: memref<1x2048x64xf32, #tpu.memory_space<vmem>>, %arg4: memref<8x2048xf32, #tpu.memory_space<vmem>>, %arg5: memref<1x128x32xi32, #tpu.memory_space<vmem>>, %arg6: memref<1x32x128x64xbf16, #tpu.memory_space<vmem>>, %arg7: memref<1x32x128x64xbf16, #tpu.memory_space<vmem>>) attributes {dimension_semantics = [#tpu.dimension_semantics<arbitrary>], iteration_bounds = array<i64: 12>, scalar_prefetch = 0 : i64, scratch_operands = 0 : i64, tpu.core_type = #tpu.core_type<tc>, window_params = [{transform_indices = @transform_0, window_bounds = array<i64: 1, 128, 64>}, {transform_indices = @transform_1, window_bounds = array<i64: 1, 2048, 64>}, {transform_indices = @transform_2, window_bounds = array<i64: 1, 2048, 64>}, {pipeline_mode = #tpu.pipeline_mode<synchronous>, transform_indices = @transform_3, window_bounds = array<i64: 8, 2048>}, {transform_indices = @transform_4, window_bounds = array<i64: 1, 128, 32>}, {transform_indices = @transform_5, window_bounds = array<i64: 1, 32, 128, 64>}, {transform_indices = @transform_6, window_bounds = array<i64: 1, 32, 128, 64>}]} {
    %get3A = arith.constant 0 : index
    %get3A_0 = arith.constant 0 : index
    %get3A_1 = arith.constant 0 : index
    %get3A_2 = vector.load %arg1[%get3A, %get3A_0, %get3A_1] : memref<1x128x64xf32, #tpu.memory_space<vmem>>, vector<1x128x64xf32>
    %get3A_3 = vector.shape_cast %get3A_2 : vector<1x128x64xf32> to vector<128x64xf32>
    %get3A_4 = arith.constant 0 : index
    %get3A_5 = arith.constant 0 : index
    %get3A_6 = arith.constant 0 : index
    %get3A_7 = vector.load %arg2[%get3A_4, %get3A_5, %get3A_6] : memref<1x2048x64xf32, #tpu.memory_space<vmem>>, vector<1x2048x64xf32>
    %get3A_8 = vector.shape_cast %get3A_7 : vector<1x2048x64xf32> to vector<2048x64xf32>
    %convert_element_type3A = arith.truncf %get3A_8 : vector<2048x64xf32> to vector<2048x64xbf16>
    %get3A_9 = arith.constant 0 : index
    %get3A_10 = arith.constant 0 : index
    %get3A_11 = arith.constant 0 : index
    %get3A_12 = vector.load %arg3[%get3A_9, %get3A_10, %get3A_11] : memref<1x2048x64xf32, #tpu.memory_space<vmem>>, vector<1x2048x64xf32>
    %get3A_13 = vector.shape_cast %get3A_12 : vector<1x2048x64xf32> to vector<2048x64xf32>
    %convert_element_type3A_14 = arith.truncf %get3A_13 : vector<2048x64xf32> to vector<2048x64xbf16>
    %convert_element_type3A_15 = arith.truncf %get3A_3 : vector<128x64xf32> to vector<128x64xbf16>
    %dot_general3A = arith.constant dense<0.000000e+00> : vector<128x2048xf32>
    %dot_general3A_16 = tpu.matmul %convert_element_type3A_15, %convert_element_type3A, %dot_general3A {dimension_numbers = #tpu.dot_dimension_numbers<[1], [1], [0], [0], [0, 0, 1, 0], [], []>, transpose_lhs_hint = false} : vector<128x64xbf16>, vector<2048x64xbf16>, vector<128x2048xf32> -> vector<128x2048xf32>
    %get3A_17 = arith.constant 0 : index
    %get3A_18 = arith.constant 0 : index
    %get3A_19 = vector.load %arg4[%get3A_17, %get3A_18] : memref<8x2048xf32, #tpu.memory_space<vmem>>, vector<1x2048xf32>
    %add3A = vector.broadcast %get3A_19 : vector<1x2048xf32> to vector<128x2048xf32>
    %add3A_20 = arith.addf %dot_general3A_16, %add3A : vector<128x2048xf32>
    %iota3A = tpu.iota {dimensions = array<i32: 1>} : vector<128x2048xi32>
    %reduce_max3A = arith.constant dense<0xFF800000> : vector<128xf32>
    %reduce_max3A_21 = vector.multi_reduction <maximumf>, %add3A_20, %reduce_max3A [1] : vector<128x2048xf32> to vector<128xf32>
    %broadcast_in_dim3A = vector.shape_cast %reduce_max3A_21 : vector<128xf32> to vector<128x1xf32>
    %eq3A = vector.broadcast %broadcast_in_dim3A : vector<128x1xf32> to vector<128x2048xf32>
    %eq3A_22 = arith.cmpf oeq, %add3A_20, %eq3A : vector<128x2048xf32>
    %jit3A = arith.constant 2048 : i32
    %broadcast_in_dim3A_23 = vector.broadcast %jit3A : i32 to vector<128x2048xi32>
    %select_n3A = arith.select %eq3A_22, %iota3A, %broadcast_in_dim3A_23 : vector<128x2048xi1>, vector<128x2048xi32>
    %reduce_min3A = arith.constant dense<2147483647> : vector<128xi32>
    %reduce_min3A_24 = vector.multi_reduction <minsi>, %select_n3A, %reduce_min3A [1] : vector<128x2048xi32> to vector<128xi32>
    %broadcast_in_dim3A_25 = vector.shape_cast %reduce_min3A_24 : vector<128xi32> to vector<128x1xi32>
    %swap3A = arith.constant 0 : index
    %swap3A_26 = arith.constant 0 : index
    %swap3A_27 = arith.constant 0 : index
    %swap3A_28 = vector.load %arg5[%swap3A, %swap3A_26, %swap3A_27] : memref<1x128x32xi32, #tpu.memory_space<vmem>>, vector<1x128x1xi32>
    %swap3A_29 = vector.shape_cast %swap3A_28 : vector<1x128x1xi32> to vector<128x1xi32>
    %swap3A_30 = vector.shape_cast %broadcast_in_dim3A_25 : vector<128x1xi32> to vector<1x128x1xi32>
    tpu.vector_store %arg5[%swap3A, %swap3A_26, %swap3A_27], %swap3A_30 {strides = array<i32>} : memref<1x128x32xi32, #tpu.memory_space<vmem>>, vector<1x128x1xi32>,
    %eq3A_31 = vector.broadcast %broadcast_in_dim3A_25 : vector<128x1xi32> to vector<128x2048xi32>
    %eq3A_32 = arith.cmpi eq, %iota3A, %eq3A_31 : vector<128x2048xi32>
    %convert_element_type3A_33 = arith.extui %eq3A_32 : vector<128x2048xi1> to vector<128x2048xi32>
    %convert_element_type3A_34 = arith.sitofp %convert_element_type3A_33 : vector<128x2048xi32> to vector<128x2048xf32>
    %convert_element_type3A_35 = arith.truncf %convert_element_type3A_34 : vector<128x2048xf32> to vector<128x2048xbf16>
    %dot_general3A_36 = arith.constant dense<0.000000e+00> : vector<128x64xf32>
    %dot_general3A_37 = tpu.matmul %convert_element_type3A_35, %convert_element_type3A, %dot_general3A_36 {dimension_numbers = #tpu.dot_dimension_numbers<[1], [0], [0], [1], [0, 0, 1, 1], [], []>, transpose_lhs_hint = false} : vector<128x2048xbf16>, vector<2048x64xbf16>, vector<128x64xf32> -> vector<128x64xf32>
    %convert_element_type3A_38 = arith.truncf %dot_general3A_37 : vector<128x64xf32> to vector<128x64xbf16>
    %swap3A_39 = arith.constant 0 : index
    %swap3A_40 = arith.constant 0 : index
    %swap3A_41 = arith.constant 0 : index
    %swap3A_42 = arith.constant 0 : index
    %swap3A_43 = vector.load %arg6[%swap3A_39, %swap3A_40, %swap3A_41, %swap3A_42] : memref<1x32x128x64xbf16, #tpu.memory_space<vmem>>, vector<1x1x128x64xbf16>
    %swap3A_44 = vector.shape_cast %swap3A_43 : vector<1x1x128x64xbf16> to vector<128x64xbf16>
    %swap3A_45 = vector.shape_cast %convert_element_type3A_38 : vector<128x64xbf16> to vector<1x1x128x64xbf16>
    tpu.vector_store %arg6[%swap3A_39, %swap3A_40, %swap3A_41, %swap3A_42], %swap3A_45 {strides = array<i32>} : memref<1x32x128x64xbf16, #tpu.memory_space<vmem>>, vector<1x1x128x64xbf16>,
    %dot_general3A_46 = arith.constant dense<0.000000e+00> : vector<128x64xf32>
    %dot_general3A_47 = tpu.matmul %convert_element_type3A_35, %convert_element_type3A_14, %dot_general3A_46 {dimension_numbers = #tpu.dot_dimension_numbers<[1], [0], [0], [1], [0, 0, 1, 1], [], []>, transpose_lhs_hint = false} : vector<128x2048xbf16>, vector<2048x64xbf16>, vector<128x64xf32> -> vector<128x64xf32>
    %convert_element_type3A_48 = arith.truncf %dot_general3A_47 : vector<128x64xf32> to vector<128x64xbf16>
    %swap3A_49 = arith.constant 0 : index
    %swap3A_50 = arith.constant 0 : index
    %swap3A_51 = arith.constant 0 : index
    %swap3A_52 = arith.constant 0 : index
    %swap3A_53 = vector.load %arg7[%swap3A_49, %swap3A_50, %swap3A_51, %swap3A_52] : memref<1x32x128x64xbf16, #tpu.memory_space<vmem>>, vector<1x1x128x64xbf16>
    %swap3A_54 = vector.shape_cast %swap3A_53 : vector<1x1x128x64xbf16> to vector<128x64xbf16>
    %swap3A_55 = vector.shape_cast %convert_element_type3A_48 : vector<128x64xbf16> to vector<1x1x128x64xbf16>
    tpu.vector_store %arg7[%swap3A_49, %swap3A_50, %swap3A_51, %swap3A_52], %swap3A_55 {strides = array<i32>} : memref<1x32x128x64xbf16, #tpu.memory_space<vmem>>, vector<1x1x128x64xbf16>,
    %eq3A_56 = vector.broadcast %broadcast_in_dim3A_25 : vector<128x1xi32> to vector<128x2048xi32>
    %eq3A_57 = arith.cmpi eq, %iota3A, %eq3A_56 : vector<128x2048xi32>
    %jit3A_58 = arith.constant 0xFF800000 : f32
    %broadcast_in_dim3A_59 = vector.broadcast %jit3A_58 : f32 to vector<128x2048xf32>
    %select_n3A_60 = arith.select %eq3A_57, %broadcast_in_dim3A_59, %add3A_20 : vector<128x2048xi1>, vector<128x2048xf32>
    %reduce_max3A_61 = arith.constant dense<0xFF800000> : vector<128xf32>
    %reduce_max3A_62 = vector.multi_reduction <maximumf>, %select_n3A_60, %reduce_max3A_61 [1] : vector<128x2048xf32> to vector<128xf32>
    %broadcast_in_dim3A_63 = vector.shape_cast %reduce_max3A_62 : vector<128xf32> to vector<128x1xf32>
    %eq3A_64 = vector.broadcast %broadcast_in_dim3A_63 : vector<128x1xf32> to vector<128x2048xf32>
    %eq3A_65 = arith.cmpf oeq, %select_n3A_60, %eq3A_64 : vector<128x2048xf32>
    %jit3A_66 = arith.constant 2048 : i32
    %broadcast_in_dim3A_67 = vector.broadcast %jit3A_66 : i32 to vector<128x2048xi32>
    %select_n3A_68 = arith.select %eq3A_65, %iota3A, %broadcast_in_dim3A_67 : vector<128x2048xi1>, vector<128x2048xi32>
    %reduce_min3A_69 = arith.constant dense<2147483647> : vector<128xi32>
    %reduce_min3A_70 = vector.multi_reduction <minsi>, %select_n3A_68, %reduce_min3A_69 [1] : vector<128x2048xi32> to vector<128xi32>
    %broadcast_in_dim3A_71 = vector.shape_cast %reduce_min3A_70 : vector<128xi32> to vector<128x1xi32>
    %swap3A_72 = arith.constant 0 : index
    %swap3A_73 = arith.constant 0 : index
    %swap3A_74 = arith.constant 1 : index
    %swap3A_75 = vector.load %arg5[%swap3A_72, %swap3A_73, %swap3A_74] : memref<1x128x32xi32, #tpu.memory_space<vmem>>, vector<1x128x1xi32>
    %swap3A_76 = vector.shape_cast %swap3A_75 : vector<1x128x1xi32> to vector<128x1xi32>
    %swap3A_77 = vector.shape_cast %broadcast_in_dim3A_71 : vector<128x1xi32> to vector<1x128x1xi32>
    tpu.vector_store %arg5[%swap3A_72, %swap3A_73, %swap3A_74], %swap3A_77 {strides = array<i32>} : memref<1x128x32xi32, #tpu.memory_space<vmem>>, vector<1x128x1xi32>,
    %eq3A_78 = vector.broadcast %broadcast_in_dim3A_71 : vector<128x1xi32> to vector<128x2048xi32>
    %eq3A_79 = arith.cmpi eq, %iota3A, %eq3A_78 : vector<128x2048xi32>
    %convert_element_type3A_80 = arith.extui %eq3A_79 : vector<128x2048xi1> to vector<128x2048xi32>
    %convert_element_type3A_81 = arith.sitofp %convert_element_type3A_80 : vector<128x2048xi32> to vector<128x2048xf32>
    %convert_element_type3A_82 = arith.truncf %convert_element_type3A_81 : vector<128x2048xf32> to vector<128x2048xbf16>
    %dot_general3A_83 = arith.constant dense<0.000000e+00> : vector<128x64xf32>
    %dot_general3A_84 = tpu.matmul %convert_element_type3A_82, %convert_element_type3A, %dot_general3A_83 {dimension_numbers = #tpu.dot_dimension_numbers<[1], [0], [0], [1], [0, 0, 1, 1], [], []>, transpose_lhs_hint = false} : vector<128x2048xbf16>, vector<2048x64xbf16>, vector<128x64xf32> -> vector<128x64xf32>
    %convert_element_type3A_85 = arith.truncf %dot_general3A_84 : vector<128x64xf32> to vector<128x64xbf16>
    %swap3A_86 = arith.constant 0 : index
    %swap3A_87 = arith.constant 1 : index
    %swap3A_88 = arith.constant 0 : index
    %swap3A_89 = arith.constant 0 : index
    %swap3A_90 = vector.load %arg6[%swap3A_86, %swap3A_87, %swap3A_88, %swap3A_89] : memref<1x32x128x64xbf16, #tpu.memory_space<vmem>>, vector<1x1x128x64xbf16>
    %swap3A_91 = vector.shape_cast %swap3A_90 : vector<1x1x128x64xbf16> to vector<128x64xbf16>
    %swap3A_92 = vector.shape_cast %convert_element_type3A_85 : vector<128x64xbf16> to vector<1x1x128x64xbf16>
    tpu.vector_store %arg6[%swap3A_86, %swap3A_87, %swap3A_88, %swap3A_89], %swap3A_92 {strides = array<i32>} : memref<1x32x128x64xbf16, #tpu.memory_space<vmem>>, vector<1x1x128x64xbf16>,
    %dot_general3A_93 = arith.constant dense<0.000000e+00> : vector<128x64xf32>
    %dot_general3A_94 = tpu.matmul %convert_element_type3A_82, %convert_element_type3A_14, %dot_general3A_93 {dimension_numbers = #tpu.dot_dimension_numbers<[1], [0], [0], [1], [0, 0, 1, 1], [], []>, transpose_lhs_hint = false} : vector<128x2048xbf16>, vector<2048x64xbf16>, vector<128x64xf32> -> vector<128x64xf32>
    %convert_element_type3A_95 = arith.truncf %dot_general3A_94 : vector<128x64xf32> to vector<128x64xbf16>
    %swap3A_96 = arith.constant 0 : index
    %swap3A_97 = arith.constant 1 : index
    %swap3A_98 = arith.constant 0 : index
    %swap3A_99 = arith.constant 0 : index
    %swap3A_100 = vector.load %arg7[%swap3A_96, %swap3A_97, %swap3A_98, %swap3A_99] : memref<1x32x128x64xbf16, #tpu.memory_space<vmem>>, vector<1x1x128x64xbf16>
    %swap3A_101 = vector.shape_cast %swap3A_100 : vector<1x1x128x64xbf16> to vector<128x64xbf16>
    %swap3A_102 = vector.shape_cast %convert_element_type3A_95 : vector<128x64xbf16> to vector<1x1x128x64xbf16>
    tpu.vector_store %arg7[%swap3A_96, %swap3A_97, %swap3A_98, %swap3A_99], %swap3A_102 {strides = array<i32>} : memref<1x32x128x64xbf16, #tpu.memory_space<vmem>>, vector<1x1x128x64xbf16>,
    %eq3A_103 = vector.broadcast %broadcast_in_dim3A_71 : vector<128x1xi32> to vector<128x2048xi32>
    %eq3A_104 = arith.cmpi eq, %iota3A, %eq3A_103 : vector<128x2048xi32>
    %jit3A_105 = arith.constant 0xFF800000 : f32
    %broadcast_in_dim3A_106 = vector.broadcast %jit3A_105 : f32 to vector<128x2048xf32>
    %select_n3A_107 = arith.select %eq3A_104, %broadcast_in_dim3A_106, %select_n3A_60 : vector<128x2048xi1>, vector<128x2048xf32>
    %reduce_max3A_108 = arith.constant dense<0xFF800000> : vector<128xf32>
    %reduce_max3A_109 = vector.multi_reduction <maximumf>, %select_n3A_107, %reduce_max3A_108 [1] : vector<128x2048xf32> to vector<128xf32>
    %broadcast_in_dim3A_110 = vector.shape_cast %reduce_max3A_109 : vector<128xf32> to vector<128x1xf32>
    %eq3A_111 = vector.broadcast %broadcast_in_dim3A_110 : vector<128x1xf32> to vector<128x2048xf32>
    %eq3A_112 = arith.cmpf oeq, %select_n3A_107, %eq3A_111 : vector<128x2048xf32>
    %jit3A_113 = arith.constant 2048 : i32
    %broadcast_in_dim3A_114 = vector.broadcast %jit3A_113 : i32 to vector<128x2048xi32>
    %select_n3A_115 = arith.select %eq3A_112, %iota3A, %broadcast_in_dim3A_114 : vector<128x2048xi1>, vector<128x2048xi32>
    %reduce_min3A_116 = arith.constant dense<2147483647> : vector<128xi32>
    %reduce_min3A_117 = vector.multi_reduction <minsi>, %select_n3A_115, %reduce_min3A_116 [1] : vector<128x2048xi32> to vector<128xi32>
    %broadcast_in_dim3A_118 = vector.shape_cast %reduce_min3A_117 : vector<128xi32> to vector<128x1xi32>
    %swap3A_119 = arith.constant 0 : index
    %swap3A_120 = arith.constant 0 : index
    %swap3A_121 = arith.constant 2 : index
    %swap3A_122 = vector.load %arg5[%swap3A_119, %swap3A_120, %swap3A_121] : memref<1x128x32xi32, #tpu.memory_space<vmem>>, vector<1x128x1xi32>
    %swap3A_123 = vector.shape_cast %swap3A_122 : vector<1x128x1xi32> to vector<128x1xi32>
    %swap3A_124 = vector.shape_cast %broadcast_in_dim3A_118 : vector<128x1xi32> to vector<1x128x1xi32>
    tpu.vector_store %arg5[%swap3A_119, %swap3A_120, %swap3A_121], %swap3A_124 {strides = array<i32>} : memref<1x128x32xi32, #tpu.memory_space<vmem>>, vector<1x128x1xi32>,
    %eq3A_125 = vector.broadcast %broadcast_in_dim3A_118 : vector<128x1xi32> to vector<128x2048xi32>
    %eq3A_126 = arith.cmpi eq, %iota3A, %eq3A_125 : vector<128x2048xi32>
    %convert_element_type3A_127 = arith.extui %eq3A_126 : vector<128x2048xi1> to vector<128x2048xi32>
    %convert_element_type3A_128 = arith.sitofp %convert_element_type3A_127 : vector<128x2048xi32> to vector<128x2048xf32>
    %convert_element_type3A_129 = arith.truncf %convert_element_type3A_128 : vector<128x2048xf32> to vector<128x2048xbf16>
    %dot_general3A_130 = arith.constant dense<0.000000e+00> : vector<128x64xf32>
    %dot_general3A_131 = tpu.matmul %convert_element_type3A_129, %convert_element_type3A, %dot_general3A_130 {dimension_numbers = #tpu.dot_dimension_numbers<[1], [0], [0], [1], [0, 0, 1, 1], [], []>, transpose_lhs_hint = false} : vector<128x2048xbf16>, vector<2048x64xbf16>, vector<128x64xf32> -> vector<128x64xf32>
    %convert_element_type3A_132 = arith.truncf %dot_general3A_131 : vector<128x64xf32> to vector<128x64xbf16>
    %swap3A_133 = arith.constant 0 : index
    %swap3A_134 = arith.constant 2 : index
    %swap3A_135 = arith.constant 0 : index
    %swap3A_136 = arith.constant 0 : index
    %swap3A_137 = vector.load %arg6[%swap3A_133, %swap3A_134, %swap3A_135, %swap3A_136] : memref<1x32x128x64xbf16, #tpu.memory_space<vmem>>, vector<1x1x128x64xbf16>
    %swap3A_138 = vector.shape_cast %swap3A_137 : vector<1x1x128x64xbf16> to vector<128x64xbf16>
    %swap3A_139 = vector.shape_cast %convert_element_type3A_132 : vector<128x64xbf16> to vector<1x1x128x64xbf16>
    tpu.vector_store %arg6[%swap3A_133, %swap3A_134, %swap3A_135, %swap3A_136], %swap3A_139 {strides = array<i32>} : memref<1x32x128x64xbf16, #tpu.memory_space<vmem>>, vector<1x1x128x64xbf16>,
    %dot_general3A_140 = arith.constant dense<0.000000e+00> : vector<128x64xf32>
    %dot_general3A_141 = tpu.matmul %convert_element_type3A_129, %convert_element_type3A_14, %dot_general3A_140 {dimension_numbers = #tpu.dot_dimension_numbers<[1], [0], [0], [1], [0, 0, 1, 1], [], []>, transpose_lhs_hint = false} : vector<128x2048xbf16>, vector<2048x64xbf16>, vector<128x64xf32> -> vector<128x64xf32>
    %convert_element_type3A_142 = arith.truncf %dot_general3A_141 : vector<128x64xf32> to vector<128x64xbf16>
    %swap3A_143 = arith.constant 0 : index
    %swap3A_144 = arith.constant 2 : index
    %swap3A_145 = arith.constant 0 : index
    %swap3A_146 = arith.constant 0 : index
    %swap3A_147 = vector.load %arg7[%swap3A_143, %swap3A_144, %swap3A_145, %swap3A_146] : memref<1x32x128x64xbf16, #tpu.memory_space<vmem>>, vector<1x1x128x64xbf16>
    %swap3A_148 = vector.shape_cast %swap3A_147 : vector<1x1x128x64xbf16> to vector<128x64xbf16>
    %swap3A_149 = vector.shape_cast %convert_element_type3A_142 : vector<128x64xbf16> to vector<1x1x128x64xbf16>
    tpu.vector_store %arg7[%swap3A_143, %swap3A_144, %swap3A_145, %swap3A_146], %swap3A_149 {strides = array<i32>} : memref<1x32x128x64xbf16, #tpu.memory_space<vmem>>, vector<1x1x128x64xbf16>,
    %eq3A_150 = vector.broadcast %broadcast_in_dim3A_118 : vector<128x1xi32> to vector<128x2048xi32>
    %eq3A_151 = arith.cmpi eq, %iota3A, %eq3A_150 : vector<128x2048xi32>
    %jit3A_152 = arith.constant 0xFF800000 : f32
    %broadcast_in_dim3A_153 = vector.broadcast %jit3A_152 : f32 to vector<128x2048xf32>
    %select_n3A_154 = arith.select %eq3A_151, %broadcast_in_dim3A_153, %select_n3A_107 : vector<128x2048xi1>, vector<128x2048xf32>
    %reduce_max3A_155 = arith.constant dense<0xFF800000> : vector<128xf32>
    %reduce_max3A_156 = vector.multi_reduction <maximumf>, %select_n3A_154, %reduce_max3A_155 [1] : vector<128x2048xf32> to vector<128xf32>
    %broadcast_in_dim3A_157 = vector.shape_cast %reduce_max3A_156 : vector<128xf32> to vector<128x1xf32>
    %eq3A_158 = vector.broadcast %broadcast_in_dim3A_157 : vector<128x1xf32> to vector<128x2048xf32>
    %eq3A_159 = arith.cmpf oeq, %select_n3A_154, %eq3A_158 : vector<128x2048xf32>
    %jit3A_160 = arith.constant 2048 : i32
    %broadcast_in_dim3A_161 = vector.broadcast %jit3A_160 : i32 to vector<128x2048xi32>
    %select_n3A_162 = arith.select %eq3A_159, %iota3A, %broadcast_in_dim3A_161 : vector<128x2048xi1>, vector<128x2048xi32>
    %reduce_min3A_163 = arith.constant dense<2147483647> : vector<128xi32>
    %reduce_min3A_164 = vector.multi_reduction <minsi>, %select_n3A_162, %reduce_min3A_163 [1] : vector<128x2048xi32> to vector<128xi32>
    %broadcast_in_dim3A_165 = vector.shape_cast %reduce_min3A_164 : vector<128xi32> to vector<128x1xi32>
    %swap3A_166 = arith.constant 0 : index
    %swap3A_167 = arith.constant 0 : index
    %swap3A_168 = arith.constant 3 : index
    %swap3A_169 = vector.load %arg5[%swap3A_166, %swap3A_167, %swap3A_168] : memref<1x128x32xi32, #tpu.memory_space<vmem>>, vector<1x128x1xi32>
    %swap3A_170 = vector.shape_cast %swap3A_169 : vector<1x128x1xi32> to vector<128x1xi32>
    %swap3A_171 = vector.shape_cast %broadcast_in_dim3A_165 : vector<128x1xi32> to vector<1x128x1xi32>
    tpu.vector_store %arg5[%swap3A_166, %swap3A_167, %swap3A_168], %swap3A_171 {strides = array<i32>} : memref<1x128x32xi32, #tpu.memory_space<vmem>>, vector<1x128x1xi32>,
    %eq3A_172 = vector.broadcast %broadcast_in_dim3A_165 : vector<128x1xi32> to vector<128x2048xi32>
    %eq3A_173 = arith.cmpi eq, %iota3A, %eq3A_172 : vector<128x2048xi32>
    %convert_element_type3A_174 = arith.extui %eq3A_173 : vector<128x2048xi1> to vector<128x2048xi32>
    %convert_element_type3A_175 = arith.sitofp %convert_element_type3A_174 : vector<128x2048xi32> to vector<128x2048xf32>
    %convert_element_type3A_176 = arith.truncf %convert_element_type3A_175 : vector<128x2048xf32> to vector<128x2048xbf16>
    %dot_general3A_177 = arith.constant dense<0.000000e+00> : vector<128x64xf32>
    %dot_general3A_178 = tpu.matmul %convert_element_type3A_176, %convert_element_type3A, %dot_general3A_177 {dimension_numbers = #tpu.dot_dimension_numbers<[1], [0], [0], [1], [0, 0, 1, 1], [], []>, transpose_lhs_hint = false} : vector<128x2048xbf16>, vector<2048x64xbf16>, vector<128x64xf32> -> vector<128x64xf32>
    %convert_element_type3A_179 = arith.truncf %dot_general3A_178 : vector<128x64xf32> to vector<128x64xbf16>
    %swap3A_180 = arith.constant 0 : index
    %swap3A_181 = arith.constant 3 : index
    %swap3A_182 = arith.constant 0 : index
    %swap3A_183 = arith.constant 0 : index
    %swap3A_184 = vector.load %arg6[%swap3A_180, %swap3A_181, %swap3A_182, %swap3A_183] : memref<1x32x128x64xbf16, #tpu.memory_space<vmem>>, vector<1x1x128x64xbf16>
    %swap3A_185 = vector.shape_cast %swap3A_184 : vector<1x1x128x64xbf16> to vector<128x64xbf16>
    %swap3A_186 = vector.shape_cast %convert_element_type3A_179 : vector<128x64xbf16> to vector<1x1x128x64xbf16>
    tpu.vector_store %arg6[%swap3A_180, %swap3A_181, %swap3A_182, %swap3A_183], %swap3A_186 {strides = array<i32>} : memref<1x32x128x64xbf16, #tpu.memory_space<vmem>>, vector<1x1x128x64xbf16>,
    %dot_general3A_187 = arith.constant dense<0.000000e+00> : vector<128x64xf32>
    %dot_general3A_188 = tpu.matmul %convert_element_type3A_176, %convert_element_type3A_14, %dot_general3A_187 {dimension_numbers = #tpu.dot_dimension_numbers<[1], [0], [0], [1], [0, 0, 1, 1], [], []>, transpose_lhs_hint = false} : vector<128x2048xbf16>, vector<2048x64xbf16>, vector<128x64xf32> -> vector<128x64xf32>
    %convert_element_type3A_189 = arith.truncf %dot_general3A_188 : vector<128x64xf32> to vector<128x64xbf16>
    %swap3A_190 = arith.constant 0 : index
    %swap3A_191 = arith.constant 3 : index
    %swap3A_192 = arith.constant 0 : index
    %swap3A_193 = arith.constant 0 : index
    %swap3A_194 = vector.load %arg7[%swap3A_190, %swap3A_191, %swap3A_192, %swap3A_193] : memref<1x32x128x64xbf16, #tpu.memory_space<vmem>>, vector<1x1x128x64xbf16>
    %swap3A_195 = vector.shape_cast %swap3A_194 : vector<1x1x128x64xbf16> to vector<128x64xbf16>
    %swap3A_196 = vector.shape_cast %convert_element_type3A_189 : vector<128x64xbf16> to vector<1x1x128x64xbf16>
    tpu.vector_store %arg7[%swap3A_190, %swap3A_191, %swap3A_192, %swap3A_193], %swap3A_196 {strides = array<i32>} : memref<1x32x128x64xbf16, #tpu.memory_space<vmem>>, vector<1x1x128x64xbf16>,
    %eq3A_197 = vector.broadcast %broadcast_in_dim3A_165 : vector<128x1xi32> to vector<128x2048xi32>
    %eq3A_198 = arith.cmpi eq, %iota3A, %eq3A_197 : vector<128x2048xi32>
    %jit3A_199 = arith.constant 0xFF800000 : f32
    %broadcast_in_dim3A_200 = vector.broadcast %jit3A_199 : f32 to vector<128x2048xf32>
    %select_n3A_201 = arith.select %eq3A_198, %broadcast_in_dim3A_200, %select_n3A_154 : vector<128x2048xi1>, vector<128x2048xf32>
    %reduce_max3A_202 = arith.constant dense<0xFF800000> : vector<128xf32>
    %reduce_max3A_203 = vector.multi_reduction <maximumf>, %select_n3A_201, %reduce_max3A_202 [1] : vector<128x2048xf32> to vector<128xf32>
    %broadcast_in_dim3A_204 = vector.shape_cast %reduce_max3A_203 : vector<128xf32> to vector<128x1xf32>
    %eq3A_205 = vector.broadcast %broadcast_in_dim3A_204 : vector<128x1xf32> to vector<128x2048xf32>
    %eq3A_206 = arith.cmpf oeq, %select_n3A_201, %eq3A_205 : vector<128x2048xf32>
    %jit3A_207 = arith.constant 2048 : i32
    %broadcast_in_dim3A_208 = vector.broadcast %jit3A_207 : i32 to vector<128x2048xi32>
    %select_n3A_209 = arith.select %eq3A_206, %iota3A, %broadcast_in_dim3A_208 : vector<128x2048xi1>, vector<128x2048xi32>
    %reduce_min3A_210 = arith.constant dense<2147483647> : vector<128xi32>
    %reduce_min3A_211 = vector.multi_reduction <minsi>, %select_n3A_209, %reduce_min3A_210 [1] : vector<128x2048xi32> to vector<128xi32>
    %broadcast_in_dim3A_212 = vector.shape_cast %reduce_min3A_211 : vector<128xi32> to vector<128x1xi32>
    %swap3A_213 = arith.constant 0 : index
    %swap3A_214 = arith.constant 0 : index
    %swap3A_215 = arith.constant 4 : index
    %swap3A_216 = vector.load %arg5[%swap3A_213, %swap3A_214, %swap3A_215] : memref<1x128x32xi32, #tpu.memory_space<vmem>>, vector<1x128x1xi32>
    %swap3A_217 = vector.shape_cast %swap3A_216 : vector<1x128x1xi32> to vector<128x1xi32>
    %swap3A_218 = vector.shape_cast %broadcast_in_dim3A_212 : vector<128x1xi32> to vector<1x128x1xi32>
    tpu.vector_store %arg5[%swap3A_213, %swap3A_214, %swap3A_215], %swap3A_218 {strides = array<i32>} : memref<1x128x32xi32, #tpu.memory_space<vmem>>, vector<1x128x1xi32>,
    %eq3A_219 = vector.broadcast %broadcast_in_dim3A_212 : vector<128x1xi32> to vector<128x2048xi32>
    %eq3A_220 = arith.cmpi eq, %iota3A, %eq3A_219 : vector<128x2048xi32>
    %convert_element_type3A_221 = arith.extui %eq3A_220 : vector<128x2048xi1> to vector<128x2048xi32>
    %convert_element_type3A_222 = arith.sitofp %convert_element_type3A_221 : vector<128x2048xi32> to vector<128x2048xf32>
    %convert_element_type3A_223 = arith.truncf %convert_element_type3A_222 : vector<128x2048xf32> to vector<128x2048xbf16>
    %dot_general3A_224 = arith.constant dense<0.000000e+00> : vector<128x64xf32>
    %dot_general3A_225 = tpu.matmul %convert_element_type3A_223, %convert_element_type3A, %dot_general3A_224 {dimension_numbers = #tpu.dot_dimension_numbers<[1], [0], [0], [1], [0, 0, 1, 1], [], []>, transpose_lhs_hint = false} : vector<128x2048xbf16>, vector<2048x64xbf16>, vector<128x64xf32> -> vector<128x64xf32>
    %convert_element_type3A_226 = arith.truncf %dot_general3A_225 : vector<128x64xf32> to vector<128x64xbf16>
    %swap3A_227 = arith.constant 0 : index
    %swap3A_228 = arith.constant 4 : index
    %swap3A_229 = arith.constant 0 : index
    %swap3A_230 = arith.constant 0 : index
    %swap3A_231 = vector.load %arg6[%swap3A_227, %swap3A_228, %swap3A_229, %swap3A_230] : memref<1x32x128x64xbf16, #tpu.memory_space<vmem>>, vector<1x1x128x64xbf16>
    %swap3A_232 = vector.shape_cast %swap3A_231 : vector<1x1x128x64xbf16> to vector<128x64xbf16>
    %swap3A_233 = vector.shape_cast %convert_element_type3A_226 : vector<128x64xbf16> to vector<1x1x128x64xbf16>
    tpu.vector_store %arg6[%swap3A_227, %swap3A_228, %swap3A_229, %swap3A_230], %swap3A_233 {strides = array<i32>} : memref<1x32x128x64xbf16, #tpu.memory_space<vmem>>, vector<1x1x128x64xbf16>,
    %dot_general3A_234 = arith.constant dense<0.000000e+00> : vector<128x64xf32>
    %dot_general3A_235 = tpu.matmul %convert_element_type3A_223, %convert_element_type3A_14, %dot_general3A_234 {dimension_numbers = #tpu.dot_dimension_numbers<[1], [0], [0], [1], [0, 0, 1, 1], [], []>, transpose_lhs_hint = false} : vector<128x2048xbf16>, vector<2048x64xbf16>, vector<128x64xf32> -> vector<128x64xf32>
    %convert_element_type3A_236 = arith.truncf %dot_general3A_235 : vector<128x64xf32> to vector<128x64xbf16>
    %swap3A_237 = arith.constant 0 : index
    %swap3A_238 = arith.constant 4 : index
    %swap3A_239 = arith.constant 0 : index
    %swap3A_240 = arith.constant 0 : index
    %swap3A_241 = vector.load %arg7[%swap3A_237, %swap3A_238, %swap3A_239, %swap3A_240] : memref<1x32x128x64xbf16, #tpu.memory_space<vmem>>, vector<1x1x128x64xbf16>
    %swap3A_242 = vector.shape_cast %swap3A_241 : vector<1x1x128x64xbf16> to vector<128x64xbf16>
    %swap3A_243 = vector.shape_cast %convert_element_type3A_236 : vector<128x64xbf16> to vector<1x1x128x64xbf16>
    tpu.vector_store %arg7[%swap3A_237, %swap3A_238, %swap3A_239, %swap3A_240], %swap3A_243 {strides = array<i32>} : memref<1x32x128x64xbf16, #tpu.memory_space<vmem>>, vector<1x1x128x64xbf16>,
    %eq3A_244 = vector.broadcast %broadcast_in_dim3A_212 : vector<128x1xi32> to vector<128x2048xi32>
    %eq3A_245 = arith.cmpi eq, %iota3A, %eq3A_244 : vector<128x2048xi32>
    %jit3A_246 = arith.constant 0xFF800000 : f32
    %broadcast_in_dim3A_247 = vector.broadcast %jit3A_246 : f32 to vector<128x2048xf32>
    %select_n3A_248 = arith.select %eq3A_245, %broadcast_in_dim3A_247, %select_n3A_201 : vector<128x2048xi1>, vector<128x2048xf32>
    %reduce_max3A_249 = arith.constant dense<0xFF800000> : vector<128xf32>
    %reduce_max3A_250 = vector.multi_reduction <maximumf>, %select_n3A_248, %reduce_max3A_249 [1] : vector<128x2048xf32> to vector<128xf32>
    %broadcast_in_dim3A_251 = vector.shape_cast %reduce_max3A_250 : vector<128xf32> to vector<128x1xf32>
    %eq3A_252 = vector.broadcast %broadcast_in_dim3A_251 : vector<128x1xf32> to vector<128x2048xf32>
    %eq3A_253 = arith.cmpf oeq, %select_n3A_248, %eq3A_252 : vector<128x2048xf32>
    %jit3A_254 = arith.constant 2048 : i32
    %broadcast_in_dim3A_255 = vector.broadcast %jit3A_254 : i32 to vector<128x2048xi32>
    %select_n3A_256 = arith.select %eq3A_253, %iota3A, %broadcast_in_dim3A_255 : vector<128x2048xi1>, vector<128x2048xi32>
    %reduce_min3A_257 = arith.constant dense<2147483647> : vector<128xi32>
    %reduce_min3A_258 = vector.multi_reduction <minsi>, %select_n3A_256, %reduce_min3A_257 [1] : vector<128x2048xi32> to vector<128xi32>
    %broadcast_in_dim3A_259 = vector.shape_cast %reduce_min3A_258 : vector<128xi32> to vector<128x1xi32>
    %swap3A_260 = arith.constant 0 : index
    %swap3A_261 = arith.constant 0 : index
    %swap3A_262 = arith.constant 5 : index
    %swap3A_263 = vector.load %arg5[%swap3A_260, %swap3A_261, %swap3A_262] : memref<1x128x32xi32, #tpu.memory_space<vmem>>, vector<1x128x1xi32>
    %swap3A_264 = vector.shape_cast %swap3A_263 : vector<1x128x1xi32> to vector<128x1xi32>
    %swap3A_265 = vector.shape_cast %broadcast_in_dim3A_259 : vector<128x1xi32> to vector<1x128x1xi32>
    tpu.vector_store %arg5[%swap3A_260, %swap3A_261, %swap3A_262], %swap3A_265 {strides = array<i32>} : memref<1x128x32xi32, #tpu.memory_space<vmem>>, vector<1x128x1xi32>,
    %eq3A_266 = vector.broadcast %broadcast_in_dim3A_259 : vector<128x1xi32> to vector<128x2048xi32>
    %eq3A_267 = arith.cmpi eq, %iota3A, %eq3A_266 : vector<128x2048xi32>
    %convert_element_type3A_268 = arith.extui %eq3A_267 : vector<128x2048xi1> to vector<128x2048xi32>
    %convert_element_type3A_269 = arith.sitofp %convert_element_type3A_268 : vector<128x2048xi32> to vector<128x2048xf32>
    %convert_element_type3A_270 = arith.truncf %convert_element_type3A_269 : vector<128x2048xf32> to vector<128x2048xbf16>
    %dot_general3A_271 = arith.constant dense<0.000000e+00> : vector<128x64xf32>
    %dot_general3A_272 = tpu.matmul %convert_element_type3A_270, %convert_element_type3A, %dot_general3A_271 {dimension_numbers = #tpu.dot_dimension_numbers<[1], [0], [0], [1], [0, 0, 1, 1], [], []>, transpose_lhs_hint = false} : vector<128x2048xbf16>, vector<2048x64xbf16>, vector<128x64xf32> -> vector<128x64xf32>
    %convert_element_type3A_273 = arith.truncf %dot_general3A_272 : vector<128x64xf32> to vector<128x64xbf16>
    %swap3A_274 = arith.constant 0 : index
    %swap3A_275 = arith.constant 5 : index
    %swap3A_276 = arith.constant 0 : index
    %swap3A_277 = arith.constant 0 : index
    %swap3A_278 = vector.load %arg6[%swap3A_274, %swap3A_275, %swap3A_276, %swap3A_277] : memref<1x32x128x64xbf16, #tpu.memory_space<vmem>>, vector<1x1x128x64xbf16>
    %swap3A_279 = vector.shape_cast %swap3A_278 : vector<1x1x128x64xbf16> to vector<128x64xbf16>
    %swap3A_280 = vector.shape_cast %convert_element_type3A_273 : vector<128x64xbf16> to vector<1x1x128x64xbf16>
    tpu.vector_store %arg6[%swap3A_274, %swap3A_275, %swap3A_276, %swap3A_277], %swap3A_280 {strides = array<i32>} : memref<1x32x128x64xbf16, #tpu.memory_space<vmem>>, vector<1x1x128x64xbf16>,
    %dot_general3A_281 = arith.constant dense<0.000000e+00> : vector<128x64xf32>
    %dot_general3A_282 = tpu.matmul %convert_element_type3A_270, %convert_element_type3A_14, %dot_general3A_281 {dimension_numbers = #tpu.dot_dimension_numbers<[1], [0], [0], [1], [0, 0, 1, 1], [], []>, transpose_lhs_hint = false} : vector<128x2048xbf16>, vector<2048x64xbf16>, vector<128x64xf32> -> vector<128x64xf32>
    %convert_element_type3A_283 = arith.truncf %dot_general3A_282 : vector<128x64xf32> to vector<128x64xbf16>
    %swap3A_284 = arith.constant 0 : index
    %swap3A_285 = arith.constant 5 : index
    %swap3A_286 = arith.constant 0 : index
    %swap3A_287 = arith.constant 0 : index
    %swap3A_288 = vector.load %arg7[%swap3A_284, %swap3A_285, %swap3A_286, %swap3A_287] : memref<1x32x128x64xbf16, #tpu.memory_space<vmem>>, vector<1x1x128x64xbf16>
    %swap3A_289 = vector.shape_cast %swap3A_288 : vector<1x1x128x64xbf16> to vector<128x64xbf16>
    %swap3A_290 = vector.shape_cast %convert_element_type3A_283 : vector<128x64xbf16> to vector<1x1x128x64xbf16>
    tpu.vector_store %arg7[%swap3A_284, %swap3A_285, %swap3A_286, %swap3A_287], %swap3A_290 {strides = array<i32>} : memref<1x32x128x64xbf16, #tpu.memory_space<vmem>>, vector<1x1x128x64xbf16>,
    %eq3A_291 = vector.broadcast %broadcast_in_dim3A_259 : vector<128x1xi32> to vector<128x2048xi32>
    %eq3A_292 = arith.cmpi eq, %iota3A, %eq3A_291 : vector<128x2048xi32>
    %jit3A_293 = arith.constant 0xFF800000 : f32
    %broadcast_in_dim3A_294 = vector.broadcast %jit3A_293 : f32 to vector<128x2048xf32>
    %select_n3A_295 = arith.select %eq3A_292, %broadcast_in_dim3A_294, %select_n3A_248 : vector<128x2048xi1>, vector<128x2048xf32>
    %reduce_max3A_296 = arith.constant dense<0xFF800000> : vector<128xf32>
    %reduce_max3A_297 = vector.multi_reduction <maximumf>, %select_n3A_295, %reduce_max3A_296 [1] : vector<128x2048xf32> to vector<128xf32>
    %broadcast_in_dim3A_298 = vector.shape_cast %reduce_max3A_297 : vector<128xf32> to vector<128x1xf32>
    %eq3A_299 = vector.broadcast %broadcast_in_dim3A_298 : vector<128x1xf32> to vector<128x2048xf32>
    %eq3A_300 = arith.cmpf oeq, %select_n3A_295, %eq3A_299 : vector<128x2048xf32>
    %jit3A_301 = arith.constant 2048 : i32
    %broadcast_in_dim3A_302 = vector.broadcast %jit3A_301 : i32 to vector<128x2048xi32>
    %select_n3A_303 = arith.select %eq3A_300, %iota3A, %broadcast_in_dim3A_302 : vector<128x2048xi1>, vector<128x2048xi32>
    %reduce_min3A_304 = arith.constant dense<2147483647> : vector<128xi32>
    %reduce_min3A_305 = vector.multi_reduction <minsi>, %select_n3A_303, %reduce_min3A_304 [1] : vector<128x2048xi32> to vector<128xi32>
    %broadcast_in_dim3A_306 = vector.shape_cast %reduce_min3A_305 : vector<128xi32> to vector<128x1xi32>
    %swap3A_307 = arith.constant 0 : index
    %swap3A_308 = arith.constant 0 : index
    %swap3A_309 = arith.constant 6 : index
    %swap3A_310 = vector.load %arg5[%swap3A_307, %swap3A_308, %swap3A_309] : memref<1x128x32xi32, #tpu.memory_space<vmem>>, vector<1x128x1xi32>
    %swap3A_311 = vector.shape_cast %swap3A_310 : vector<1x128x1xi32> to vector<128x1xi32>
    %swap3A_312 = vector.shape_cast %broadcast_in_dim3A_306 : vector<128x1xi32> to vector<1x128x1xi32>
    tpu.vector_store %arg5[%swap3A_307, %swap3A_308, %swap3A_309], %swap3A_312 {strides = array<i32>} : memref<1x128x32xi32, #tpu.memory_space<vmem>>, vector<1x128x1xi32>,
    %eq3A_313 = vector.broadcast %broadcast_in_dim3A_306 : vector<128x1xi32> to vector<128x2048xi32>
    %eq3A_314 = arith.cmpi eq, %iota3A, %eq3A_313 : vector<128x2048xi32>
    %convert_element_type3A_315 = arith.extui %eq3A_314 : vector<128x2048xi1> to vector<128x2048xi32>
    %convert_element_type3A_316 = arith.sitofp %convert_element_type3A_315 : vector<128x2048xi32> to vector<128x2048xf32>
    %convert_element_type3A_317 = arith.truncf %convert_element_type3A_316 : vector<128x2048xf32> to vector<128x2048xbf16>
    %dot_general3A_318 = arith.constant dense<0.000000e+00> : vector<128x64xf32>
    %dot_general3A_319 = tpu.matmul %convert_element_type3A_317, %convert_element_type3A, %dot_general3A_318 {dimension_numbers = #tpu.dot_dimension_numbers<[1], [0], [0], [1], [0, 0, 1, 1], [], []>, transpose_lhs_hint = false} : vector<128x2048xbf16>, vector<2048x64xbf16>, vector<128x64xf32> -> vector<128x64xf32>
    %convert_element_type3A_320 = arith.truncf %dot_general3A_319 : vector<128x64xf32> to vector<128x64xbf16>
    %swap3A_321 = arith.constant 0 : index
    %swap3A_322 = arith.constant 6 : index
    %swap3A_323 = arith.constant 0 : index
    %swap3A_324 = arith.constant 0 : index
    %swap3A_325 = vector.load %arg6[%swap3A_321, %swap3A_322, %swap3A_323, %swap3A_324] : memref<1x32x128x64xbf16, #tpu.memory_space<vmem>>, vector<1x1x128x64xbf16>
    %swap3A_326 = vector.shape_cast %swap3A_325 : vector<1x1x128x64xbf16> to vector<128x64xbf16>
    %swap3A_327 = vector.shape_cast %convert_element_type3A_320 : vector<128x64xbf16> to vector<1x1x128x64xbf16>
    tpu.vector_store %arg6[%swap3A_321, %swap3A_322, %swap3A_323, %swap3A_324], %swap3A_327 {strides = array<i32>} : memref<1x32x128x64xbf16, #tpu.memory_space<vmem>>, vector<1x1x128x64xbf16>,
    %dot_general3A_328 = arith.constant dense<0.000000e+00> : vector<128x64xf32>
    %dot_general3A_329 = tpu.matmul %convert_element_type3A_317, %convert_element_type3A_14, %dot_general3A_328 {dimension_numbers = #tpu.dot_dimension_numbers<[1], [0], [0], [1], [0, 0, 1, 1], [], []>, transpose_lhs_hint = false} : vector<128x2048xbf16>, vector<2048x64xbf16>, vector<128x64xf32> -> vector<128x64xf32>
    %convert_element_type3A_330 = arith.truncf %dot_general3A_329 : vector<128x64xf32> to vector<128x64xbf16>
    %swap3A_331 = arith.constant 0 : index
    %swap3A_332 = arith.constant 6 : index
    %swap3A_333 = arith.constant 0 : index
    %swap3A_334 = arith.constant 0 : index
    %swap3A_335 = vector.load %arg7[%swap3A_331, %swap3A_332, %swap3A_333, %swap3A_334] : memref<1x32x128x64xbf16, #tpu.memory_space<vmem>>, vector<1x1x128x64xbf16>
    %swap3A_336 = vector.shape_cast %swap3A_335 : vector<1x1x128x64xbf16> to vector<128x64xbf16>
    %swap3A_337 = vector.shape_cast %convert_element_type3A_330 : vector<128x64xbf16> to vector<1x1x128x64xbf16>
    tpu.vector_store %arg7[%swap3A_331, %swap3A_332, %swap3A_333, %swap3A_334], %swap3A_337 {strides = array<i32>} : memref<1x32x128x64xbf16, #tpu.memory_space<vmem>>, vector<1x1x128x64xbf16>,
    %eq3A_338 = vector.broadcast %broadcast_in_dim3A_306 : vector<128x1xi32> to vector<128x2048xi32>
    %eq3A_339 = arith.cmpi eq, %iota3A, %eq3A_338 : vector<128x2048xi32>
    %jit3A_340 = arith.constant 0xFF800000 : f32
    %broadcast_in_dim3A_341 = vector.broadcast %jit3A_340 : f32 to vector<128x2048xf32>
    %select_n3A_342 = arith.select %eq3A_339, %broadcast_in_dim3A_341, %select_n3A_295 : vector<128x2048xi1>, vector<128x2048xf32>
    %reduce_max3A_343 = arith.constant dense<0xFF800000> : vector<128xf32>
    %reduce_max3A_344 = vector.multi_reduction <maximumf>, %select_n3A_342, %reduce_max3A_343 [1] : vector<128x2048xf32> to vector<128xf32>
    %broadcast_in_dim3A_345 = vector.shape_cast %reduce_max3A_344 : vector<128xf32> to vector<128x1xf32>
    %eq3A_346 = vector.broadcast %broadcast_in_dim3A_345 : vector<128x1xf32> to vector<128x2048xf32>
    %eq3A_347 = arith.cmpf oeq, %select_n3A_342, %eq3A_346 : vector<128x2048xf32>
    %jit3A_348 = arith.constant 2048 : i32
    %broadcast_in_dim3A_349 = vector.broadcast %jit3A_348 : i32 to vector<128x2048xi32>
    %select_n3A_350 = arith.select %eq3A_347, %iota3A, %broadcast_in_dim3A_349 : vector<128x2048xi1>, vector<128x2048xi32>
    %reduce_min3A_351 = arith.constant dense<2147483647> : vector<128xi32>
    %reduce_min3A_352 = vector.multi_reduction <minsi>, %select_n3A_350, %reduce_min3A_351 [1] : vector<128x2048xi32> to vector<128xi32>
    %broadcast_in_dim3A_353 = vector.shape_cast %reduce_min3A_352 : vector<128xi32> to vector<128x1xi32>
    %swap3A_354 = arith.constant 0 : index
    %swap3A_355 = arith.constant 0 : index
    %swap3A_356 = arith.constant 7 : index
    %swap3A_357 = vector.load %arg5[%swap3A_354, %swap3A_355, %swap3A_356] : memref<1x128x32xi32, #tpu.memory_space<vmem>>, vector<1x128x1xi32>
    %swap3A_358 = vector.shape_cast %swap3A_357 : vector<1x128x1xi32> to vector<128x1xi32>
    %swap3A_359 = vector.shape_cast %broadcast_in_dim3A_353 : vector<128x1xi32> to vector<1x128x1xi32>
    tpu.vector_store %arg5[%swap3A_354, %swap3A_355, %swap3A_356], %swap3A_359 {strides = array<i32>} : memref<1x128x32xi32, #tpu.memory_space<vmem>>, vector<1x128x1xi32>,
    %eq3A_360 = vector.broadcast %broadcast_in_dim3A_353 : vector<128x1xi32> to vector<128x2048xi32>
    %eq3A_361 = arith.cmpi eq, %iota3A, %eq3A_360 : vector<128x2048xi32>
    %convert_element_type3A_362 = arith.extui %eq3A_361 : vector<128x2048xi1> to vector<128x2048xi32>
    %convert_element_type3A_363 = arith.sitofp %convert_element_type3A_362 : vector<128x2048xi32> to vector<128x2048xf32>
    %convert_element_type3A_364 = arith.truncf %convert_element_type3A_363 : vector<128x2048xf32> to vector<128x2048xbf16>
    %dot_general3A_365 = arith.constant dense<0.000000e+00> : vector<128x64xf32>
    %dot_general3A_366 = tpu.matmul %convert_element_type3A_364, %convert_element_type3A, %dot_general3A_365 {dimension_numbers = #tpu.dot_dimension_numbers<[1], [0], [0], [1], [0, 0, 1, 1], [], []>, transpose_lhs_hint = false} : vector<128x2048xbf16>, vector<2048x64xbf16>, vector<128x64xf32> -> vector<128x64xf32>
    %convert_element_type3A_367 = arith.truncf %dot_general3A_366 : vector<128x64xf32> to vector<128x64xbf16>
    %swap3A_368 = arith.constant 0 : index
    %swap3A_369 = arith.constant 7 : index
    %swap3A_370 = arith.constant 0 : index
    %swap3A_371 = arith.constant 0 : index
    %swap3A_372 = vector.load %arg6[%swap3A_368, %swap3A_369, %swap3A_370, %swap3A_371] : memref<1x32x128x64xbf16, #tpu.memory_space<vmem>>, vector<1x1x128x64xbf16>
    %swap3A_373 = vector.shape_cast %swap3A_372 : vector<1x1x128x64xbf16> to vector<128x64xbf16>
    %swap3A_374 = vector.shape_cast %convert_element_type3A_367 : vector<128x64xbf16> to vector<1x1x128x64xbf16>
    tpu.vector_store %arg6[%swap3A_368, %swap3A_369, %swap3A_370, %swap3A_371], %swap3A_374 {strides = array<i32>} : memref<1x32x128x64xbf16, #tpu.memory_space<vmem>>, vector<1x1x128x64xbf16>,
    %dot_general3A_375 = arith.constant dense<0.000000e+00> : vector<128x64xf32>
    %dot_general3A_376 = tpu.matmul %convert_element_type3A_364, %convert_element_type3A_14, %dot_general3A_375 {dimension_numbers = #tpu.dot_dimension_numbers<[1], [0], [0], [1], [0, 0, 1, 1], [], []>, transpose_lhs_hint = false} : vector<128x2048xbf16>, vector<2048x64xbf16>, vector<128x64xf32> -> vector<128x64xf32>
    %convert_element_type3A_377 = arith.truncf %dot_general3A_376 : vector<128x64xf32> to vector<128x64xbf16>
    %swap3A_378 = arith.constant 0 : index
    %swap3A_379 = arith.constant 7 : index
    %swap3A_380 = arith.constant 0 : index
    %swap3A_381 = arith.constant 0 : index
    %swap3A_382 = vector.load %arg7[%swap3A_378, %swap3A_379, %swap3A_380, %swap3A_381] : memref<1x32x128x64xbf16, #tpu.memory_space<vmem>>, vector<1x1x128x64xbf16>
    %swap3A_383 = vector.shape_cast %swap3A_382 : vector<1x1x128x64xbf16> to vector<128x64xbf16>
    %swap3A_384 = vector.shape_cast %convert_element_type3A_377 : vector<128x64xbf16> to vector<1x1x128x64xbf16>
    tpu.vector_store %arg7[%swap3A_378, %swap3A_379, %swap3A_380, %swap3A_381], %swap3A_384 {strides = array<i32>} : memref<1x32x128x64xbf16, #tpu.memory_space<vmem>>, vector<1x1x128x64xbf16>,
    %eq3A_385 = vector.broadcast %broadcast_in_dim3A_353 : vector<128x1xi32> to vector<128x2048xi32>
    %eq3A_386 = arith.cmpi eq, %iota3A, %eq3A_385 : vector<128x2048xi32>
    %jit3A_387 = arith.constant 0xFF800000 : f32
    %broadcast_in_dim3A_388 = vector.broadcast %jit3A_387 : f32 to vector<128x2048xf32>
    %select_n3A_389 = arith.select %eq3A_386, %broadcast_in_dim3A_388, %select_n3A_342 : vector<128x2048xi1>, vector<128x2048xf32>
    %reduce_max3A_390 = arith.constant dense<0xFF800000> : vector<128xf32>
    %reduce_max3A_391 = vector.multi_reduction <maximumf>, %select_n3A_389, %reduce_max3A_390 [1] : vector<128x2048xf32> to vector<128xf32>
    %broadcast_in_dim3A_392 = vector.shape_cast %reduce_max3A_391 : vector<128xf32> to vector<128x1xf32>
    %eq3A_393 = vector.broadcast %broadcast_in_dim3A_392 : vector<128x1xf32> to vector<128x2048xf32>
    %eq3A_394 = arith.cmpf oeq, %select_n3A_389, %eq3A_393 : vector<128x2048xf32>
    %jit3A_395 = arith.constant 2048 : i32
    %broadcast_in_dim3A_396 = vector.broadcast %jit3A_395 : i32 to vector<128x2048xi32>
    %select_n3A_397 = arith.select %eq3A_394, %iota3A, %broadcast_in_dim3A_396 : vector<128x2048xi1>, vector<128x2048xi32>
    %reduce_min3A_398 = arith.constant dense<2147483647> : vector<128xi32>
    %reduce_min3A_399 = vector.multi_reduction <minsi>, %select_n3A_397, %reduce_min3A_398 [1] : vector<128x2048xi32> to vector<128xi32>
    %broadcast_in_dim3A_400 = vector.shape_cast %reduce_min3A_399 : vector<128xi32> to vector<128x1xi32>
    %swap3A_401 = arith.constant 0 : index
    %swap3A_402 = arith.constant 0 : index
    %swap3A_403 = arith.constant 8 : index
    %swap3A_404 = vector.load %arg5[%swap3A_401, %swap3A_402, %swap3A_403] : memref<1x128x32xi32, #tpu.memory_space<vmem>>, vector<1x128x1xi32>
    %swap3A_405 = vector.shape_cast %swap3A_404 : vector<1x128x1xi32> to vector<128x1xi32>
    %swap3A_406 = vector.shape_cast %broadcast_in_dim3A_400 : vector<128x1xi32> to vector<1x128x1xi32>
    tpu.vector_store %arg5[%swap3A_401, %swap3A_402, %swap3A_403], %swap3A_406 {strides = array<i32>} : memref<1x128x32xi32, #tpu.memory_space<vmem>>, vector<1x128x1xi32>,
    %eq3A_407 = vector.broadcast %broadcast_in_dim3A_400 : vector<128x1xi32> to vector<128x2048xi32>
    %eq3A_408 = arith.cmpi eq, %iota3A, %eq3A_407 : vector<128x2048xi32>
    %convert_element_type3A_409 = arith.extui %eq3A_408 : vector<128x2048xi1> to vector<128x2048xi32>
    %convert_element_type3A_410 = arith.sitofp %convert_element_type3A_409 : vector<128x2048xi32> to vector<128x2048xf32>
    %convert_element_type3A_411 = arith.truncf %convert_element_type3A_410 : vector<128x2048xf32> to vector<128x2048xbf16>
    %dot_general3A_412 = arith.constant dense<0.000000e+00> : vector<128x64xf32>
    %dot_general3A_413 = tpu.matmul %convert_element_type3A_411, %convert_element_type3A, %dot_general3A_412 {dimension_numbers = #tpu.dot_dimension_numbers<[1], [0], [0], [1], [0, 0, 1, 1], [], []>, transpose_lhs_hint = false} : vector<128x2048xbf16>, vector<2048x64xbf16>, vector<128x64xf32> -> vector<128x64xf32>
    %convert_element_type3A_414 = arith.truncf %dot_general3A_413 : vector<128x64xf32> to vector<128x64xbf16>
    %swap3A_415 = arith.constant 0 : index
    %swap3A_416 = arith.constant 8 : index
    %swap3A_417 = arith.constant 0 : index
    %swap3A_418 = arith.constant 0 : index
    %swap3A_419 = vector.load %arg6[%swap3A_415, %swap3A_416, %swap3A_417, %swap3A_418] : memref<1x32x128x64xbf16, #tpu.memory_space<vmem>>, vector<1x1x128x64xbf16>
    %swap3A_420 = vector.shape_cast %swap3A_419 : vector<1x1x128x64xbf16> to vector<128x64xbf16>
    %swap3A_421 = vector.shape_cast %convert_element_type3A_414 : vector<128x64xbf16> to vector<1x1x128x64xbf16>
    tpu.vector_store %arg6[%swap3A_415, %swap3A_416, %swap3A_417, %swap3A_418], %swap3A_421 {strides = array<i32>} : memref<1x32x128x64xbf16, #tpu.memory_space<vmem>>, vector<1x1x128x64xbf16>,
    %dot_general3A_422 = arith.constant dense<0.000000e+00> : vector<128x64xf32>
    %dot_general3A_423 = tpu.matmul %convert_element_type3A_411, %convert_element_type3A_14, %dot_general3A_422 {dimension_numbers = #tpu.dot_dimension_numbers<[1], [0], [0], [1], [0, 0, 1, 1], [], []>, transpose_lhs_hint = false} : vector<128x2048xbf16>, vector<2048x64xbf16>, vector<128x64xf32> -> vector<128x64xf32>
    %convert_element_type3A_424 = arith.truncf %dot_general3A_423 : vector<128x64xf32> to vector<128x64xbf16>
    %swap3A_425 = arith.constant 0 : index
    %swap3A_426 = arith.constant 8 : index
    %swap3A_427 = arith.constant 0 : index
    %swap3A_428 = arith.constant 0 : index
    %swap3A_429 = vector.load %arg7[%swap3A_425, %swap3A_426, %swap3A_427, %swap3A_428] : memref<1x32x128x64xbf16, #tpu.memory_space<vmem>>, vector<1x1x128x64xbf16>
    %swap3A_430 = vector.shape_cast %swap3A_429 : vector<1x1x128x64xbf16> to vector<128x64xbf16>
    %swap3A_431 = vector.shape_cast %convert_element_type3A_424 : vector<128x64xbf16> to vector<1x1x128x64xbf16>
    tpu.vector_store %arg7[%swap3A_425, %swap3A_426, %swap3A_427, %swap3A_428], %swap3A_431 {strides = array<i32>} : memref<1x32x128x64xbf16, #tpu.memory_space<vmem>>, vector<1x1x128x64xbf16>,
    %eq3A_432 = vector.broadcast %broadcast_in_dim3A_400 : vector<128x1xi32> to vector<128x2048xi32>
    %eq3A_433 = arith.cmpi eq, %iota3A, %eq3A_432 : vector<128x2048xi32>
    %jit3A_434 = arith.constant 0xFF800000 : f32
    %broadcast_in_dim3A_435 = vector.broadcast %jit3A_434 : f32 to vector<128x2048xf32>
    %select_n3A_436 = arith.select %eq3A_433, %broadcast_in_dim3A_435, %select_n3A_389 : vector<128x2048xi1>, vector<128x2048xf32>
    %reduce_max3A_437 = arith.constant dense<0xFF800000> : vector<128xf32>
    %reduce_max3A_438 = vector.multi_reduction <maximumf>, %select_n3A_436, %reduce_max3A_437 [1] : vector<128x2048xf32> to vector<128xf32>
    %broadcast_in_dim3A_439 = vector.shape_cast %reduce_max3A_438 : vector<128xf32> to vector<128x1xf32>
    %eq3A_440 = vector.broadcast %broadcast_in_dim3A_439 : vector<128x1xf32> to vector<128x2048xf32>
    %eq3A_441 = arith.cmpf oeq, %select_n3A_436, %eq3A_440 : vector<128x2048xf32>
    %jit3A_442 = arith.constant 2048 : i32
    %broadcast_in_dim3A_443 = vector.broadcast %jit3A_442 : i32 to vector<128x2048xi32>
    %select_n3A_444 = arith.select %eq3A_441, %iota3A, %broadcast_in_dim3A_443 : vector<128x2048xi1>, vector<128x2048xi32>
    %reduce_min3A_445 = arith.constant dense<2147483647> : vector<128xi32>
    %reduce_min3A_446 = vector.multi_reduction <minsi>, %select_n3A_444, %reduce_min3A_445 [1] : vector<128x2048xi32> to vector<128xi32>
    %broadcast_in_dim3A_447 = vector.shape_cast %reduce_min3A_446 : vector<128xi32> to vector<128x1xi32>
    %swap3A_448 = arith.constant 0 : index
    %swap3A_449 = arith.constant 0 : index
    %swap3A_450 = arith.constant 9 : index
    %swap3A_451 = vector.load %arg5[%swap3A_448, %swap3A_449, %swap3A_450] : memref<1x128x32xi32, #tpu.memory_space<vmem>>, vector<1x128x1xi32>
    %swap3A_452 = vector.shape_cast %swap3A_451 : vector<1x128x1xi32> to vector<128x1xi32>
    %swap3A_453 = vector.shape_cast %broadcast_in_dim3A_447 : vector<128x1xi32> to vector<1x128x1xi32>
    tpu.vector_store %arg5[%swap3A_448, %swap3A_449, %swap3A_450], %swap3A_453 {strides = array<i32>} : memref<1x128x32xi32, #tpu.memory_space<vmem>>, vector<1x128x1xi32>,
    %eq3A_454 = vector.broadcast %broadcast_in_dim3A_447 : vector<128x1xi32> to vector<128x2048xi32>
    %eq3A_455 = arith.cmpi eq, %iota3A, %eq3A_454 : vector<128x2048xi32>
    %convert_element_type3A_456 = arith.extui %eq3A_455 : vector<128x2048xi1> to vector<128x2048xi32>
    %convert_element_type3A_457 = arith.sitofp %convert_element_type3A_456 : vector<128x2048xi32> to vector<128x2048xf32>
    %convert_element_type3A_458 = arith.truncf %convert_element_type3A_457 : vector<128x2048xf32> to vector<128x2048xbf16>
    %dot_general3A_459 = arith.constant dense<0.000000e+00> : vector<128x64xf32>
    %dot_general3A_460 = tpu.matmul %convert_element_type3A_458, %convert_element_type3A, %dot_general3A_459 {dimension_numbers = #tpu.dot_dimension_numbers<[1], [0], [0], [1], [0, 0, 1, 1], [], []>, transpose_lhs_hint = false} : vector<128x2048xbf16>, vector<2048x64xbf16>, vector<128x64xf32> -> vector<128x64xf32>
    %convert_element_type3A_461 = arith.truncf %dot_general3A_460 : vector<128x64xf32> to vector<128x64xbf16>
    %swap3A_462 = arith.constant 0 : index
    %swap3A_463 = arith.constant 9 : index
    %swap3A_464 = arith.constant 0 : index
    %swap3A_465 = arith.constant 0 : index
    %swap3A_466 = vector.load %arg6[%swap3A_462, %swap3A_463, %swap3A_464, %swap3A_465] : memref<1x32x128x64xbf16, #tpu.memory_space<vmem>>, vector<1x1x128x64xbf16>
    %swap3A_467 = vector.shape_cast %swap3A_466 : vector<1x1x128x64xbf16> to vector<128x64xbf16>
    %swap3A_468 = vector.shape_cast %convert_element_type3A_461 : vector<128x64xbf16> to vector<1x1x128x64xbf16>
    tpu.vector_store %arg6[%swap3A_462, %swap3A_463, %swap3A_464, %swap3A_465], %swap3A_468 {strides = array<i32>} : memref<1x32x128x64xbf16, #tpu.memory_space<vmem>>, vector<1x1x128x64xbf16>,
    %dot_general3A_469 = arith.constant dense<0.000000e+00> : vector<128x64xf32>
    %dot_general3A_470 = tpu.matmul %convert_element_type3A_458, %convert_element_type3A_14, %dot_general3A_469 {dimension_numbers = #tpu.dot_dimension_numbers<[1], [0], [0], [1], [0, 0, 1, 1], [], []>, transpose_lhs_hint = false} : vector<128x2048xbf16>, vector<2048x64xbf16>, vector<128x64xf32> -> vector<128x64xf32>
    %convert_element_type3A_471 = arith.truncf %dot_general3A_470 : vector<128x64xf32> to vector<128x64xbf16>
    %swap3A_472 = arith.constant 0 : index
    %swap3A_473 = arith.constant 9 : index
    %swap3A_474 = arith.constant 0 : index
    %swap3A_475 = arith.constant 0 : index
    %swap3A_476 = vector.load %arg7[%swap3A_472, %swap3A_473, %swap3A_474, %swap3A_475] : memref<1x32x128x64xbf16, #tpu.memory_space<vmem>>, vector<1x1x128x64xbf16>
    %swap3A_477 = vector.shape_cast %swap3A_476 : vector<1x1x128x64xbf16> to vector<128x64xbf16>
    %swap3A_478 = vector.shape_cast %convert_element_type3A_471 : vector<128x64xbf16> to vector<1x1x128x64xbf16>
    tpu.vector_store %arg7[%swap3A_472, %swap3A_473, %swap3A_474, %swap3A_475], %swap3A_478 {strides = array<i32>} : memref<1x32x128x64xbf16, #tpu.memory_space<vmem>>, vector<1x1x128x64xbf16>,
    %eq3A_479 = vector.broadcast %broadcast_in_dim3A_447 : vector<128x1xi32> to vector<128x2048xi32>
    %eq3A_480 = arith.cmpi eq, %iota3A, %eq3A_479 : vector<128x2048xi32>
    %jit3A_481 = arith.constant 0xFF800000 : f32
    %broadcast_in_dim3A_482 = vector.broadcast %jit3A_481 : f32 to vector<128x2048xf32>
    %select_n3A_483 = arith.select %eq3A_480, %broadcast_in_dim3A_482, %select_n3A_436 : vector<128x2048xi1>, vector<128x2048xf32>
    %reduce_max3A_484 = arith.constant dense<0xFF800000> : vector<128xf32>
    %reduce_max3A_485 = vector.multi_reduction <maximumf>, %select_n3A_483, %reduce_max3A_484 [1] : vector<128x2048xf32> to vector<128xf32>
    %broadcast_in_dim3A_486 = vector.shape_cast %reduce_max3A_485 : vector<128xf32> to vector<128x1xf32>
    %eq3A_487 = vector.broadcast %broadcast_in_dim3A_486 : vector<128x1xf32> to vector<128x2048xf32>
    %eq3A_488 = arith.cmpf oeq, %select_n3A_483, %eq3A_487 : vector<128x2048xf32>
    %jit3A_489 = arith.constant 2048 : i32
    %broadcast_in_dim3A_490 = vector.broadcast %jit3A_489 : i32 to vector<128x2048xi32>
    %select_n3A_491 = arith.select %eq3A_488, %iota3A, %broadcast_in_dim3A_490 : vector<128x2048xi1>, vector<128x2048xi32>
    %reduce_min3A_492 = arith.constant dense<2147483647> : vector<128xi32>
    %reduce_min3A_493 = vector.multi_reduction <minsi>, %select_n3A_491, %reduce_min3A_492 [1] : vector<128x2048xi32> to vector<128xi32>
    %broadcast_in_dim3A_494 = vector.shape_cast %reduce_min3A_493 : vector<128xi32> to vector<128x1xi32>
    %swap3A_495 = arith.constant 0 : index
    %swap3A_496 = arith.constant 0 : index
    %swap3A_497 = arith.constant 10 : index
    %swap3A_498 = vector.load %arg5[%swap3A_495, %swap3A_496, %swap3A_497] : memref<1x128x32xi32, #tpu.memory_space<vmem>>, vector<1x128x1xi32>
    %swap3A_499 = vector.shape_cast %swap3A_498 : vector<1x128x1xi32> to vector<128x1xi32>
    %swap3A_500 = vector.shape_cast %broadcast_in_dim3A_494 : vector<128x1xi32> to vector<1x128x1xi32>
    tpu.vector_store %arg5[%swap3A_495, %swap3A_496, %swap3A_497], %swap3A_500 {strides = array<i32>} : memref<1x128x32xi32, #tpu.memory_space<vmem>>, vector<1x128x1xi32>,
    %eq3A_501 = vector.broadcast %broadcast_in_dim3A_494 : vector<128x1xi32> to vector<128x2048xi32>
    %eq3A_502 = arith.cmpi eq, %iota3A, %eq3A_501 : vector<128x2048xi32>
    %convert_element_type3A_503 = arith.extui %eq3A_502 : vector<128x2048xi1> to vector<128x2048xi32>
    %convert_element_type3A_504 = arith.sitofp %convert_element_type3A_503 : vector<128x2048xi32> to vector<128x2048xf32>
    %convert_element_type3A_505 = arith.truncf %convert_element_type3A_504 : vector<128x2048xf32> to vector<128x2048xbf16>
    %dot_general3A_506 = arith.constant dense<0.000000e+00> : vector<128x64xf32>
    %dot_general3A_507 = tpu.matmul %convert_element_type3A_505, %convert_element_type3A, %dot_general3A_506 {dimension_numbers = #tpu.dot_dimension_numbers<[1], [0], [0], [1], [0, 0, 1, 1], [], []>, transpose_lhs_hint = false} : vector<128x2048xbf16>, vector<2048x64xbf16>, vector<128x64xf32> -> vector<128x64xf32>
    %convert_element_type3A_508 = arith.truncf %dot_general3A_507 : vector<128x64xf32> to vector<128x64xbf16>
    %swap3A_509 = arith.constant 0 : index
    %swap3A_510 = arith.constant 10 : index
    %swap3A_511 = arith.constant 0 : index
    %swap3A_512 = arith.constant 0 : index
    %swap3A_513 = vector.load %arg6[%swap3A_509, %swap3A_510, %swap3A_511, %swap3A_512] : memref<1x32x128x64xbf16, #tpu.memory_space<vmem>>, vector<1x1x128x64xbf16>
    %swap3A_514 = vector.shape_cast %swap3A_513 : vector<1x1x128x64xbf16> to vector<128x64xbf16>
    %swap3A_515 = vector.shape_cast %convert_element_type3A_508 : vector<128x64xbf16> to vector<1x1x128x64xbf16>
    tpu.vector_store %arg6[%swap3A_509, %swap3A_510, %swap3A_511, %swap3A_512], %swap3A_515 {strides = array<i32>} : memref<1x32x128x64xbf16, #tpu.memory_space<vmem>>, vector<1x1x128x64xbf16>,
    %dot_general3A_516 = arith.constant dense<0.000000e+00> : vector<128x64xf32>
    %dot_general3A_517 = tpu.matmul %convert_element_type3A_505, %convert_element_type3A_14, %dot_general3A_516 {dimension_numbers = #tpu.dot_dimension_numbers<[1], [0], [0], [1], [0, 0, 1, 1], [], []>, transpose_lhs_hint = false} : vector<128x2048xbf16>, vector<2048x64xbf16>, vector<128x64xf32> -> vector<128x64xf32>
    %convert_element_type3A_518 = arith.truncf %dot_general3A_517 : vector<128x64xf32> to vector<128x64xbf16>
    %swap3A_519 = arith.constant 0 : index
    %swap3A_520 = arith.constant 10 : index
    %swap3A_521 = arith.constant 0 : index
    %swap3A_522 = arith.constant 0 : index
    %swap3A_523 = vector.load %arg7[%swap3A_519, %swap3A_520, %swap3A_521, %swap3A_522] : memref<1x32x128x64xbf16, #tpu.memory_space<vmem>>, vector<1x1x128x64xbf16>
    %swap3A_524 = vector.shape_cast %swap3A_523 : vector<1x1x128x64xbf16> to vector<128x64xbf16>
    %swap3A_525 = vector.shape_cast %convert_element_type3A_518 : vector<128x64xbf16> to vector<1x1x128x64xbf16>
    tpu.vector_store %arg7[%swap3A_519, %swap3A_520, %swap3A_521, %swap3A_522], %swap3A_525 {strides = array<i32>} : memref<1x32x128x64xbf16, #tpu.memory_space<vmem>>, vector<1x1x128x64xbf16>,
    %eq3A_526 = vector.broadcast %broadcast_in_dim3A_494 : vector<128x1xi32> to vector<128x2048xi32>
    %eq3A_527 = arith.cmpi eq, %iota3A, %eq3A_526 : vector<128x2048xi32>
    %jit3A_528 = arith.constant 0xFF800000 : f32
    %broadcast_in_dim3A_529 = vector.broadcast %jit3A_528 : f32 to vector<128x2048xf32>
    %select_n3A_530 = arith.select %eq3A_527, %broadcast_in_dim3A_529, %select_n3A_483 : vector<128x2048xi1>, vector<128x2048xf32>
    %reduce_max3A_531 = arith.constant dense<0xFF800000> : vector<128xf32>
    %reduce_max3A_532 = vector.multi_reduction <maximumf>, %select_n3A_530, %reduce_max3A_531 [1] : vector<128x2048xf32> to vector<128xf32>
    %broadcast_in_dim3A_533 = vector.shape_cast %reduce_max3A_532 : vector<128xf32> to vector<128x1xf32>
    %eq3A_534 = vector.broadcast %broadcast_in_dim3A_533 : vector<128x1xf32> to vector<128x2048xf32>
    %eq3A_535 = arith.cmpf oeq, %select_n3A_530, %eq3A_534 : vector<128x2048xf32>
    %jit3A_536 = arith.constant 2048 : i32
    %broadcast_in_dim3A_537 = vector.broadcast %jit3A_536 : i32 to vector<128x2048xi32>
    %select_n3A_538 = arith.select %eq3A_535, %iota3A, %broadcast_in_dim3A_537 : vector<128x2048xi1>, vector<128x2048xi32>
    %reduce_min3A_539 = arith.constant dense<2147483647> : vector<128xi32>
    %reduce_min3A_540 = vector.multi_reduction <minsi>, %select_n3A_538, %reduce_min3A_539 [1] : vector<128x2048xi32> to vector<128xi32>
    %broadcast_in_dim3A_541 = vector.shape_cast %reduce_min3A_540 : vector<128xi32> to vector<128x1xi32>
    %swap3A_542 = arith.constant 0 : index
    %swap3A_543 = arith.constant 0 : index
    %swap3A_544 = arith.constant 11 : index
    %swap3A_545 = vector.load %arg5[%swap3A_542, %swap3A_543, %swap3A_544] : memref<1x128x32xi32, #tpu.memory_space<vmem>>, vector<1x128x1xi32>
    %swap3A_546 = vector.shape_cast %swap3A_545 : vector<1x128x1xi32> to vector<128x1xi32>
    %swap3A_547 = vector.shape_cast %broadcast_in_dim3A_541 : vector<128x1xi32> to vector<1x128x1xi32>
    tpu.vector_store %arg5[%swap3A_542, %swap3A_543, %swap3A_544], %swap3A_547 {strides = array<i32>} : memref<1x128x32xi32, #tpu.memory_space<vmem>>, vector<1x128x1xi32>,
    %eq3A_548 = vector.broadcast %broadcast_in_dim3A_541 : vector<128x1xi32> to vector<128x2048xi32>
    %eq3A_549 = arith.cmpi eq, %iota3A, %eq3A_548 : vector<128x2048xi32>
    %convert_element_type3A_550 = arith.extui %eq3A_549 : vector<128x2048xi1> to vector<128x2048xi32>
    %convert_element_type3A_551 = arith.sitofp %convert_element_type3A_550 : vector<128x2048xi32> to vector<128x2048xf32>
    %convert_element_type3A_552 = arith.truncf %convert_element_type3A_551 : vector<128x2048xf32> to vector<128x2048xbf16>
    %dot_general3A_553 = arith.constant dense<0.000000e+00> : vector<128x64xf32>
    %dot_general3A_554 = tpu.matmul %convert_element_type3A_552, %convert_element_type3A, %dot_general3A_553 {dimension_numbers = #tpu.dot_dimension_numbers<[1], [0], [0], [1], [0, 0, 1, 1], [], []>, transpose_lhs_hint = false} : vector<128x2048xbf16>, vector<2048x64xbf16>, vector<128x64xf32> -> vector<128x64xf32>
    %convert_element_type3A_555 = arith.truncf %dot_general3A_554 : vector<128x64xf32> to vector<128x64xbf16>
    %swap3A_556 = arith.constant 0 : index
    %swap3A_557 = arith.constant 11 : index
    %swap3A_558 = arith.constant 0 : index
    %swap3A_559 = arith.constant 0 : index
    %swap3A_560 = vector.load %arg6[%swap3A_556, %swap3A_557, %swap3A_558, %swap3A_559] : memref<1x32x128x64xbf16, #tpu.memory_space<vmem>>, vector<1x1x128x64xbf16>
    %swap3A_561 = vector.shape_cast %swap3A_560 : vector<1x1x128x64xbf16> to vector<128x64xbf16>
    %swap3A_562 = vector.shape_cast %convert_element_type3A_555 : vector<128x64xbf16> to vector<1x1x128x64xbf16>
    tpu.vector_store %arg6[%swap3A_556, %swap3A_557, %swap3A_558, %swap3A_559], %swap3A_562 {strides = array<i32>} : memref<1x32x128x64xbf16, #tpu.memory_space<vmem>>, vector<1x1x128x64xbf16>,
    %dot_general3A_563 = arith.constant dense<0.000000e+00> : vector<128x64xf32>
    %dot_general3A_564 = tpu.matmul %convert_element_type3A_552, %convert_element_type3A_14, %dot_general3A_563 {dimension_numbers = #tpu.dot_dimension_numbers<[1], [0], [0], [1], [0, 0, 1, 1], [], []>, transpose_lhs_hint = false} : vector<128x2048xbf16>, vector<2048x64xbf16>, vector<128x64xf32> -> vector<128x64xf32>
    %convert_element_type3A_565 = arith.truncf %dot_general3A_564 : vector<128x64xf32> to vector<128x64xbf16>
    %swap3A_566 = arith.constant 0 : index
    %swap3A_567 = arith.constant 11 : index
    %swap3A_568 = arith.constant 0 : index
    %swap3A_569 = arith.constant 0 : index
    %swap3A_570 = vector.load %arg7[%swap3A_566, %swap3A_567, %swap3A_568, %swap3A_569] : memref<1x32x128x64xbf16, #tpu.memory_space<vmem>>, vector<1x1x128x64xbf16>
    %swap3A_571 = vector.shape_cast %swap3A_570 : vector<1x1x128x64xbf16> to vector<128x64xbf16>
    %swap3A_572 = vector.shape_cast %convert_element_type3A_565 : vector<128x64xbf16> to vector<1x1x128x64xbf16>
    tpu.vector_store %arg7[%swap3A_566, %swap3A_567, %swap3A_568, %swap3A_569], %swap3A_572 {strides = array<i32>} : memref<1x32x128x64xbf16, #tpu.memory_space<vmem>>, vector<1x1x128x64xbf16>,
    %eq3A_573 = vector.broadcast %broadcast_in_dim3A_541 : vector<128x1xi32> to vector<128x2048xi32>
    %eq3A_574 = arith.cmpi eq, %iota3A, %eq3A_573 : vector<128x2048xi32>
    %jit3A_575 = arith.constant 0xFF800000 : f32
    %broadcast_in_dim3A_576 = vector.broadcast %jit3A_575 : f32 to vector<128x2048xf32>
    %select_n3A_577 = arith.select %eq3A_574, %broadcast_in_dim3A_576, %select_n3A_530 : vector<128x2048xi1>, vector<128x2048xf32>
    %reduce_max3A_578 = arith.constant dense<0xFF800000> : vector<128xf32>
    %reduce_max3A_579 = vector.multi_reduction <maximumf>, %select_n3A_577, %reduce_max3A_578 [1] : vector<128x2048xf32> to vector<128xf32>
    %broadcast_in_dim3A_580 = vector.shape_cast %reduce_max3A_579 : vector<128xf32> to vector<128x1xf32>
    %eq3A_581 = vector.broadcast %broadcast_in_dim3A_580 : vector<128x1xf32> to vector<128x2048xf32>
    %eq3A_582 = arith.cmpf oeq, %select_n3A_577, %eq3A_581 : vector<128x2048xf32>
    %jit3A_583 = arith.constant 2048 : i32
    %broadcast_in_dim3A_584 = vector.broadcast %jit3A_583 : i32 to vector<128x2048xi32>
    %select_n3A_585 = arith.select %eq3A_582, %iota3A, %broadcast_in_dim3A_584 : vector<128x2048xi1>, vector<128x2048xi32>
    %reduce_min3A_586 = arith.constant dense<2147483647> : vector<128xi32>
    %reduce_min3A_587 = vector.multi_reduction <minsi>, %select_n3A_585, %reduce_min3A_586 [1] : vector<128x2048xi32> to vector<128xi32>
    %broadcast_in_dim3A_588 = vector.shape_cast %reduce_min3A_587 : vector<128xi32> to vector<128x1xi32>
    %swap3A_589 = arith.constant 0 : index
    %swap3A_590 = arith.constant 0 : index
    %swap3A_591 = arith.constant 12 : index
    %swap3A_592 = vector.load %arg5[%swap3A_589, %swap3A_590, %swap3A_591] : memref<1x128x32xi32, #tpu.memory_space<vmem>>, vector<1x128x1xi32>
    %swap3A_593 = vector.shape_cast %swap3A_592 : vector<1x128x1xi32> to vector<128x1xi32>
    %swap3A_594 = vector.shape_cast %broadcast_in_dim3A_588 : vector<128x1xi32> to vector<1x128x1xi32>
    tpu.vector_store %arg5[%swap3A_589, %swap3A_590, %swap3A_591], %swap3A_594 {strides = array<i32>} : memref<1x128x32xi32, #tpu.memory_space<vmem>>, vector<1x128x1xi32>,
    %eq3A_595 = vector.broadcast %broadcast_in_dim3A_588 : vector<128x1xi32> to vector<128x2048xi32>
    %eq3A_596 = arith.cmpi eq, %iota3A, %eq3A_595 : vector<128x2048xi32>
    %convert_element_type3A_597 = arith.extui %eq3A_596 : vector<128x2048xi1> to vector<128x2048xi32>
    %convert_element_type3A_598 = arith.sitofp %convert_element_type3A_597 : vector<128x2048xi32> to vector<128x2048xf32>
    %convert_element_type3A_599 = arith.truncf %convert_element_type3A_598 : vector<128x2048xf32> to vector<128x2048xbf16>
    %dot_general3A_600 = arith.constant dense<0.000000e+00> : vector<128x64xf32>
    %dot_general3A_601 = tpu.matmul %convert_element_type3A_599, %convert_element_type3A, %dot_general3A_600 {dimension_numbers = #tpu.dot_dimension_numbers<[1], [0], [0], [1], [0, 0, 1, 1], [], []>, transpose_lhs_hint = false} : vector<128x2048xbf16>, vector<2048x64xbf16>, vector<128x64xf32> -> vector<128x64xf32>
    %convert_element_type3A_602 = arith.truncf %dot_general3A_601 : vector<128x64xf32> to vector<128x64xbf16>
    %swap3A_603 = arith.constant 0 : index
    %swap3A_604 = arith.constant 12 : index
    %swap3A_605 = arith.constant 0 : index
    %swap3A_606 = arith.constant 0 : index
    %swap3A_607 = vector.load %arg6[%swap3A_603, %swap3A_604, %swap3A_605, %swap3A_606] : memref<1x32x128x64xbf16, #tpu.memory_space<vmem>>, vector<1x1x128x64xbf16>
    %swap3A_608 = vector.shape_cast %swap3A_607 : vector<1x1x128x64xbf16> to vector<128x64xbf16>
    %swap3A_609 = vector.shape_cast %convert_element_type3A_602 : vector<128x64xbf16> to vector<1x1x128x64xbf16>
    tpu.vector_store %arg6[%swap3A_603, %swap3A_604, %swap3A_605, %swap3A_606], %swap3A_609 {strides = array<i32>} : memref<1x32x128x64xbf16, #tpu.memory_space<vmem>>, vector<1x1x128x64xbf16>,
    %dot_general3A_610 = arith.constant dense<0.000000e+00> : vector<128x64xf32>
    %dot_general3A_611 = tpu.matmul %convert_element_type3A_599, %convert_element_type3A_14, %dot_general3A_610 {dimension_numbers = #tpu.dot_dimension_numbers<[1], [0], [0], [1], [0, 0, 1, 1], [], []>, transpose_lhs_hint = false} : vector<128x2048xbf16>, vector<2048x64xbf16>, vector<128x64xf32> -> vector<128x64xf32>
    %convert_element_type3A_612 = arith.truncf %dot_general3A_611 : vector<128x64xf32> to vector<128x64xbf16>
    %swap3A_613 = arith.constant 0 : index
    %swap3A_614 = arith.constant 12 : index
    %swap3A_615 = arith.constant 0 : index
    %swap3A_616 = arith.constant 0 : index
    %swap3A_617 = vector.load %arg7[%swap3A_613, %swap3A_614, %swap3A_615, %swap3A_616] : memref<1x32x128x64xbf16, #tpu.memory_space<vmem>>, vector<1x1x128x64xbf16>
    %swap3A_618 = vector.shape_cast %swap3A_617 : vector<1x1x128x64xbf16> to vector<128x64xbf16>
    %swap3A_619 = vector.shape_cast %convert_element_type3A_612 : vector<128x64xbf16> to vector<1x1x128x64xbf16>
    tpu.vector_store %arg7[%swap3A_613, %swap3A_614, %swap3A_615, %swap3A_616], %swap3A_619 {strides = array<i32>} : memref<1x32x128x64xbf16, #tpu.memory_space<vmem>>, vector<1x1x128x64xbf16>,
    %eq3A_620 = vector.broadcast %broadcast_in_dim3A_588 : vector<128x1xi32> to vector<128x2048xi32>
    %eq3A_621 = arith.cmpi eq, %iota3A, %eq3A_620 : vector<128x2048xi32>
    %jit3A_622 = arith.constant 0xFF800000 : f32
    %broadcast_in_dim3A_623 = vector.broadcast %jit3A_622 : f32 to vector<128x2048xf32>
    %select_n3A_624 = arith.select %eq3A_621, %broadcast_in_dim3A_623, %select_n3A_577 : vector<128x2048xi1>, vector<128x2048xf32>
    %reduce_max3A_625 = arith.constant dense<0xFF800000> : vector<128xf32>
    %reduce_max3A_626 = vector.multi_reduction <maximumf>, %select_n3A_624, %reduce_max3A_625 [1] : vector<128x2048xf32> to vector<128xf32>
    %broadcast_in_dim3A_627 = vector.shape_cast %reduce_max3A_626 : vector<128xf32> to vector<128x1xf32>
    %eq3A_628 = vector.broadcast %broadcast_in_dim3A_627 : vector<128x1xf32> to vector<128x2048xf32>
    %eq3A_629 = arith.cmpf oeq, %select_n3A_624, %eq3A_628 : vector<128x2048xf32>
    %jit3A_630 = arith.constant 2048 : i32
    %broadcast_in_dim3A_631 = vector.broadcast %jit3A_630 : i32 to vector<128x2048xi32>
    %select_n3A_632 = arith.select %eq3A_629, %iota3A, %broadcast_in_dim3A_631 : vector<128x2048xi1>, vector<128x2048xi32>
    %reduce_min3A_633 = arith.constant dense<2147483647> : vector<128xi32>
    %reduce_min3A_634 = vector.multi_reduction <minsi>, %select_n3A_632, %reduce_min3A_633 [1] : vector<128x2048xi32> to vector<128xi32>
    %broadcast_in_dim3A_635 = vector.shape_cast %reduce_min3A_634 : vector<128xi32> to vector<128x1xi32>
    %swap3A_636 = arith.constant 0 : index
    %swap3A_637 = arith.constant 0 : index
    %swap3A_638 = arith.constant 13 : index
    %swap3A_639 = vector.load %arg5[%swap3A_636, %swap3A_637, %swap3A_638] : memref<1x128x32xi32, #tpu.memory_space<vmem>>, vector<1x128x1xi32>
    %swap3A_640 = vector.shape_cast %swap3A_639 : vector<1x128x1xi32> to vector<128x1xi32>
    %swap3A_641 = vector.shape_cast %broadcast_in_dim3A_635 : vector<128x1xi32> to vector<1x128x1xi32>
    tpu.vector_store %arg5[%swap3A_636, %swap3A_637, %swap3A_638], %swap3A_641 {strides = array<i32>} : memref<1x128x32xi32, #tpu.memory_space<vmem>>, vector<1x128x1xi32>,
    %eq3A_642 = vector.broadcast %broadcast_in_dim3A_635 : vector<128x1xi32> to vector<128x2048xi32>
    %eq3A_643 = arith.cmpi eq, %iota3A, %eq3A_642 : vector<128x2048xi32>
    %convert_element_type3A_644 = arith.extui %eq3A_643 : vector<128x2048xi1> to vector<128x2048xi32>
    %convert_element_type3A_645 = arith.sitofp %convert_element_type3A_644 : vector<128x2048xi32> to vector<128x2048xf32>
    %convert_element_type3A_646 = arith.truncf %convert_element_type3A_645 : vector<128x2048xf32> to vector<128x2048xbf16>
    %dot_general3A_647 = arith.constant dense<0.000000e+00> : vector<128x64xf32>
    %dot_general3A_648 = tpu.matmul %convert_element_type3A_646, %convert_element_type3A, %dot_general3A_647 {dimension_numbers = #tpu.dot_dimension_numbers<[1], [0], [0], [1], [0, 0, 1, 1], [], []>, transpose_lhs_hint = false} : vector<128x2048xbf16>, vector<2048x64xbf16>, vector<128x64xf32> -> vector<128x64xf32>
    %convert_element_type3A_649 = arith.truncf %dot_general3A_648 : vector<128x64xf32> to vector<128x64xbf16>
    %swap3A_650 = arith.constant 0 : index
    %swap3A_651 = arith.constant 13 : index
    %swap3A_652 = arith.constant 0 : index
    %swap3A_653 = arith.constant 0 : index
    %swap3A_654 = vector.load %arg6[%swap3A_650, %swap3A_651, %swap3A_652, %swap3A_653] : memref<1x32x128x64xbf16, #tpu.memory_space<vmem>>, vector<1x1x128x64xbf16>
    %swap3A_655 = vector.shape_cast %swap3A_654 : vector<1x1x128x64xbf16> to vector<128x64xbf16>
    %swap3A_656 = vector.shape_cast %convert_element_type3A_649 : vector<128x64xbf16> to vector<1x1x128x64xbf16>
    tpu.vector_store %arg6[%swap3A_650, %swap3A_651, %swap3A_652, %swap3A_653], %swap3A_656 {strides = array<i32>} : memref<1x32x128x64xbf16, #tpu.memory_space<vmem>>, vector<1x1x128x64xbf16>,
    %dot_general3A_657 = arith.constant dense<0.000000e+00> : vector<128x64xf32>
    %dot_general3A_658 = tpu.matmul %convert_element_type3A_646, %convert_element_type3A_14, %dot_general3A_657 {dimension_numbers = #tpu.dot_dimension_numbers<[1], [0], [0], [1], [0, 0, 1, 1], [], []>, transpose_lhs_hint = false} : vector<128x2048xbf16>, vector<2048x64xbf16>, vector<128x64xf32> -> vector<128x64xf32>
    %convert_element_type3A_659 = arith.truncf %dot_general3A_658 : vector<128x64xf32> to vector<128x64xbf16>
    %swap3A_660 = arith.constant 0 : index
    %swap3A_661 = arith.constant 13 : index
    %swap3A_662 = arith.constant 0 : index
    %swap3A_663 = arith.constant 0 : index
    %swap3A_664 = vector.load %arg7[%swap3A_660, %swap3A_661, %swap3A_662, %swap3A_663] : memref<1x32x128x64xbf16, #tpu.memory_space<vmem>>, vector<1x1x128x64xbf16>
    %swap3A_665 = vector.shape_cast %swap3A_664 : vector<1x1x128x64xbf16> to vector<128x64xbf16>
    %swap3A_666 = vector.shape_cast %convert_element_type3A_659 : vector<128x64xbf16> to vector<1x1x128x64xbf16>
    tpu.vector_store %arg7[%swap3A_660, %swap3A_661, %swap3A_662, %swap3A_663], %swap3A_666 {strides = array<i32>} : memref<1x32x128x64xbf16, #tpu.memory_space<vmem>>, vector<1x1x128x64xbf16>,
    %eq3A_667 = vector.broadcast %broadcast_in_dim3A_635 : vector<128x1xi32> to vector<128x2048xi32>
    %eq3A_668 = arith.cmpi eq, %iota3A, %eq3A_667 : vector<128x2048xi32>
    %jit3A_669 = arith.constant 0xFF800000 : f32
    %broadcast_in_dim3A_670 = vector.broadcast %jit3A_669 : f32 to vector<128x2048xf32>
    %select_n3A_671 = arith.select %eq3A_668, %broadcast_in_dim3A_670, %select_n3A_624 : vector<128x2048xi1>, vector<128x2048xf32>
    %reduce_max3A_672 = arith.constant dense<0xFF800000> : vector<128xf32>
    %reduce_max3A_673 = vector.multi_reduction <maximumf>, %select_n3A_671, %reduce_max3A_672 [1] : vector<128x2048xf32> to vector<128xf32>
    %broadcast_in_dim3A_674 = vector.shape_cast %reduce_max3A_673 : vector<128xf32> to vector<128x1xf32>
    %eq3A_675 = vector.broadcast %broadcast_in_dim3A_674 : vector<128x1xf32> to vector<128x2048xf32>
    %eq3A_676 = arith.cmpf oeq, %select_n3A_671, %eq3A_675 : vector<128x2048xf32>
    %jit3A_677 = arith.constant 2048 : i32
    %broadcast_in_dim3A_678 = vector.broadcast %jit3A_677 : i32 to vector<128x2048xi32>
    %select_n3A_679 = arith.select %eq3A_676, %iota3A, %broadcast_in_dim3A_678 : vector<128x2048xi1>, vector<128x2048xi32>
    %reduce_min3A_680 = arith.constant dense<2147483647> : vector<128xi32>
    %reduce_min3A_681 = vector.multi_reduction <minsi>, %select_n3A_679, %reduce_min3A_680 [1] : vector<128x2048xi32> to vector<128xi32>
    %broadcast_in_dim3A_682 = vector.shape_cast %reduce_min3A_681 : vector<128xi32> to vector<128x1xi32>
    %swap3A_683 = arith.constant 0 : index
    %swap3A_684 = arith.constant 0 : index
    %swap3A_685 = arith.constant 14 : index
    %swap3A_686 = vector.load %arg5[%swap3A_683, %swap3A_684, %swap3A_685] : memref<1x128x32xi32, #tpu.memory_space<vmem>>, vector<1x128x1xi32>
    %swap3A_687 = vector.shape_cast %swap3A_686 : vector<1x128x1xi32> to vector<128x1xi32>
    %swap3A_688 = vector.shape_cast %broadcast_in_dim3A_682 : vector<128x1xi32> to vector<1x128x1xi32>
    tpu.vector_store %arg5[%swap3A_683, %swap3A_684, %swap3A_685], %swap3A_688 {strides = array<i32>} : memref<1x128x32xi32, #tpu.memory_space<vmem>>, vector<1x128x1xi32>,
    %eq3A_689 = vector.broadcast %broadcast_in_dim3A_682 : vector<128x1xi32> to vector<128x2048xi32>
    %eq3A_690 = arith.cmpi eq, %iota3A, %eq3A_689 : vector<128x2048xi32>
    %convert_element_type3A_691 = arith.extui %eq3A_690 : vector<128x2048xi1> to vector<128x2048xi32>
    %convert_element_type3A_692 = arith.sitofp %convert_element_type3A_691 : vector<128x2048xi32> to vector<128x2048xf32>
    %convert_element_type3A_693 = arith.truncf %convert_element_type3A_692 : vector<128x2048xf32> to vector<128x2048xbf16>
    %dot_general3A_694 = arith.constant dense<0.000000e+00> : vector<128x64xf32>
    %dot_general3A_695 = tpu.matmul %convert_element_type3A_693, %convert_element_type3A, %dot_general3A_694 {dimension_numbers = #tpu.dot_dimension_numbers<[1], [0], [0], [1], [0, 0, 1, 1], [], []>, transpose_lhs_hint = false} : vector<128x2048xbf16>, vector<2048x64xbf16>, vector<128x64xf32> -> vector<128x64xf32>
    %convert_element_type3A_696 = arith.truncf %dot_general3A_695 : vector<128x64xf32> to vector<128x64xbf16>
    %swap3A_697 = arith.constant 0 : index
    %swap3A_698 = arith.constant 14 : index
    %swap3A_699 = arith.constant 0 : index
    %swap3A_700 = arith.constant 0 : index
    %swap3A_701 = vector.load %arg6[%swap3A_697, %swap3A_698, %swap3A_699, %swap3A_700] : memref<1x32x128x64xbf16, #tpu.memory_space<vmem>>, vector<1x1x128x64xbf16>
    %swap3A_702 = vector.shape_cast %swap3A_701 : vector<1x1x128x64xbf16> to vector<128x64xbf16>
    %swap3A_703 = vector.shape_cast %convert_element_type3A_696 : vector<128x64xbf16> to vector<1x1x128x64xbf16>
    tpu.vector_store %arg6[%swap3A_697, %swap3A_698, %swap3A_699, %swap3A_700], %swap3A_703 {strides = array<i32>} : memref<1x32x128x64xbf16, #tpu.memory_space<vmem>>, vector<1x1x128x64xbf16>,
    %dot_general3A_704 = arith.constant dense<0.000000e+00> : vector<128x64xf32>
    %dot_general3A_705 = tpu.matmul %convert_element_type3A_693, %convert_element_type3A_14, %dot_general3A_704 {dimension_numbers = #tpu.dot_dimension_numbers<[1], [0], [0], [1], [0, 0, 1, 1], [], []>, transpose_lhs_hint = false} : vector<128x2048xbf16>, vector<2048x64xbf16>, vector<128x64xf32> -> vector<128x64xf32>
    %convert_element_type3A_706 = arith.truncf %dot_general3A_705 : vector<128x64xf32> to vector<128x64xbf16>
    %swap3A_707 = arith.constant 0 : index
    %swap3A_708 = arith.constant 14 : index
    %swap3A_709 = arith.constant 0 : index
    %swap3A_710 = arith.constant 0 : index
    %swap3A_711 = vector.load %arg7[%swap3A_707, %swap3A_708, %swap3A_709, %swap3A_710] : memref<1x32x128x64xbf16, #tpu.memory_space<vmem>>, vector<1x1x128x64xbf16>
    %swap3A_712 = vector.shape_cast %swap3A_711 : vector<1x1x128x64xbf16> to vector<128x64xbf16>
    %swap3A_713 = vector.shape_cast %convert_element_type3A_706 : vector<128x64xbf16> to vector<1x1x128x64xbf16>
    tpu.vector_store %arg7[%swap3A_707, %swap3A_708, %swap3A_709, %swap3A_710], %swap3A_713 {strides = array<i32>} : memref<1x32x128x64xbf16, #tpu.memory_space<vmem>>, vector<1x1x128x64xbf16>,
    %eq3A_714 = vector.broadcast %broadcast_in_dim3A_682 : vector<128x1xi32> to vector<128x2048xi32>
    %eq3A_715 = arith.cmpi eq, %iota3A, %eq3A_714 : vector<128x2048xi32>
    %jit3A_716 = arith.constant 0xFF800000 : f32
    %broadcast_in_dim3A_717 = vector.broadcast %jit3A_716 : f32 to vector<128x2048xf32>
    %select_n3A_718 = arith.select %eq3A_715, %broadcast_in_dim3A_717, %select_n3A_671 : vector<128x2048xi1>, vector<128x2048xf32>
    %reduce_max3A_719 = arith.constant dense<0xFF800000> : vector<128xf32>
    %reduce_max3A_720 = vector.multi_reduction <maximumf>, %select_n3A_718, %reduce_max3A_719 [1] : vector<128x2048xf32> to vector<128xf32>
    %broadcast_in_dim3A_721 = vector.shape_cast %reduce_max3A_720 : vector<128xf32> to vector<128x1xf32>
    %eq3A_722 = vector.broadcast %broadcast_in_dim3A_721 : vector<128x1xf32> to vector<128x2048xf32>
    %eq3A_723 = arith.cmpf oeq, %select_n3A_718, %eq3A_722 : vector<128x2048xf32>
    %jit3A_724 = arith.constant 2048 : i32
    %broadcast_in_dim3A_725 = vector.broadcast %jit3A_724 : i32 to vector<128x2048xi32>
    %select_n3A_726 = arith.select %eq3A_723, %iota3A, %broadcast_in_dim3A_725 : vector<128x2048xi1>, vector<128x2048xi32>
    %reduce_min3A_727 = arith.constant dense<2147483647> : vector<128xi32>
    %reduce_min3A_728 = vector.multi_reduction <minsi>, %select_n3A_726, %reduce_min3A_727 [1] : vector<128x2048xi32> to vector<128xi32>
    %broadcast_in_dim3A_729 = vector.shape_cast %reduce_min3A_728 : vector<128xi32> to vector<128x1xi32>
    %swap3A_730 = arith.constant 0 : index
    %swap3A_731 = arith.constant 0 : index
    %swap3A_732 = arith.constant 15 : index
    %swap3A_733 = vector.load %arg5[%swap3A_730, %swap3A_731, %swap3A_732] : memref<1x128x32xi32, #tpu.memory_space<vmem>>, vector<1x128x1xi32>
    %swap3A_734 = vector.shape_cast %swap3A_733 : vector<1x128x1xi32> to vector<128x1xi32>
    %swap3A_735 = vector.shape_cast %broadcast_in_dim3A_729 : vector<128x1xi32> to vector<1x128x1xi32>
    tpu.vector_store %arg5[%swap3A_730, %swap3A_731, %swap3A_732], %swap3A_735 {strides = array<i32>} : memref<1x128x32xi32, #tpu.memory_space<vmem>>, vector<1x128x1xi32>,
    %eq3A_736 = vector.broadcast %broadcast_in_dim3A_729 : vector<128x1xi32> to vector<128x2048xi32>
    %eq3A_737 = arith.cmpi eq, %iota3A, %eq3A_736 : vector<128x2048xi32>
    %convert_element_type3A_738 = arith.extui %eq3A_737 : vector<128x2048xi1> to vector<128x2048xi32>
    %convert_element_type3A_739 = arith.sitofp %convert_element_type3A_738 : vector<128x2048xi32> to vector<128x2048xf32>
    %convert_element_type3A_740 = arith.truncf %convert_element_type3A_739 : vector<128x2048xf32> to vector<128x2048xbf16>
    %dot_general3A_741 = arith.constant dense<0.000000e+00> : vector<128x64xf32>
    %dot_general3A_742 = tpu.matmul %convert_element_type3A_740, %convert_element_type3A, %dot_general3A_741 {dimension_numbers = #tpu.dot_dimension_numbers<[1], [0], [0], [1], [0, 0, 1, 1], [], []>, transpose_lhs_hint = false} : vector<128x2048xbf16>, vector<2048x64xbf16>, vector<128x64xf32> -> vector<128x64xf32>
    %convert_element_type3A_743 = arith.truncf %dot_general3A_742 : vector<128x64xf32> to vector<128x64xbf16>
    %swap3A_744 = arith.constant 0 : index
    %swap3A_745 = arith.constant 15 : index
    %swap3A_746 = arith.constant 0 : index
    %swap3A_747 = arith.constant 0 : index
    %swap3A_748 = vector.load %arg6[%swap3A_744, %swap3A_745, %swap3A_746, %swap3A_747] : memref<1x32x128x64xbf16, #tpu.memory_space<vmem>>, vector<1x1x128x64xbf16>
    %swap3A_749 = vector.shape_cast %swap3A_748 : vector<1x1x128x64xbf16> to vector<128x64xbf16>
    %swap3A_750 = vector.shape_cast %convert_element_type3A_743 : vector<128x64xbf16> to vector<1x1x128x64xbf16>
    tpu.vector_store %arg6[%swap3A_744, %swap3A_745, %swap3A_746, %swap3A_747], %swap3A_750 {strides = array<i32>} : memref<1x32x128x64xbf16, #tpu.memory_space<vmem>>, vector<1x1x128x64xbf16>,
    %dot_general3A_751 = arith.constant dense<0.000000e+00> : vector<128x64xf32>
    %dot_general3A_752 = tpu.matmul %convert_element_type3A_740, %convert_element_type3A_14, %dot_general3A_751 {dimension_numbers = #tpu.dot_dimension_numbers<[1], [0], [0], [1], [0, 0, 1, 1], [], []>, transpose_lhs_hint = false} : vector<128x2048xbf16>, vector<2048x64xbf16>, vector<128x64xf32> -> vector<128x64xf32>
    %convert_element_type3A_753 = arith.truncf %dot_general3A_752 : vector<128x64xf32> to vector<128x64xbf16>
    %swap3A_754 = arith.constant 0 : index
    %swap3A_755 = arith.constant 15 : index
    %swap3A_756 = arith.constant 0 : index
    %swap3A_757 = arith.constant 0 : index
    %swap3A_758 = vector.load %arg7[%swap3A_754, %swap3A_755, %swap3A_756, %swap3A_757] : memref<1x32x128x64xbf16, #tpu.memory_space<vmem>>, vector<1x1x128x64xbf16>
    %swap3A_759 = vector.shape_cast %swap3A_758 : vector<1x1x128x64xbf16> to vector<128x64xbf16>
    %swap3A_760 = vector.shape_cast %convert_element_type3A_753 : vector<128x64xbf16> to vector<1x1x128x64xbf16>
    tpu.vector_store %arg7[%swap3A_754, %swap3A_755, %swap3A_756, %swap3A_757], %swap3A_760 {strides = array<i32>} : memref<1x32x128x64xbf16, #tpu.memory_space<vmem>>, vector<1x1x128x64xbf16>,
    %eq3A_761 = vector.broadcast %broadcast_in_dim3A_729 : vector<128x1xi32> to vector<128x2048xi32>
    %eq3A_762 = arith.cmpi eq, %iota3A, %eq3A_761 : vector<128x2048xi32>
    %jit3A_763 = arith.constant 0xFF800000 : f32
    %broadcast_in_dim3A_764 = vector.broadcast %jit3A_763 : f32 to vector<128x2048xf32>
    %select_n3A_765 = arith.select %eq3A_762, %broadcast_in_dim3A_764, %select_n3A_718 : vector<128x2048xi1>, vector<128x2048xf32>
    %reduce_max3A_766 = arith.constant dense<0xFF800000> : vector<128xf32>
    %reduce_max3A_767 = vector.multi_reduction <maximumf>, %select_n3A_765, %reduce_max3A_766 [1] : vector<128x2048xf32> to vector<128xf32>
    %broadcast_in_dim3A_768 = vector.shape_cast %reduce_max3A_767 : vector<128xf32> to vector<128x1xf32>
    %eq3A_769 = vector.broadcast %broadcast_in_dim3A_768 : vector<128x1xf32> to vector<128x2048xf32>
    %eq3A_770 = arith.cmpf oeq, %select_n3A_765, %eq3A_769 : vector<128x2048xf32>
    %jit3A_771 = arith.constant 2048 : i32
    %broadcast_in_dim3A_772 = vector.broadcast %jit3A_771 : i32 to vector<128x2048xi32>
    %select_n3A_773 = arith.select %eq3A_770, %iota3A, %broadcast_in_dim3A_772 : vector<128x2048xi1>, vector<128x2048xi32>
    %reduce_min3A_774 = arith.constant dense<2147483647> : vector<128xi32>
    %reduce_min3A_775 = vector.multi_reduction <minsi>, %select_n3A_773, %reduce_min3A_774 [1] : vector<128x2048xi32> to vector<128xi32>
    %broadcast_in_dim3A_776 = vector.shape_cast %reduce_min3A_775 : vector<128xi32> to vector<128x1xi32>
    %swap3A_777 = arith.constant 0 : index
    %swap3A_778 = arith.constant 0 : index
    %swap3A_779 = arith.constant 16 : index
    %swap3A_780 = vector.load %arg5[%swap3A_777, %swap3A_778, %swap3A_779] : memref<1x128x32xi32, #tpu.memory_space<vmem>>, vector<1x128x1xi32>
    %swap3A_781 = vector.shape_cast %swap3A_780 : vector<1x128x1xi32> to vector<128x1xi32>
    %swap3A_782 = vector.shape_cast %broadcast_in_dim3A_776 : vector<128x1xi32> to vector<1x128x1xi32>
    tpu.vector_store %arg5[%swap3A_777, %swap3A_778, %swap3A_779], %swap3A_782 {strides = array<i32>} : memref<1x128x32xi32, #tpu.memory_space<vmem>>, vector<1x128x1xi32>,
    %eq3A_783 = vector.broadcast %broadcast_in_dim3A_776 : vector<128x1xi32> to vector<128x2048xi32>
    %eq3A_784 = arith.cmpi eq, %iota3A, %eq3A_783 : vector<128x2048xi32>
    %convert_element_type3A_785 = arith.extui %eq3A_784 : vector<128x2048xi1> to vector<128x2048xi32>
    %convert_element_type3A_786 = arith.sitofp %convert_element_type3A_785 : vector<128x2048xi32> to vector<128x2048xf32>
    %convert_element_type3A_787 = arith.truncf %convert_element_type3A_786 : vector<128x2048xf32> to vector<128x2048xbf16>
    %dot_general3A_788 = arith.constant dense<0.000000e+00> : vector<128x64xf32>
    %dot_general3A_789 = tpu.matmul %convert_element_type3A_787, %convert_element_type3A, %dot_general3A_788 {dimension_numbers = #tpu.dot_dimension_numbers<[1], [0], [0], [1], [0, 0, 1, 1], [], []>, transpose_lhs_hint = false} : vector<128x2048xbf16>, vector<2048x64xbf16>, vector<128x64xf32> -> vector<128x64xf32>
    %convert_element_type3A_790 = arith.truncf %dot_general3A_789 : vector<128x64xf32> to vector<128x64xbf16>
    %swap3A_791 = arith.constant 0 : index
    %swap3A_792 = arith.constant 16 : index
    %swap3A_793 = arith.constant 0 : index
    %swap3A_794 = arith.constant 0 : index
    %swap3A_795 = vector.load %arg6[%swap3A_791, %swap3A_792, %swap3A_793, %swap3A_794] : memref<1x32x128x64xbf16, #tpu.memory_space<vmem>>, vector<1x1x128x64xbf16>
    %swap3A_796 = vector.shape_cast %swap3A_795 : vector<1x1x128x64xbf16> to vector<128x64xbf16>
    %swap3A_797 = vector.shape_cast %convert_element_type3A_790 : vector<128x64xbf16> to vector<1x1x128x64xbf16>
    tpu.vector_store %arg6[%swap3A_791, %swap3A_792, %swap3A_793, %swap3A_794], %swap3A_797 {strides = array<i32>} : memref<1x32x128x64xbf16, #tpu.memory_space<vmem>>, vector<1x1x128x64xbf16>,
    %dot_general3A_798 = arith.constant dense<0.000000e+00> : vector<128x64xf32>
    %dot_general3A_799 = tpu.matmul %convert_element_type3A_787, %convert_element_type3A_14, %dot_general3A_798 {dimension_numbers = #tpu.dot_dimension_numbers<[1], [0], [0], [1], [0, 0, 1, 1], [], []>, transpose_lhs_hint = false} : vector<128x2048xbf16>, vector<2048x64xbf16>, vector<128x64xf32> -> vector<128x64xf32>
    %convert_element_type3A_800 = arith.truncf %dot_general3A_799 : vector<128x64xf32> to vector<128x64xbf16>
    %swap3A_801 = arith.constant 0 : index
    %swap3A_802 = arith.constant 16 : index
    %swap3A_803 = arith.constant 0 : index
    %swap3A_804 = arith.constant 0 : index
    %swap3A_805 = vector.load %arg7[%swap3A_801, %swap3A_802, %swap3A_803, %swap3A_804] : memref<1x32x128x64xbf16, #tpu.memory_space<vmem>>, vector<1x1x128x64xbf16>
    %swap3A_806 = vector.shape_cast %swap3A_805 : vector<1x1x128x64xbf16> to vector<128x64xbf16>
    %swap3A_807 = vector.shape_cast %convert_element_type3A_800 : vector<128x64xbf16> to vector<1x1x128x64xbf16>
    tpu.vector_store %arg7[%swap3A_801, %swap3A_802, %swap3A_803, %swap3A_804], %swap3A_807 {strides = array<i32>} : memref<1x32x128x64xbf16, #tpu.memory_space<vmem>>, vector<1x1x128x64xbf16>,
    %eq3A_808 = vector.broadcast %broadcast_in_dim3A_776 : vector<128x1xi32> to vector<128x2048xi32>
    %eq3A_809 = arith.cmpi eq, %iota3A, %eq3A_808 : vector<128x2048xi32>
    %jit3A_810 = arith.constant 0xFF800000 : f32
    %broadcast_in_dim3A_811 = vector.broadcast %jit3A_810 : f32 to vector<128x2048xf32>
    %select_n3A_812 = arith.select %eq3A_809, %broadcast_in_dim3A_811, %select_n3A_765 : vector<128x2048xi1>, vector<128x2048xf32>
    %reduce_max3A_813 = arith.constant dense<0xFF800000> : vector<128xf32>
    %reduce_max3A_814 = vector.multi_reduction <maximumf>, %select_n3A_812, %reduce_max3A_813 [1] : vector<128x2048xf32> to vector<128xf32>
    %broadcast_in_dim3A_815 = vector.shape_cast %reduce_max3A_814 : vector<128xf32> to vector<128x1xf32>
    %eq3A_816 = vector.broadcast %broadcast_in_dim3A_815 : vector<128x1xf32> to vector<128x2048xf32>
    %eq3A_817 = arith.cmpf oeq, %select_n3A_812, %eq3A_816 : vector<128x2048xf32>
    %jit3A_818 = arith.constant 2048 : i32
    %broadcast_in_dim3A_819 = vector.broadcast %jit3A_818 : i32 to vector<128x2048xi32>
    %select_n3A_820 = arith.select %eq3A_817, %iota3A, %broadcast_in_dim3A_819 : vector<128x2048xi1>, vector<128x2048xi32>
    %reduce_min3A_821 = arith.constant dense<2147483647> : vector<128xi32>
    %reduce_min3A_822 = vector.multi_reduction <minsi>, %select_n3A_820, %reduce_min3A_821 [1] : vector<128x2048xi32> to vector<128xi32>
    %broadcast_in_dim3A_823 = vector.shape_cast %reduce_min3A_822 : vector<128xi32> to vector<128x1xi32>
    %swap3A_824 = arith.constant 0 : index
    %swap3A_825 = arith.constant 0 : index
    %swap3A_826 = arith.constant 17 : index
    %swap3A_827 = vector.load %arg5[%swap3A_824, %swap3A_825, %swap3A_826] : memref<1x128x32xi32, #tpu.memory_space<vmem>>, vector<1x128x1xi32>
    %swap3A_828 = vector.shape_cast %swap3A_827 : vector<1x128x1xi32> to vector<128x1xi32>
    %swap3A_829 = vector.shape_cast %broadcast_in_dim3A_823 : vector<128x1xi32> to vector<1x128x1xi32>
    tpu.vector_store %arg5[%swap3A_824, %swap3A_825, %swap3A_826], %swap3A_829 {strides = array<i32>} : memref<1x128x32xi32, #tpu.memory_space<vmem>>, vector<1x128x1xi32>,
    %eq3A_830 = vector.broadcast %broadcast_in_dim3A_823 : vector<128x1xi32> to vector<128x2048xi32>
    %eq3A_831 = arith.cmpi eq, %iota3A, %eq3A_830 : vector<128x2048xi32>
    %convert_element_type3A_832 = arith.extui %eq3A_831 : vector<128x2048xi1> to vector<128x2048xi32>
    %convert_element_type3A_833 = arith.sitofp %convert_element_type3A_832 : vector<128x2048xi32> to vector<128x2048xf32>
    %convert_element_type3A_834 = arith.truncf %convert_element_type3A_833 : vector<128x2048xf32> to vector<128x2048xbf16>
    %dot_general3A_835 = arith.constant dense<0.000000e+00> : vector<128x64xf32>
    %dot_general3A_836 = tpu.matmul %convert_element_type3A_834, %convert_element_type3A, %dot_general3A_835 {dimension_numbers = #tpu.dot_dimension_numbers<[1], [0], [0], [1], [0, 0, 1, 1], [], []>, transpose_lhs_hint = false} : vector<128x2048xbf16>, vector<2048x64xbf16>, vector<128x64xf32> -> vector<128x64xf32>
    %convert_element_type3A_837 = arith.truncf %dot_general3A_836 : vector<128x64xf32> to vector<128x64xbf16>
    %swap3A_838 = arith.constant 0 : index
    %swap3A_839 = arith.constant 17 : index
    %swap3A_840 = arith.constant 0 : index
    %swap3A_841 = arith.constant 0 : index
    %swap3A_842 = vector.load %arg6[%swap3A_838, %swap3A_839, %swap3A_840, %swap3A_841] : memref<1x32x128x64xbf16, #tpu.memory_space<vmem>>, vector<1x1x128x64xbf16>
    %swap3A_843 = vector.shape_cast %swap3A_842 : vector<1x1x128x64xbf16> to vector<128x64xbf16>
    %swap3A_844 = vector.shape_cast %convert_element_type3A_837 : vector<128x64xbf16> to vector<1x1x128x64xbf16>
    tpu.vector_store %arg6[%swap3A_838, %swap3A_839, %swap3A_840, %swap3A_841], %swap3A_844 {strides = array<i32>} : memref<1x32x128x64xbf16, #tpu.memory_space<vmem>>, vector<1x1x128x64xbf16>,
    %dot_general3A_845 = arith.constant dense<0.000000e+00> : vector<128x64xf32>
    %dot_general3A_846 = tpu.matmul %convert_element_type3A_834, %convert_element_type3A_14, %dot_general3A_845 {dimension_numbers = #tpu.dot_dimension_numbers<[1], [0], [0], [1], [0, 0, 1, 1], [], []>, transpose_lhs_hint = false} : vector<128x2048xbf16>, vector<2048x64xbf16>, vector<128x64xf32> -> vector<128x64xf32>
    %convert_element_type3A_847 = arith.truncf %dot_general3A_846 : vector<128x64xf32> to vector<128x64xbf16>
    %swap3A_848 = arith.constant 0 : index
    %swap3A_849 = arith.constant 17 : index
    %swap3A_850 = arith.constant 0 : index
    %swap3A_851 = arith.constant 0 : index
    %swap3A_852 = vector.load %arg7[%swap3A_848, %swap3A_849, %swap3A_850, %swap3A_851] : memref<1x32x128x64xbf16, #tpu.memory_space<vmem>>, vector<1x1x128x64xbf16>
    %swap3A_853 = vector.shape_cast %swap3A_852 : vector<1x1x128x64xbf16> to vector<128x64xbf16>
    %swap3A_854 = vector.shape_cast %convert_element_type3A_847 : vector<128x64xbf16> to vector<1x1x128x64xbf16>
    tpu.vector_store %arg7[%swap3A_848, %swap3A_849, %swap3A_850, %swap3A_851], %swap3A_854 {strides = array<i32>} : memref<1x32x128x64xbf16, #tpu.memory_space<vmem>>, vector<1x1x128x64xbf16>,
    %eq3A_855 = vector.broadcast %broadcast_in_dim3A_823 : vector<128x1xi32> to vector<128x2048xi32>
    %eq3A_856 = arith.cmpi eq, %iota3A, %eq3A_855 : vector<128x2048xi32>
    %jit3A_857 = arith.constant 0xFF800000 : f32
    %broadcast_in_dim3A_858 = vector.broadcast %jit3A_857 : f32 to vector<128x2048xf32>
    %select_n3A_859 = arith.select %eq3A_856, %broadcast_in_dim3A_858, %select_n3A_812 : vector<128x2048xi1>, vector<128x2048xf32>
    %reduce_max3A_860 = arith.constant dense<0xFF800000> : vector<128xf32>
    %reduce_max3A_861 = vector.multi_reduction <maximumf>, %select_n3A_859, %reduce_max3A_860 [1] : vector<128x2048xf32> to vector<128xf32>
    %broadcast_in_dim3A_862 = vector.shape_cast %reduce_max3A_861 : vector<128xf32> to vector<128x1xf32>
    %eq3A_863 = vector.broadcast %broadcast_in_dim3A_862 : vector<128x1xf32> to vector<128x2048xf32>
    %eq3A_864 = arith.cmpf oeq, %select_n3A_859, %eq3A_863 : vector<128x2048xf32>
    %jit3A_865 = arith.constant 2048 : i32
    %broadcast_in_dim3A_866 = vector.broadcast %jit3A_865 : i32 to vector<128x2048xi32>
    %select_n3A_867 = arith.select %eq3A_864, %iota3A, %broadcast_in_dim3A_866 : vector<128x2048xi1>, vector<128x2048xi32>
    %reduce_min3A_868 = arith.constant dense<2147483647> : vector<128xi32>
    %reduce_min3A_869 = vector.multi_reduction <minsi>, %select_n3A_867, %reduce_min3A_868 [1] : vector<128x2048xi32> to vector<128xi32>
    %broadcast_in_dim3A_870 = vector.shape_cast %reduce_min3A_869 : vector<128xi32> to vector<128x1xi32>
    %swap3A_871 = arith.constant 0 : index
    %swap3A_872 = arith.constant 0 : index
    %swap3A_873 = arith.constant 18 : index
    %swap3A_874 = vector.load %arg5[%swap3A_871, %swap3A_872, %swap3A_873] : memref<1x128x32xi32, #tpu.memory_space<vmem>>, vector<1x128x1xi32>
    %swap3A_875 = vector.shape_cast %swap3A_874 : vector<1x128x1xi32> to vector<128x1xi32>
    %swap3A_876 = vector.shape_cast %broadcast_in_dim3A_870 : vector<128x1xi32> to vector<1x128x1xi32>
    tpu.vector_store %arg5[%swap3A_871, %swap3A_872, %swap3A_873], %swap3A_876 {strides = array<i32>} : memref<1x128x32xi32, #tpu.memory_space<vmem>>, vector<1x128x1xi32>,
    %eq3A_877 = vector.broadcast %broadcast_in_dim3A_870 : vector<128x1xi32> to vector<128x2048xi32>
    %eq3A_878 = arith.cmpi eq, %iota3A, %eq3A_877 : vector<128x2048xi32>
    %convert_element_type3A_879 = arith.extui %eq3A_878 : vector<128x2048xi1> to vector<128x2048xi32>
    %convert_element_type3A_880 = arith.sitofp %convert_element_type3A_879 : vector<128x2048xi32> to vector<128x2048xf32>
    %convert_element_type3A_881 = arith.truncf %convert_element_type3A_880 : vector<128x2048xf32> to vector<128x2048xbf16>
    %dot_general3A_882 = arith.constant dense<0.000000e+00> : vector<128x64xf32>
    %dot_general3A_883 = tpu.matmul %convert_element_type3A_881, %convert_element_type3A, %dot_general3A_882 {dimension_numbers = #tpu.dot_dimension_numbers<[1], [0], [0], [1], [0, 0, 1, 1], [], []>, transpose_lhs_hint = false} : vector<128x2048xbf16>, vector<2048x64xbf16>, vector<128x64xf32> -> vector<128x64xf32>
    %convert_element_type3A_884 = arith.truncf %dot_general3A_883 : vector<128x64xf32> to vector<128x64xbf16>
    %swap3A_885 = arith.constant 0 : index
    %swap3A_886 = arith.constant 18 : index
    %swap3A_887 = arith.constant 0 : index
    %swap3A_888 = arith.constant 0 : index
    %swap3A_889 = vector.load %arg6[%swap3A_885, %swap3A_886, %swap3A_887, %swap3A_888] : memref<1x32x128x64xbf16, #tpu.memory_space<vmem>>, vector<1x1x128x64xbf16>
    %swap3A_890 = vector.shape_cast %swap3A_889 : vector<1x1x128x64xbf16> to vector<128x64xbf16>
    %swap3A_891 = vector.shape_cast %convert_element_type3A_884 : vector<128x64xbf16> to vector<1x1x128x64xbf16>
    tpu.vector_store %arg6[%swap3A_885, %swap3A_886, %swap3A_887, %swap3A_888], %swap3A_891 {strides = array<i32>} : memref<1x32x128x64xbf16, #tpu.memory_space<vmem>>, vector<1x1x128x64xbf16>,
    %dot_general3A_892 = arith.constant dense<0.000000e+00> : vector<128x64xf32>
    %dot_general3A_893 = tpu.matmul %convert_element_type3A_881, %convert_element_type3A_14, %dot_general3A_892 {dimension_numbers = #tpu.dot_dimension_numbers<[1], [0], [0], [1], [0, 0, 1, 1], [], []>, transpose_lhs_hint = false} : vector<128x2048xbf16>, vector<2048x64xbf16>, vector<128x64xf32> -> vector<128x64xf32>
    %convert_element_type3A_894 = arith.truncf %dot_general3A_893 : vector<128x64xf32> to vector<128x64xbf16>
    %swap3A_895 = arith.constant 0 : index
    %swap3A_896 = arith.constant 18 : index
    %swap3A_897 = arith.constant 0 : index
    %swap3A_898 = arith.constant 0 : index
    %swap3A_899 = vector.load %arg7[%swap3A_895, %swap3A_896, %swap3A_897, %swap3A_898] : memref<1x32x128x64xbf16, #tpu.memory_space<vmem>>, vector<1x1x128x64xbf16>
    %swap3A_900 = vector.shape_cast %swap3A_899 : vector<1x1x128x64xbf16> to vector<128x64xbf16>
    %swap3A_901 = vector.shape_cast %convert_element_type3A_894 : vector<128x64xbf16> to vector<1x1x128x64xbf16>
    tpu.vector_store %arg7[%swap3A_895, %swap3A_896, %swap3A_897, %swap3A_898], %swap3A_901 {strides = array<i32>} : memref<1x32x128x64xbf16, #tpu.memory_space<vmem>>, vector<1x1x128x64xbf16>,
    %eq3A_902 = vector.broadcast %broadcast_in_dim3A_870 : vector<128x1xi32> to vector<128x2048xi32>
    %eq3A_903 = arith.cmpi eq, %iota3A, %eq3A_902 : vector<128x2048xi32>
    %jit3A_904 = arith.constant 0xFF800000 : f32
    %broadcast_in_dim3A_905 = vector.broadcast %jit3A_904 : f32 to vector<128x2048xf32>
    %select_n3A_906 = arith.select %eq3A_903, %broadcast_in_dim3A_905, %select_n3A_859 : vector<128x2048xi1>, vector<128x2048xf32>
    %reduce_max3A_907 = arith.constant dense<0xFF800000> : vector<128xf32>
    %reduce_max3A_908 = vector.multi_reduction <maximumf>, %select_n3A_906, %reduce_max3A_907 [1] : vector<128x2048xf32> to vector<128xf32>
    %broadcast_in_dim3A_909 = vector.shape_cast %reduce_max3A_908 : vector<128xf32> to vector<128x1xf32>
    %eq3A_910 = vector.broadcast %broadcast_in_dim3A_909 : vector<128x1xf32> to vector<128x2048xf32>
    %eq3A_911 = arith.cmpf oeq, %select_n3A_906, %eq3A_910 : vector<128x2048xf32>
    %jit3A_912 = arith.constant 2048 : i32
    %broadcast_in_dim3A_913 = vector.broadcast %jit3A_912 : i32 to vector<128x2048xi32>
    %select_n3A_914 = arith.select %eq3A_911, %iota3A, %broadcast_in_dim3A_913 : vector<128x2048xi1>, vector<128x2048xi32>
    %reduce_min3A_915 = arith.constant dense<2147483647> : vector<128xi32>
    %reduce_min3A_916 = vector.multi_reduction <minsi>, %select_n3A_914, %reduce_min3A_915 [1] : vector<128x2048xi32> to vector<128xi32>
    %broadcast_in_dim3A_917 = vector.shape_cast %reduce_min3A_916 : vector<128xi32> to vector<128x1xi32>
    %swap3A_918 = arith.constant 0 : index
    %swap3A_919 = arith.constant 0 : index
    %swap3A_920 = arith.constant 19 : index
    %swap3A_921 = vector.load %arg5[%swap3A_918, %swap3A_919, %swap3A_920] : memref<1x128x32xi32, #tpu.memory_space<vmem>>, vector<1x128x1xi32>
    %swap3A_922 = vector.shape_cast %swap3A_921 : vector<1x128x1xi32> to vector<128x1xi32>
    %swap3A_923 = vector.shape_cast %broadcast_in_dim3A_917 : vector<128x1xi32> to vector<1x128x1xi32>
    tpu.vector_store %arg5[%swap3A_918, %swap3A_919, %swap3A_920], %swap3A_923 {strides = array<i32>} : memref<1x128x32xi32, #tpu.memory_space<vmem>>, vector<1x128x1xi32>,
    %eq3A_924 = vector.broadcast %broadcast_in_dim3A_917 : vector<128x1xi32> to vector<128x2048xi32>
    %eq3A_925 = arith.cmpi eq, %iota3A, %eq3A_924 : vector<128x2048xi32>
    %convert_element_type3A_926 = arith.extui %eq3A_925 : vector<128x2048xi1> to vector<128x2048xi32>
    %convert_element_type3A_927 = arith.sitofp %convert_element_type3A_926 : vector<128x2048xi32> to vector<128x2048xf32>
    %convert_element_type3A_928 = arith.truncf %convert_element_type3A_927 : vector<128x2048xf32> to vector<128x2048xbf16>
    %dot_general3A_929 = arith.constant dense<0.000000e+00> : vector<128x64xf32>
    %dot_general3A_930 = tpu.matmul %convert_element_type3A_928, %convert_element_type3A, %dot_general3A_929 {dimension_numbers = #tpu.dot_dimension_numbers<[1], [0], [0], [1], [0, 0, 1, 1], [], []>, transpose_lhs_hint = false} : vector<128x2048xbf16>, vector<2048x64xbf16>, vector<128x64xf32> -> vector<128x64xf32>
    %convert_element_type3A_931 = arith.truncf %dot_general3A_930 : vector<128x64xf32> to vector<128x64xbf16>
    %swap3A_932 = arith.constant 0 : index
    %swap3A_933 = arith.constant 19 : index
    %swap3A_934 = arith.constant 0 : index
    %swap3A_935 = arith.constant 0 : index
    %swap3A_936 = vector.load %arg6[%swap3A_932, %swap3A_933, %swap3A_934, %swap3A_935] : memref<1x32x128x64xbf16, #tpu.memory_space<vmem>>, vector<1x1x128x64xbf16>
    %swap3A_937 = vector.shape_cast %swap3A_936 : vector<1x1x128x64xbf16> to vector<128x64xbf16>
    %swap3A_938 = vector.shape_cast %convert_element_type3A_931 : vector<128x64xbf16> to vector<1x1x128x64xbf16>
    tpu.vector_store %arg6[%swap3A_932, %swap3A_933, %swap3A_934, %swap3A_935], %swap3A_938 {strides = array<i32>} : memref<1x32x128x64xbf16, #tpu.memory_space<vmem>>, vector<1x1x128x64xbf16>,
    %dot_general3A_939 = arith.constant dense<0.000000e+00> : vector<128x64xf32>
    %dot_general3A_940 = tpu.matmul %convert_element_type3A_928, %convert_element_type3A_14, %dot_general3A_939 {dimension_numbers = #tpu.dot_dimension_numbers<[1], [0], [0], [1], [0, 0, 1, 1], [], []>, transpose_lhs_hint = false} : vector<128x2048xbf16>, vector<2048x64xbf16>, vector<128x64xf32> -> vector<128x64xf32>
    %convert_element_type3A_941 = arith.truncf %dot_general3A_940 : vector<128x64xf32> to vector<128x64xbf16>
    %swap3A_942 = arith.constant 0 : index
    %swap3A_943 = arith.constant 19 : index
    %swap3A_944 = arith.constant 0 : index
    %swap3A_945 = arith.constant 0 : index
    %swap3A_946 = vector.load %arg7[%swap3A_942, %swap3A_943, %swap3A_944, %swap3A_945] : memref<1x32x128x64xbf16, #tpu.memory_space<vmem>>, vector<1x1x128x64xbf16>
    %swap3A_947 = vector.shape_cast %swap3A_946 : vector<1x1x128x64xbf16> to vector<128x64xbf16>
    %swap3A_948 = vector.shape_cast %convert_element_type3A_941 : vector<128x64xbf16> to vector<1x1x128x64xbf16>
    tpu.vector_store %arg7[%swap3A_942, %swap3A_943, %swap3A_944, %swap3A_945], %swap3A_948 {strides = array<i32>} : memref<1x32x128x64xbf16, #tpu.memory_space<vmem>>, vector<1x1x128x64xbf16>,
    %eq3A_949 = vector.broadcast %broadcast_in_dim3A_917 : vector<128x1xi32> to vector<128x2048xi32>
    %eq3A_950 = arith.cmpi eq, %iota3A, %eq3A_949 : vector<128x2048xi32>
    %jit3A_951 = arith.constant 0xFF800000 : f32
    %broadcast_in_dim3A_952 = vector.broadcast %jit3A_951 : f32 to vector<128x2048xf32>
    %select_n3A_953 = arith.select %eq3A_950, %broadcast_in_dim3A_952, %select_n3A_906 : vector<128x2048xi1>, vector<128x2048xf32>
    %reduce_max3A_954 = arith.constant dense<0xFF800000> : vector<128xf32>
    %reduce_max3A_955 = vector.multi_reduction <maximumf>, %select_n3A_953, %reduce_max3A_954 [1] : vector<128x2048xf32> to vector<128xf32>
    %broadcast_in_dim3A_956 = vector.shape_cast %reduce_max3A_955 : vector<128xf32> to vector<128x1xf32>
    %eq3A_957 = vector.broadcast %broadcast_in_dim3A_956 : vector<128x1xf32> to vector<128x2048xf32>
    %eq3A_958 = arith.cmpf oeq, %select_n3A_953, %eq3A_957 : vector<128x2048xf32>
    %jit3A_959 = arith.constant 2048 : i32
    %broadcast_in_dim3A_960 = vector.broadcast %jit3A_959 : i32 to vector<128x2048xi32>
    %select_n3A_961 = arith.select %eq3A_958, %iota3A, %broadcast_in_dim3A_960 : vector<128x2048xi1>, vector<128x2048xi32>
    %reduce_min3A_962 = arith.constant dense<2147483647> : vector<128xi32>
    %reduce_min3A_963 = vector.multi_reduction <minsi>, %select_n3A_961, %reduce_min3A_962 [1] : vector<128x2048xi32> to vector<128xi32>
    %broadcast_in_dim3A_964 = vector.shape_cast %reduce_min3A_963 : vector<128xi32> to vector<128x1xi32>
    %swap3A_965 = arith.constant 0 : index
    %swap3A_966 = arith.constant 0 : index
    %swap3A_967 = arith.constant 20 : index
    %swap3A_968 = vector.load %arg5[%swap3A_965, %swap3A_966, %swap3A_967] : memref<1x128x32xi32, #tpu.memory_space<vmem>>, vector<1x128x1xi32>
    %swap3A_969 = vector.shape_cast %swap3A_968 : vector<1x128x1xi32> to vector<128x1xi32>
    %swap3A_970 = vector.shape_cast %broadcast_in_dim3A_964 : vector<128x1xi32> to vector<1x128x1xi32>
    tpu.vector_store %arg5[%swap3A_965, %swap3A_966, %swap3A_967], %swap3A_970 {strides = array<i32>} : memref<1x128x32xi32, #tpu.memory_space<vmem>>, vector<1x128x1xi32>,
    %eq3A_971 = vector.broadcast %broadcast_in_dim3A_964 : vector<128x1xi32> to vector<128x2048xi32>
    %eq3A_972 = arith.cmpi eq, %iota3A, %eq3A_971 : vector<128x2048xi32>
    %convert_element_type3A_973 = arith.extui %eq3A_972 : vector<128x2048xi1> to vector<128x2048xi32>
    %convert_element_type3A_974 = arith.sitofp %convert_element_type3A_973 : vector<128x2048xi32> to vector<128x2048xf32>
    %convert_element_type3A_975 = arith.truncf %convert_element_type3A_974 : vector<128x2048xf32> to vector<128x2048xbf16>
    %dot_general3A_976 = arith.constant dense<0.000000e+00> : vector<128x64xf32>
    %dot_general3A_977 = tpu.matmul %convert_element_type3A_975, %convert_element_type3A, %dot_general3A_976 {dimension_numbers = #tpu.dot_dimension_numbers<[1], [0], [0], [1], [0, 0, 1, 1], [], []>, transpose_lhs_hint = false} : vector<128x2048xbf16>, vector<2048x64xbf16>, vector<128x64xf32> -> vector<128x64xf32>
    %convert_element_type3A_978 = arith.truncf %dot_general3A_977 : vector<128x64xf32> to vector<128x64xbf16>
    %swap3A_979 = arith.constant 0 : index
    %swap3A_980 = arith.constant 20 : index
    %swap3A_981 = arith.constant 0 : index
    %swap3A_982 = arith.constant 0 : index
    %swap3A_983 = vector.load %arg6[%swap3A_979, %swap3A_980, %swap3A_981, %swap3A_982] : memref<1x32x128x64xbf16, #tpu.memory_space<vmem>>, vector<1x1x128x64xbf16>
    %swap3A_984 = vector.shape_cast %swap3A_983 : vector<1x1x128x64xbf16> to vector<128x64xbf16>
    %swap3A_985 = vector.shape_cast %convert_element_type3A_978 : vector<128x64xbf16> to vector<1x1x128x64xbf16>
    tpu.vector_store %arg6[%swap3A_979, %swap3A_980, %swap3A_981, %swap3A_982], %swap3A_985 {strides = array<i32>} : memref<1x32x128x64xbf16, #tpu.memory_space<vmem>>, vector<1x1x128x64xbf16>,
    %dot_general3A_986 = arith.constant dense<0.000000e+00> : vector<128x64xf32>
    %dot_general3A_987 = tpu.matmul %convert_element_type3A_975, %convert_element_type3A_14, %dot_general3A_986 {dimension_numbers = #tpu.dot_dimension_numbers<[1], [0], [0], [1], [0, 0, 1, 1], [], []>, transpose_lhs_hint = false} : vector<128x2048xbf16>, vector<2048x64xbf16>, vector<128x64xf32> -> vector<128x64xf32>
    %convert_element_type3A_988 = arith.truncf %dot_general3A_987 : vector<128x64xf32> to vector<128x64xbf16>
    %swap3A_989 = arith.constant 0 : index
    %swap3A_990 = arith.constant 20 : index
    %swap3A_991 = arith.constant 0 : index
    %swap3A_992 = arith.constant 0 : index
    %swap3A_993 = vector.load %arg7[%swap3A_989, %swap3A_990, %swap3A_991, %swap3A_992] : memref<1x32x128x64xbf16, #tpu.memory_space<vmem>>, vector<1x1x128x64xbf16>
    %swap3A_994 = vector.shape_cast %swap3A_993 : vector<1x1x128x64xbf16> to vector<128x64xbf16>
    %swap3A_995 = vector.shape_cast %convert_element_type3A_988 : vector<128x64xbf16> to vector<1x1x128x64xbf16>
    tpu.vector_store %arg7[%swap3A_989, %swap3A_990, %swap3A_991, %swap3A_992], %swap3A_995 {strides = array<i32>} : memref<1x32x128x64xbf16, #tpu.memory_space<vmem>>, vector<1x1x128x64xbf16>,
    %eq3A_996 = vector.broadcast %broadcast_in_dim3A_964 : vector<128x1xi32> to vector<128x2048xi32>
    %eq3A_997 = arith.cmpi eq, %iota3A, %eq3A_996 : vector<128x2048xi32>
    %jit3A_998 = arith.constant 0xFF800000 : f32
    %broadcast_in_dim3A_999 = vector.broadcast %jit3A_998 : f32 to vector<128x2048xf32>
    %select_n3A_1000 = arith.select %eq3A_997, %broadcast_in_dim3A_999, %select_n3A_953 : vector<128x2048xi1>, vector<128x2048xf32>
    %reduce_max3A_1001 = arith.constant dense<0xFF800000> : vector<128xf32>
    %reduce_max3A_1002 = vector.multi_reduction <maximumf>, %select_n3A_1000, %reduce_max3A_1001 [1] : vector<128x2048xf32> to vector<128xf32>
    %broadcast_in_dim3A_1003 = vector.shape_cast %reduce_max3A_1002 : vector<128xf32> to vector<128x1xf32>
    %eq3A_1004 = vector.broadcast %broadcast_in_dim3A_1003 : vector<128x1xf32> to vector<128x2048xf32>
    %eq3A_1005 = arith.cmpf oeq, %select_n3A_1000, %eq3A_1004 : vector<128x2048xf32>
    %jit3A_1006 = arith.constant 2048 : i32
    %broadcast_in_dim3A_1007 = vector.broadcast %jit3A_1006 : i32 to vector<128x2048xi32>
    %select_n3A_1008 = arith.select %eq3A_1005, %iota3A, %broadcast_in_dim3A_1007 : vector<128x2048xi1>, vector<128x2048xi32>
    %reduce_min3A_1009 = arith.constant dense<2147483647> : vector<128xi32>
    %reduce_min3A_1010 = vector.multi_reduction <minsi>, %select_n3A_1008, %reduce_min3A_1009 [1] : vector<128x2048xi32> to vector<128xi32>
    %broadcast_in_dim3A_1011 = vector.shape_cast %reduce_min3A_1010 : vector<128xi32> to vector<128x1xi32>
    %swap3A_1012 = arith.constant 0 : index
    %swap3A_1013 = arith.constant 0 : index
    %swap3A_1014 = arith.constant 21 : index
    %swap3A_1015 = vector.load %arg5[%swap3A_1012, %swap3A_1013, %swap3A_1014] : memref<1x128x32xi32, #tpu.memory_space<vmem>>, vector<1x128x1xi32>
    %swap3A_1016 = vector.shape_cast %swap3A_1015 : vector<1x128x1xi32> to vector<128x1xi32>
    %swap3A_1017 = vector.shape_cast %broadcast_in_dim3A_1011 : vector<128x1xi32> to vector<1x128x1xi32>
    tpu.vector_store %arg5[%swap3A_1012, %swap3A_1013, %swap3A_1014], %swap3A_1017 {strides = array<i32>} : memref<1x128x32xi32, #tpu.memory_space<vmem>>, vector<1x128x1xi32>,
    %eq3A_1018 = vector.broadcast %broadcast_in_dim3A_1011 : vector<128x1xi32> to vector<128x2048xi32>
    %eq3A_1019 = arith.cmpi eq, %iota3A, %eq3A_1018 : vector<128x2048xi32>
    %convert_element_type3A_1020 = arith.extui %eq3A_1019 : vector<128x2048xi1> to vector<128x2048xi32>
    %convert_element_type3A_1021 = arith.sitofp %convert_element_type3A_1020 : vector<128x2048xi32> to vector<128x2048xf32>
    %convert_element_type3A_1022 = arith.truncf %convert_element_type3A_1021 : vector<128x2048xf32> to vector<128x2048xbf16>
    %dot_general3A_1023 = arith.constant dense<0.000000e+00> : vector<128x64xf32>
    %dot_general3A_1024 = tpu.matmul %convert_element_type3A_1022, %convert_element_type3A, %dot_general3A_1023 {dimension_numbers = #tpu.dot_dimension_numbers<[1], [0], [0], [1], [0, 0, 1, 1], [], []>, transpose_lhs_hint = false} : vector<128x2048xbf16>, vector<2048x64xbf16>, vector<128x64xf32> -> vector<128x64xf32>
    %convert_element_type3A_1025 = arith.truncf %dot_general3A_1024 : vector<128x64xf32> to vector<128x64xbf16>
    %swap3A_1026 = arith.constant 0 : index
    %swap3A_1027 = arith.constant 21 : index
    %swap3A_1028 = arith.constant 0 : index
    %swap3A_1029 = arith.constant 0 : index
    %swap3A_1030 = vector.load %arg6[%swap3A_1026, %swap3A_1027, %swap3A_1028, %swap3A_1029] : memref<1x32x128x64xbf16, #tpu.memory_space<vmem>>, vector<1x1x128x64xbf16>
    %swap3A_1031 = vector.shape_cast %swap3A_1030 : vector<1x1x128x64xbf16> to vector<128x64xbf16>
    %swap3A_1032 = vector.shape_cast %convert_element_type3A_1025 : vector<128x64xbf16> to vector<1x1x128x64xbf16>
    tpu.vector_store %arg6[%swap3A_1026, %swap3A_1027, %swap3A_1028, %swap3A_1029], %swap3A_1032 {strides = array<i32>} : memref<1x32x128x64xbf16, #tpu.memory_space<vmem>>, vector<1x1x128x64xbf16>,
    %dot_general3A_1033 = arith.constant dense<0.000000e+00> : vector<128x64xf32>
    %dot_general3A_1034 = tpu.matmul %convert_element_type3A_1022, %convert_element_type3A_14, %dot_general3A_1033 {dimension_numbers = #tpu.dot_dimension_numbers<[1], [0], [0], [1], [0, 0, 1, 1], [], []>, transpose_lhs_hint = false} : vector<128x2048xbf16>, vector<2048x64xbf16>, vector<128x64xf32> -> vector<128x64xf32>
    %convert_element_type3A_1035 = arith.truncf %dot_general3A_1034 : vector<128x64xf32> to vector<128x64xbf16>
    %swap3A_1036 = arith.constant 0 : index
    %swap3A_1037 = arith.constant 21 : index
    %swap3A_1038 = arith.constant 0 : index
    %swap3A_1039 = arith.constant 0 : index
    %swap3A_1040 = vector.load %arg7[%swap3A_1036, %swap3A_1037, %swap3A_1038, %swap3A_1039] : memref<1x32x128x64xbf16, #tpu.memory_space<vmem>>, vector<1x1x128x64xbf16>
    %swap3A_1041 = vector.shape_cast %swap3A_1040 : vector<1x1x128x64xbf16> to vector<128x64xbf16>
    %swap3A_1042 = vector.shape_cast %convert_element_type3A_1035 : vector<128x64xbf16> to vector<1x1x128x64xbf16>
    tpu.vector_store %arg7[%swap3A_1036, %swap3A_1037, %swap3A_1038, %swap3A_1039], %swap3A_1042 {strides = array<i32>} : memref<1x32x128x64xbf16, #tpu.memory_space<vmem>>, vector<1x1x128x64xbf16>,
    %eq3A_1043 = vector.broadcast %broadcast_in_dim3A_1011 : vector<128x1xi32> to vector<128x2048xi32>
    %eq3A_1044 = arith.cmpi eq, %iota3A, %eq3A_1043 : vector<128x2048xi32>
    %jit3A_1045 = arith.constant 0xFF800000 : f32
    %broadcast_in_dim3A_1046 = vector.broadcast %jit3A_1045 : f32 to vector<128x2048xf32>
    %select_n3A_1047 = arith.select %eq3A_1044, %broadcast_in_dim3A_1046, %select_n3A_1000 : vector<128x2048xi1>, vector<128x2048xf32>
    %reduce_max3A_1048 = arith.constant dense<0xFF800000> : vector<128xf32>
    %reduce_max3A_1049 = vector.multi_reduction <maximumf>, %select_n3A_1047, %reduce_max3A_1048 [1] : vector<128x2048xf32> to vector<128xf32>
    %broadcast_in_dim3A_1050 = vector.shape_cast %reduce_max3A_1049 : vector<128xf32> to vector<128x1xf32>
    %eq3A_1051 = vector.broadcast %broadcast_in_dim3A_1050 : vector<128x1xf32> to vector<128x2048xf32>
    %eq3A_1052 = arith.cmpf oeq, %select_n3A_1047, %eq3A_1051 : vector<128x2048xf32>
    %jit3A_1053 = arith.constant 2048 : i32
    %broadcast_in_dim3A_1054 = vector.broadcast %jit3A_1053 : i32 to vector<128x2048xi32>
    %select_n3A_1055 = arith.select %eq3A_1052, %iota3A, %broadcast_in_dim3A_1054 : vector<128x2048xi1>, vector<128x2048xi32>
    %reduce_min3A_1056 = arith.constant dense<2147483647> : vector<128xi32>
    %reduce_min3A_1057 = vector.multi_reduction <minsi>, %select_n3A_1055, %reduce_min3A_1056 [1] : vector<128x2048xi32> to vector<128xi32>
    %broadcast_in_dim3A_1058 = vector.shape_cast %reduce_min3A_1057 : vector<128xi32> to vector<128x1xi32>
    %swap3A_1059 = arith.constant 0 : index
    %swap3A_1060 = arith.constant 0 : index
    %swap3A_1061 = arith.constant 22 : index
    %swap3A_1062 = vector.load %arg5[%swap3A_1059, %swap3A_1060, %swap3A_1061] : memref<1x128x32xi32, #tpu.memory_space<vmem>>, vector<1x128x1xi32>
    %swap3A_1063 = vector.shape_cast %swap3A_1062 : vector<1x128x1xi32> to vector<128x1xi32>
    %swap3A_1064 = vector.shape_cast %broadcast_in_dim3A_1058 : vector<128x1xi32> to vector<1x128x1xi32>
    tpu.vector_store %arg5[%swap3A_1059, %swap3A_1060, %swap3A_1061], %swap3A_1064 {strides = array<i32>} : memref<1x128x32xi32, #tpu.memory_space<vmem>>, vector<1x128x1xi32>,
    %eq3A_1065 = vector.broadcast %broadcast_in_dim3A_1058 : vector<128x1xi32> to vector<128x2048xi32>
    %eq3A_1066 = arith.cmpi eq, %iota3A, %eq3A_1065 : vector<128x2048xi32>
    %convert_element_type3A_1067 = arith.extui %eq3A_1066 : vector<128x2048xi1> to vector<128x2048xi32>
    %convert_element_type3A_1068 = arith.sitofp %convert_element_type3A_1067 : vector<128x2048xi32> to vector<128x2048xf32>
    %convert_element_type3A_1069 = arith.truncf %convert_element_type3A_1068 : vector<128x2048xf32> to vector<128x2048xbf16>
    %dot_general3A_1070 = arith.constant dense<0.000000e+00> : vector<128x64xf32>
    %dot_general3A_1071 = tpu.matmul %convert_element_type3A_1069, %convert_element_type3A, %dot_general3A_1070 {dimension_numbers = #tpu.dot_dimension_numbers<[1], [0], [0], [1], [0, 0, 1, 1], [], []>, transpose_lhs_hint = false} : vector<128x2048xbf16>, vector<2048x64xbf16>, vector<128x64xf32> -> vector<128x64xf32>
    %convert_element_type3A_1072 = arith.truncf %dot_general3A_1071 : vector<128x64xf32> to vector<128x64xbf16>
    %swap3A_1073 = arith.constant 0 : index
    %swap3A_1074 = arith.constant 22 : index
    %swap3A_1075 = arith.constant 0 : index
    %swap3A_1076 = arith.constant 0 : index
    %swap3A_1077 = vector.load %arg6[%swap3A_1073, %swap3A_1074, %swap3A_1075, %swap3A_1076] : memref<1x32x128x64xbf16, #tpu.memory_space<vmem>>, vector<1x1x128x64xbf16>
    %swap3A_1078 = vector.shape_cast %swap3A_1077 : vector<1x1x128x64xbf16> to vector<128x64xbf16>
    %swap3A_1079 = vector.shape_cast %convert_element_type3A_1072 : vector<128x64xbf16> to vector<1x1x128x64xbf16>
    tpu.vector_store %arg6[%swap3A_1073, %swap3A_1074, %swap3A_1075, %swap3A_1076], %swap3A_1079 {strides = array<i32>} : memref<1x32x128x64xbf16, #tpu.memory_space<vmem>>, vector<1x1x128x64xbf16>,
    %dot_general3A_1080 = arith.constant dense<0.000000e+00> : vector<128x64xf32>
    %dot_general3A_1081 = tpu.matmul %convert_element_type3A_1069, %convert_element_type3A_14, %dot_general3A_1080 {dimension_numbers = #tpu.dot_dimension_numbers<[1], [0], [0], [1], [0, 0, 1, 1], [], []>, transpose_lhs_hint = false} : vector<128x2048xbf16>, vector<2048x64xbf16>, vector<128x64xf32> -> vector<128x64xf32>
    %convert_element_type3A_1082 = arith.truncf %dot_general3A_1081 : vector<128x64xf32> to vector<128x64xbf16>
    %swap3A_1083 = arith.constant 0 : index
    %swap3A_1084 = arith.constant 22 : index
    %swap3A_1085 = arith.constant 0 : index
    %swap3A_1086 = arith.constant 0 : index
    %swap3A_1087 = vector.load %arg7[%swap3A_1083, %swap3A_1084, %swap3A_1085, %swap3A_1086] : memref<1x32x128x64xbf16, #tpu.memory_space<vmem>>, vector<1x1x128x64xbf16>
    %swap3A_1088 = vector.shape_cast %swap3A_1087 : vector<1x1x128x64xbf16> to vector<128x64xbf16>
    %swap3A_1089 = vector.shape_cast %convert_element_type3A_1082 : vector<128x64xbf16> to vector<1x1x128x64xbf16>
    tpu.vector_store %arg7[%swap3A_1083, %swap3A_1084, %swap3A_1085, %swap3A_1086], %swap3A_1089 {strides = array<i32>} : memref<1x32x128x64xbf16, #tpu.memory_space<vmem>>, vector<1x1x128x64xbf16>,
    %eq3A_1090 = vector.broadcast %broadcast_in_dim3A_1058 : vector<128x1xi32> to vector<128x2048xi32>
    %eq3A_1091 = arith.cmpi eq, %iota3A, %eq3A_1090 : vector<128x2048xi32>
    %jit3A_1092 = arith.constant 0xFF800000 : f32
    %broadcast_in_dim3A_1093 = vector.broadcast %jit3A_1092 : f32 to vector<128x2048xf32>
    %select_n3A_1094 = arith.select %eq3A_1091, %broadcast_in_dim3A_1093, %select_n3A_1047 : vector<128x2048xi1>, vector<128x2048xf32>
    %reduce_max3A_1095 = arith.constant dense<0xFF800000> : vector<128xf32>
    %reduce_max3A_1096 = vector.multi_reduction <maximumf>, %select_n3A_1094, %reduce_max3A_1095 [1] : vector<128x2048xf32> to vector<128xf32>
    %broadcast_in_dim3A_1097 = vector.shape_cast %reduce_max3A_1096 : vector<128xf32> to vector<128x1xf32>
    %eq3A_1098 = vector.broadcast %broadcast_in_dim3A_1097 : vector<128x1xf32> to vector<128x2048xf32>
    %eq3A_1099 = arith.cmpf oeq, %select_n3A_1094, %eq3A_1098 : vector<128x2048xf32>
    %jit3A_1100 = arith.constant 2048 : i32
    %broadcast_in_dim3A_1101 = vector.broadcast %jit3A_1100 : i32 to vector<128x2048xi32>
    %select_n3A_1102 = arith.select %eq3A_1099, %iota3A, %broadcast_in_dim3A_1101 : vector<128x2048xi1>, vector<128x2048xi32>
    %reduce_min3A_1103 = arith.constant dense<2147483647> : vector<128xi32>
    %reduce_min3A_1104 = vector.multi_reduction <minsi>, %select_n3A_1102, %reduce_min3A_1103 [1] : vector<128x2048xi32> to vector<128xi32>
    %broadcast_in_dim3A_1105 = vector.shape_cast %reduce_min3A_1104 : vector<128xi32> to vector<128x1xi32>
    %swap3A_1106 = arith.constant 0 : index
    %swap3A_1107 = arith.constant 0 : index
    %swap3A_1108 = arith.constant 23 : index
    %swap3A_1109 = vector.load %arg5[%swap3A_1106, %swap3A_1107, %swap3A_1108] : memref<1x128x32xi32, #tpu.memory_space<vmem>>, vector<1x128x1xi32>
    %swap3A_1110 = vector.shape_cast %swap3A_1109 : vector<1x128x1xi32> to vector<128x1xi32>
    %swap3A_1111 = vector.shape_cast %broadcast_in_dim3A_1105 : vector<128x1xi32> to vector<1x128x1xi32>
    tpu.vector_store %arg5[%swap3A_1106, %swap3A_1107, %swap3A_1108], %swap3A_1111 {strides = array<i32>} : memref<1x128x32xi32, #tpu.memory_space<vmem>>, vector<1x128x1xi32>,
    %eq3A_1112 = vector.broadcast %broadcast_in_dim3A_1105 : vector<128x1xi32> to vector<128x2048xi32>
    %eq3A_1113 = arith.cmpi eq, %iota3A, %eq3A_1112 : vector<128x2048xi32>
    %convert_element_type3A_1114 = arith.extui %eq3A_1113 : vector<128x2048xi1> to vector<128x2048xi32>
    %convert_element_type3A_1115 = arith.sitofp %convert_element_type3A_1114 : vector<128x2048xi32> to vector<128x2048xf32>
    %convert_element_type3A_1116 = arith.truncf %convert_element_type3A_1115 : vector<128x2048xf32> to vector<128x2048xbf16>
    %dot_general3A_1117 = arith.constant dense<0.000000e+00> : vector<128x64xf32>
    %dot_general3A_1118 = tpu.matmul %convert_element_type3A_1116, %convert_element_type3A, %dot_general3A_1117 {dimension_numbers = #tpu.dot_dimension_numbers<[1], [0], [0], [1], [0, 0, 1, 1], [], []>, transpose_lhs_hint = false} : vector<128x2048xbf16>, vector<2048x64xbf16>, vector<128x64xf32> -> vector<128x64xf32>
    %convert_element_type3A_1119 = arith.truncf %dot_general3A_1118 : vector<128x64xf32> to vector<128x64xbf16>
    %swap3A_1120 = arith.constant 0 : index
    %swap3A_1121 = arith.constant 23 : index
    %swap3A_1122 = arith.constant 0 : index
    %swap3A_1123 = arith.constant 0 : index
    %swap3A_1124 = vector.load %arg6[%swap3A_1120, %swap3A_1121, %swap3A_1122, %swap3A_1123] : memref<1x32x128x64xbf16, #tpu.memory_space<vmem>>, vector<1x1x128x64xbf16>
    %swap3A_1125 = vector.shape_cast %swap3A_1124 : vector<1x1x128x64xbf16> to vector<128x64xbf16>
    %swap3A_1126 = vector.shape_cast %convert_element_type3A_1119 : vector<128x64xbf16> to vector<1x1x128x64xbf16>
    tpu.vector_store %arg6[%swap3A_1120, %swap3A_1121, %swap3A_1122, %swap3A_1123], %swap3A_1126 {strides = array<i32>} : memref<1x32x128x64xbf16, #tpu.memory_space<vmem>>, vector<1x1x128x64xbf16>,
    %dot_general3A_1127 = arith.constant dense<0.000000e+00> : vector<128x64xf32>
    %dot_general3A_1128 = tpu.matmul %convert_element_type3A_1116, %convert_element_type3A_14, %dot_general3A_1127 {dimension_numbers = #tpu.dot_dimension_numbers<[1], [0], [0], [1], [0, 0, 1, 1], [], []>, transpose_lhs_hint = false} : vector<128x2048xbf16>, vector<2048x64xbf16>, vector<128x64xf32> -> vector<128x64xf32>
    %convert_element_type3A_1129 = arith.truncf %dot_general3A_1128 : vector<128x64xf32> to vector<128x64xbf16>
    %swap3A_1130 = arith.constant 0 : index
    %swap3A_1131 = arith.constant 23 : index
    %swap3A_1132 = arith.constant 0 : index
    %swap3A_1133 = arith.constant 0 : index
    %swap3A_1134 = vector.load %arg7[%swap3A_1130, %swap3A_1131, %swap3A_1132, %swap3A_1133] : memref<1x32x128x64xbf16, #tpu.memory_space<vmem>>, vector<1x1x128x64xbf16>
    %swap3A_1135 = vector.shape_cast %swap3A_1134 : vector<1x1x128x64xbf16> to vector<128x64xbf16>
    %swap3A_1136 = vector.shape_cast %convert_element_type3A_1129 : vector<128x64xbf16> to vector<1x1x128x64xbf16>
    tpu.vector_store %arg7[%swap3A_1130, %swap3A_1131, %swap3A_1132, %swap3A_1133], %swap3A_1136 {strides = array<i32>} : memref<1x32x128x64xbf16, #tpu.memory_space<vmem>>, vector<1x1x128x64xbf16>,
    %eq3A_1137 = vector.broadcast %broadcast_in_dim3A_1105 : vector<128x1xi32> to vector<128x2048xi32>
    %eq3A_1138 = arith.cmpi eq, %iota3A, %eq3A_1137 : vector<128x2048xi32>
    %jit3A_1139 = arith.constant 0xFF800000 : f32
    %broadcast_in_dim3A_1140 = vector.broadcast %jit3A_1139 : f32 to vector<128x2048xf32>
    %select_n3A_1141 = arith.select %eq3A_1138, %broadcast_in_dim3A_1140, %select_n3A_1094 : vector<128x2048xi1>, vector<128x2048xf32>
    %reduce_max3A_1142 = arith.constant dense<0xFF800000> : vector<128xf32>
    %reduce_max3A_1143 = vector.multi_reduction <maximumf>, %select_n3A_1141, %reduce_max3A_1142 [1] : vector<128x2048xf32> to vector<128xf32>
    %broadcast_in_dim3A_1144 = vector.shape_cast %reduce_max3A_1143 : vector<128xf32> to vector<128x1xf32>
    %eq3A_1145 = vector.broadcast %broadcast_in_dim3A_1144 : vector<128x1xf32> to vector<128x2048xf32>
    %eq3A_1146 = arith.cmpf oeq, %select_n3A_1141, %eq3A_1145 : vector<128x2048xf32>
    %jit3A_1147 = arith.constant 2048 : i32
    %broadcast_in_dim3A_1148 = vector.broadcast %jit3A_1147 : i32 to vector<128x2048xi32>
    %select_n3A_1149 = arith.select %eq3A_1146, %iota3A, %broadcast_in_dim3A_1148 : vector<128x2048xi1>, vector<128x2048xi32>
    %reduce_min3A_1150 = arith.constant dense<2147483647> : vector<128xi32>
    %reduce_min3A_1151 = vector.multi_reduction <minsi>, %select_n3A_1149, %reduce_min3A_1150 [1] : vector<128x2048xi32> to vector<128xi32>
    %broadcast_in_dim3A_1152 = vector.shape_cast %reduce_min3A_1151 : vector<128xi32> to vector<128x1xi32>
    %swap3A_1153 = arith.constant 0 : index
    %swap3A_1154 = arith.constant 0 : index
    %swap3A_1155 = arith.constant 24 : index
    %swap3A_1156 = vector.load %arg5[%swap3A_1153, %swap3A_1154, %swap3A_1155] : memref<1x128x32xi32, #tpu.memory_space<vmem>>, vector<1x128x1xi32>
    %swap3A_1157 = vector.shape_cast %swap3A_1156 : vector<1x128x1xi32> to vector<128x1xi32>
    %swap3A_1158 = vector.shape_cast %broadcast_in_dim3A_1152 : vector<128x1xi32> to vector<1x128x1xi32>
    tpu.vector_store %arg5[%swap3A_1153, %swap3A_1154, %swap3A_1155], %swap3A_1158 {strides = array<i32>} : memref<1x128x32xi32, #tpu.memory_space<vmem>>, vector<1x128x1xi32>,
    %eq3A_1159 = vector.broadcast %broadcast_in_dim3A_1152 : vector<128x1xi32> to vector<128x2048xi32>
    %eq3A_1160 = arith.cmpi eq, %iota3A, %eq3A_1159 : vector<128x2048xi32>
    %convert_element_type3A_1161 = arith.extui %eq3A_1160 : vector<128x2048xi1> to vector<128x2048xi32>
    %convert_element_type3A_1162 = arith.sitofp %convert_element_type3A_1161 : vector<128x2048xi32> to vector<128x2048xf32>
    %convert_element_type3A_1163 = arith.truncf %convert_element_type3A_1162 : vector<128x2048xf32> to vector<128x2048xbf16>
    %dot_general3A_1164 = arith.constant dense<0.000000e+00> : vector<128x64xf32>
    %dot_general3A_1165 = tpu.matmul %convert_element_type3A_1163, %convert_element_type3A, %dot_general3A_1164 {dimension_numbers = #tpu.dot_dimension_numbers<[1], [0], [0], [1], [0, 0, 1, 1], [], []>, transpose_lhs_hint = false} : vector<128x2048xbf16>, vector<2048x64xbf16>, vector<128x64xf32> -> vector<128x64xf32>
    %convert_element_type3A_1166 = arith.truncf %dot_general3A_1165 : vector<128x64xf32> to vector<128x64xbf16>
    %swap3A_1167 = arith.constant 0 : index
    %swap3A_1168 = arith.constant 24 : index
    %swap3A_1169 = arith.constant 0 : index
    %swap3A_1170 = arith.constant 0 : index
    %swap3A_1171 = vector.load %arg6[%swap3A_1167, %swap3A_1168, %swap3A_1169, %swap3A_1170] : memref<1x32x128x64xbf16, #tpu.memory_space<vmem>>, vector<1x1x128x64xbf16>
    %swap3A_1172 = vector.shape_cast %swap3A_1171 : vector<1x1x128x64xbf16> to vector<128x64xbf16>
    %swap3A_1173 = vector.shape_cast %convert_element_type3A_1166 : vector<128x64xbf16> to vector<1x1x128x64xbf16>
    tpu.vector_store %arg6[%swap3A_1167, %swap3A_1168, %swap3A_1169, %swap3A_1170], %swap3A_1173 {strides = array<i32>} : memref<1x32x128x64xbf16, #tpu.memory_space<vmem>>, vector<1x1x128x64xbf16>,
    %dot_general3A_1174 = arith.constant dense<0.000000e+00> : vector<128x64xf32>
    %dot_general3A_1175 = tpu.matmul %convert_element_type3A_1163, %convert_element_type3A_14, %dot_general3A_1174 {dimension_numbers = #tpu.dot_dimension_numbers<[1], [0], [0], [1], [0, 0, 1, 1], [], []>, transpose_lhs_hint = false} : vector<128x2048xbf16>, vector<2048x64xbf16>, vector<128x64xf32> -> vector<128x64xf32>
    %convert_element_type3A_1176 = arith.truncf %dot_general3A_1175 : vector<128x64xf32> to vector<128x64xbf16>
    %swap3A_1177 = arith.constant 0 : index
    %swap3A_1178 = arith.constant 24 : index
    %swap3A_1179 = arith.constant 0 : index
    %swap3A_1180 = arith.constant 0 : index
    %swap3A_1181 = vector.load %arg7[%swap3A_1177, %swap3A_1178, %swap3A_1179, %swap3A_1180] : memref<1x32x128x64xbf16, #tpu.memory_space<vmem>>, vector<1x1x128x64xbf16>
    %swap3A_1182 = vector.shape_cast %swap3A_1181 : vector<1x1x128x64xbf16> to vector<128x64xbf16>
    %swap3A_1183 = vector.shape_cast %convert_element_type3A_1176 : vector<128x64xbf16> to vector<1x1x128x64xbf16>
    tpu.vector_store %arg7[%swap3A_1177, %swap3A_1178, %swap3A_1179, %swap3A_1180], %swap3A_1183 {strides = array<i32>} : memref<1x32x128x64xbf16, #tpu.memory_space<vmem>>, vector<1x1x128x64xbf16>,
    %eq3A_1184 = vector.broadcast %broadcast_in_dim3A_1152 : vector<128x1xi32> to vector<128x2048xi32>
    %eq3A_1185 = arith.cmpi eq, %iota3A, %eq3A_1184 : vector<128x2048xi32>
    %jit3A_1186 = arith.constant 0xFF800000 : f32
    %broadcast_in_dim3A_1187 = vector.broadcast %jit3A_1186 : f32 to vector<128x2048xf32>
    %select_n3A_1188 = arith.select %eq3A_1185, %broadcast_in_dim3A_1187, %select_n3A_1141 : vector<128x2048xi1>, vector<128x2048xf32>
    %reduce_max3A_1189 = arith.constant dense<0xFF800000> : vector<128xf32>
    %reduce_max3A_1190 = vector.multi_reduction <maximumf>, %select_n3A_1188, %reduce_max3A_1189 [1] : vector<128x2048xf32> to vector<128xf32>
    %broadcast_in_dim3A_1191 = vector.shape_cast %reduce_max3A_1190 : vector<128xf32> to vector<128x1xf32>
    %eq3A_1192 = vector.broadcast %broadcast_in_dim3A_1191 : vector<128x1xf32> to vector<128x2048xf32>
    %eq3A_1193 = arith.cmpf oeq, %select_n3A_1188, %eq3A_1192 : vector<128x2048xf32>
    %jit3A_1194 = arith.constant 2048 : i32
    %broadcast_in_dim3A_1195 = vector.broadcast %jit3A_1194 : i32 to vector<128x2048xi32>
    %select_n3A_1196 = arith.select %eq3A_1193, %iota3A, %broadcast_in_dim3A_1195 : vector<128x2048xi1>, vector<128x2048xi32>
    %reduce_min3A_1197 = arith.constant dense<2147483647> : vector<128xi32>
    %reduce_min3A_1198 = vector.multi_reduction <minsi>, %select_n3A_1196, %reduce_min3A_1197 [1] : vector<128x2048xi32> to vector<128xi32>
    %broadcast_in_dim3A_1199 = vector.shape_cast %reduce_min3A_1198 : vector<128xi32> to vector<128x1xi32>
    %swap3A_1200 = arith.constant 0 : index
    %swap3A_1201 = arith.constant 0 : index
    %swap3A_1202 = arith.constant 25 : index
    %swap3A_1203 = vector.load %arg5[%swap3A_1200, %swap3A_1201, %swap3A_1202] : memref<1x128x32xi32, #tpu.memory_space<vmem>>, vector<1x128x1xi32>
    %swap3A_1204 = vector.shape_cast %swap3A_1203 : vector<1x128x1xi32> to vector<128x1xi32>
    %swap3A_1205 = vector.shape_cast %broadcast_in_dim3A_1199 : vector<128x1xi32> to vector<1x128x1xi32>
    tpu.vector_store %arg5[%swap3A_1200, %swap3A_1201, %swap3A_1202], %swap3A_1205 {strides = array<i32>} : memref<1x128x32xi32, #tpu.memory_space<vmem>>, vector<1x128x1xi32>,
    %eq3A_1206 = vector.broadcast %broadcast_in_dim3A_1199 : vector<128x1xi32> to vector<128x2048xi32>
    %eq3A_1207 = arith.cmpi eq, %iota3A, %eq3A_1206 : vector<128x2048xi32>
    %convert_element_type3A_1208 = arith.extui %eq3A_1207 : vector<128x2048xi1> to vector<128x2048xi32>
    %convert_element_type3A_1209 = arith.sitofp %convert_element_type3A_1208 : vector<128x2048xi32> to vector<128x2048xf32>
    %convert_element_type3A_1210 = arith.truncf %convert_element_type3A_1209 : vector<128x2048xf32> to vector<128x2048xbf16>
    %dot_general3A_1211 = arith.constant dense<0.000000e+00> : vector<128x64xf32>
    %dot_general3A_1212 = tpu.matmul %convert_element_type3A_1210, %convert_element_type3A, %dot_general3A_1211 {dimension_numbers = #tpu.dot_dimension_numbers<[1], [0], [0], [1], [0, 0, 1, 1], [], []>, transpose_lhs_hint = false} : vector<128x2048xbf16>, vector<2048x64xbf16>, vector<128x64xf32> -> vector<128x64xf32>
    %convert_element_type3A_1213 = arith.truncf %dot_general3A_1212 : vector<128x64xf32> to vector<128x64xbf16>
    %swap3A_1214 = arith.constant 0 : index
    %swap3A_1215 = arith.constant 25 : index
    %swap3A_1216 = arith.constant 0 : index
    %swap3A_1217 = arith.constant 0 : index
    %swap3A_1218 = vector.load %arg6[%swap3A_1214, %swap3A_1215, %swap3A_1216, %swap3A_1217] : memref<1x32x128x64xbf16, #tpu.memory_space<vmem>>, vector<1x1x128x64xbf16>
    %swap3A_1219 = vector.shape_cast %swap3A_1218 : vector<1x1x128x64xbf16> to vector<128x64xbf16>
    %swap3A_1220 = vector.shape_cast %convert_element_type3A_1213 : vector<128x64xbf16> to vector<1x1x128x64xbf16>
    tpu.vector_store %arg6[%swap3A_1214, %swap3A_1215, %swap3A_1216, %swap3A_1217], %swap3A_1220 {strides = array<i32>} : memref<1x32x128x64xbf16, #tpu.memory_space<vmem>>, vector<1x1x128x64xbf16>,
    %dot_general3A_1221 = arith.constant dense<0.000000e+00> : vector<128x64xf32>
    %dot_general3A_1222 = tpu.matmul %convert_element_type3A_1210, %convert_element_type3A_14, %dot_general3A_1221 {dimension_numbers = #tpu.dot_dimension_numbers<[1], [0], [0], [1], [0, 0, 1, 1], [], []>, transpose_lhs_hint = false} : vector<128x2048xbf16>, vector<2048x64xbf16>, vector<128x64xf32> -> vector<128x64xf32>
    %convert_element_type3A_1223 = arith.truncf %dot_general3A_1222 : vector<128x64xf32> to vector<128x64xbf16>
    %swap3A_1224 = arith.constant 0 : index
    %swap3A_1225 = arith.constant 25 : index
    %swap3A_1226 = arith.constant 0 : index
    %swap3A_1227 = arith.constant 0 : index
    %swap3A_1228 = vector.load %arg7[%swap3A_1224, %swap3A_1225, %swap3A_1226, %swap3A_1227] : memref<1x32x128x64xbf16, #tpu.memory_space<vmem>>, vector<1x1x128x64xbf16>
    %swap3A_1229 = vector.shape_cast %swap3A_1228 : vector<1x1x128x64xbf16> to vector<128x64xbf16>
    %swap3A_1230 = vector.shape_cast %convert_element_type3A_1223 : vector<128x64xbf16> to vector<1x1x128x64xbf16>
    tpu.vector_store %arg7[%swap3A_1224, %swap3A_1225, %swap3A_1226, %swap3A_1227], %swap3A_1230 {strides = array<i32>} : memref<1x32x128x64xbf16, #tpu.memory_space<vmem>>, vector<1x1x128x64xbf16>,
    %eq3A_1231 = vector.broadcast %broadcast_in_dim3A_1199 : vector<128x1xi32> to vector<128x2048xi32>
    %eq3A_1232 = arith.cmpi eq, %iota3A, %eq3A_1231 : vector<128x2048xi32>
    %jit3A_1233 = arith.constant 0xFF800000 : f32
    %broadcast_in_dim3A_1234 = vector.broadcast %jit3A_1233 : f32 to vector<128x2048xf32>
    %select_n3A_1235 = arith.select %eq3A_1232, %broadcast_in_dim3A_1234, %select_n3A_1188 : vector<128x2048xi1>, vector<128x2048xf32>
    %reduce_max3A_1236 = arith.constant dense<0xFF800000> : vector<128xf32>
    %reduce_max3A_1237 = vector.multi_reduction <maximumf>, %select_n3A_1235, %reduce_max3A_1236 [1] : vector<128x2048xf32> to vector<128xf32>
    %broadcast_in_dim3A_1238 = vector.shape_cast %reduce_max3A_1237 : vector<128xf32> to vector<128x1xf32>
    %eq3A_1239 = vector.broadcast %broadcast_in_dim3A_1238 : vector<128x1xf32> to vector<128x2048xf32>
    %eq3A_1240 = arith.cmpf oeq, %select_n3A_1235, %eq3A_1239 : vector<128x2048xf32>
    %jit3A_1241 = arith.constant 2048 : i32
    %broadcast_in_dim3A_1242 = vector.broadcast %jit3A_1241 : i32 to vector<128x2048xi32>
    %select_n3A_1243 = arith.select %eq3A_1240, %iota3A, %broadcast_in_dim3A_1242 : vector<128x2048xi1>, vector<128x2048xi32>
    %reduce_min3A_1244 = arith.constant dense<2147483647> : vector<128xi32>
    %reduce_min3A_1245 = vector.multi_reduction <minsi>, %select_n3A_1243, %reduce_min3A_1244 [1] : vector<128x2048xi32> to vector<128xi32>
    %broadcast_in_dim3A_1246 = vector.shape_cast %reduce_min3A_1245 : vector<128xi32> to vector<128x1xi32>
    %swap3A_1247 = arith.constant 0 : index
    %swap3A_1248 = arith.constant 0 : index
    %swap3A_1249 = arith.constant 26 : index
    %swap3A_1250 = vector.load %arg5[%swap3A_1247, %swap3A_1248, %swap3A_1249] : memref<1x128x32xi32, #tpu.memory_space<vmem>>, vector<1x128x1xi32>
    %swap3A_1251 = vector.shape_cast %swap3A_1250 : vector<1x128x1xi32> to vector<128x1xi32>
    %swap3A_1252 = vector.shape_cast %broadcast_in_dim3A_1246 : vector<128x1xi32> to vector<1x128x1xi32>
    tpu.vector_store %arg5[%swap3A_1247, %swap3A_1248, %swap3A_1249], %swap3A_1252 {strides = array<i32>} : memref<1x128x32xi32, #tpu.memory_space<vmem>>, vector<1x128x1xi32>,
    %eq3A_1253 = vector.broadcast %broadcast_in_dim3A_1246 : vector<128x1xi32> to vector<128x2048xi32>
    %eq3A_1254 = arith.cmpi eq, %iota3A, %eq3A_1253 : vector<128x2048xi32>
    %convert_element_type3A_1255 = arith.extui %eq3A_1254 : vector<128x2048xi1> to vector<128x2048xi32>
    %convert_element_type3A_1256 = arith.sitofp %convert_element_type3A_1255 : vector<128x2048xi32> to vector<128x2048xf32>
    %convert_element_type3A_1257 = arith.truncf %convert_element_type3A_1256 : vector<128x2048xf32> to vector<128x2048xbf16>
    %dot_general3A_1258 = arith.constant dense<0.000000e+00> : vector<128x64xf32>
    %dot_general3A_1259 = tpu.matmul %convert_element_type3A_1257, %convert_element_type3A, %dot_general3A_1258 {dimension_numbers = #tpu.dot_dimension_numbers<[1], [0], [0], [1], [0, 0, 1, 1], [], []>, transpose_lhs_hint = false} : vector<128x2048xbf16>, vector<2048x64xbf16>, vector<128x64xf32> -> vector<128x64xf32>
    %convert_element_type3A_1260 = arith.truncf %dot_general3A_1259 : vector<128x64xf32> to vector<128x64xbf16>
    %swap3A_1261 = arith.constant 0 : index
    %swap3A_1262 = arith.constant 26 : index
    %swap3A_1263 = arith.constant 0 : index
    %swap3A_1264 = arith.constant 0 : index
    %swap3A_1265 = vector.load %arg6[%swap3A_1261, %swap3A_1262, %swap3A_1263, %swap3A_1264] : memref<1x32x128x64xbf16, #tpu.memory_space<vmem>>, vector<1x1x128x64xbf16>
    %swap3A_1266 = vector.shape_cast %swap3A_1265 : vector<1x1x128x64xbf16> to vector<128x64xbf16>
    %swap3A_1267 = vector.shape_cast %convert_element_type3A_1260 : vector<128x64xbf16> to vector<1x1x128x64xbf16>
    tpu.vector_store %arg6[%swap3A_1261, %swap3A_1262, %swap3A_1263, %swap3A_1264], %swap3A_1267 {strides = array<i32>} : memref<1x32x128x64xbf16, #tpu.memory_space<vmem>>, vector<1x1x128x64xbf16>,
    %dot_general3A_1268 = arith.constant dense<0.000000e+00> : vector<128x64xf32>
    %dot_general3A_1269 = tpu.matmul %convert_element_type3A_1257, %convert_element_type3A_14, %dot_general3A_1268 {dimension_numbers = #tpu.dot_dimension_numbers<[1], [0], [0], [1], [0, 0, 1, 1], [], []>, transpose_lhs_hint = false} : vector<128x2048xbf16>, vector<2048x64xbf16>, vector<128x64xf32> -> vector<128x64xf32>
    %convert_element_type3A_1270 = arith.truncf %dot_general3A_1269 : vector<128x64xf32> to vector<128x64xbf16>
    %swap3A_1271 = arith.constant 0 : index
    %swap3A_1272 = arith.constant 26 : index
    %swap3A_1273 = arith.constant 0 : index
    %swap3A_1274 = arith.constant 0 : index
    %swap3A_1275 = vector.load %arg7[%swap3A_1271, %swap3A_1272, %swap3A_1273, %swap3A_1274] : memref<1x32x128x64xbf16, #tpu.memory_space<vmem>>, vector<1x1x128x64xbf16>
    %swap3A_1276 = vector.shape_cast %swap3A_1275 : vector<1x1x128x64xbf16> to vector<128x64xbf16>
    %swap3A_1277 = vector.shape_cast %convert_element_type3A_1270 : vector<128x64xbf16> to vector<1x1x128x64xbf16>
    tpu.vector_store %arg7[%swap3A_1271, %swap3A_1272, %swap3A_1273, %swap3A_1274], %swap3A_1277 {strides = array<i32>} : memref<1x32x128x64xbf16, #tpu.memory_space<vmem>>, vector<1x1x128x64xbf16>,
    %eq3A_1278 = vector.broadcast %broadcast_in_dim3A_1246 : vector<128x1xi32> to vector<128x2048xi32>
    %eq3A_1279 = arith.cmpi eq, %iota3A, %eq3A_1278 : vector<128x2048xi32>
    %jit3A_1280 = arith.constant 0xFF800000 : f32
    %broadcast_in_dim3A_1281 = vector.broadcast %jit3A_1280 : f32 to vector<128x2048xf32>
    %select_n3A_1282 = arith.select %eq3A_1279, %broadcast_in_dim3A_1281, %select_n3A_1235 : vector<128x2048xi1>, vector<128x2048xf32>
    %reduce_max3A_1283 = arith.constant dense<0xFF800000> : vector<128xf32>
    %reduce_max3A_1284 = vector.multi_reduction <maximumf>, %select_n3A_1282, %reduce_max3A_1283 [1] : vector<128x2048xf32> to vector<128xf32>
    %broadcast_in_dim3A_1285 = vector.shape_cast %reduce_max3A_1284 : vector<128xf32> to vector<128x1xf32>
    %eq3A_1286 = vector.broadcast %broadcast_in_dim3A_1285 : vector<128x1xf32> to vector<128x2048xf32>
    %eq3A_1287 = arith.cmpf oeq, %select_n3A_1282, %eq3A_1286 : vector<128x2048xf32>
    %jit3A_1288 = arith.constant 2048 : i32
    %broadcast_in_dim3A_1289 = vector.broadcast %jit3A_1288 : i32 to vector<128x2048xi32>
    %select_n3A_1290 = arith.select %eq3A_1287, %iota3A, %broadcast_in_dim3A_1289 : vector<128x2048xi1>, vector<128x2048xi32>
    %reduce_min3A_1291 = arith.constant dense<2147483647> : vector<128xi32>
    %reduce_min3A_1292 = vector.multi_reduction <minsi>, %select_n3A_1290, %reduce_min3A_1291 [1] : vector<128x2048xi32> to vector<128xi32>
    %broadcast_in_dim3A_1293 = vector.shape_cast %reduce_min3A_1292 : vector<128xi32> to vector<128x1xi32>
    %swap3A_1294 = arith.constant 0 : index
    %swap3A_1295 = arith.constant 0 : index
    %swap3A_1296 = arith.constant 27 : index
    %swap3A_1297 = vector.load %arg5[%swap3A_1294, %swap3A_1295, %swap3A_1296] : memref<1x128x32xi32, #tpu.memory_space<vmem>>, vector<1x128x1xi32>
    %swap3A_1298 = vector.shape_cast %swap3A_1297 : vector<1x128x1xi32> to vector<128x1xi32>
    %swap3A_1299 = vector.shape_cast %broadcast_in_dim3A_1293 : vector<128x1xi32> to vector<1x128x1xi32>
    tpu.vector_store %arg5[%swap3A_1294, %swap3A_1295, %swap3A_1296], %swap3A_1299 {strides = array<i32>} : memref<1x128x32xi32, #tpu.memory_space<vmem>>, vector<1x128x1xi32>,
    %eq3A_1300 = vector.broadcast %broadcast_in_dim3A_1293 : vector<128x1xi32> to vector<128x2048xi32>
    %eq3A_1301 = arith.cmpi eq, %iota3A, %eq3A_1300 : vector<128x2048xi32>
    %convert_element_type3A_1302 = arith.extui %eq3A_1301 : vector<128x2048xi1> to vector<128x2048xi32>
    %convert_element_type3A_1303 = arith.sitofp %convert_element_type3A_1302 : vector<128x2048xi32> to vector<128x2048xf32>
    %convert_element_type3A_1304 = arith.truncf %convert_element_type3A_1303 : vector<128x2048xf32> to vector<128x2048xbf16>
    %dot_general3A_1305 = arith.constant dense<0.000000e+00> : vector<128x64xf32>
    %dot_general3A_1306 = tpu.matmul %convert_element_type3A_1304, %convert_element_type3A, %dot_general3A_1305 {dimension_numbers = #tpu.dot_dimension_numbers<[1], [0], [0], [1], [0, 0, 1, 1], [], []>, transpose_lhs_hint = false} : vector<128x2048xbf16>, vector<2048x64xbf16>, vector<128x64xf32> -> vector<128x64xf32>
    %convert_element_type3A_1307 = arith.truncf %dot_general3A_1306 : vector<128x64xf32> to vector<128x64xbf16>
    %swap3A_1308 = arith.constant 0 : index
    %swap3A_1309 = arith.constant 27 : index
    %swap3A_1310 = arith.constant 0 : index
    %swap3A_1311 = arith.constant 0 : index
    %swap3A_1312 = vector.load %arg6[%swap3A_1308, %swap3A_1309, %swap3A_1310, %swap3A_1311] : memref<1x32x128x64xbf16, #tpu.memory_space<vmem>>, vector<1x1x128x64xbf16>
    %swap3A_1313 = vector.shape_cast %swap3A_1312 : vector<1x1x128x64xbf16> to vector<128x64xbf16>
    %swap3A_1314 = vector.shape_cast %convert_element_type3A_1307 : vector<128x64xbf16> to vector<1x1x128x64xbf16>
    tpu.vector_store %arg6[%swap3A_1308, %swap3A_1309, %swap3A_1310, %swap3A_1311], %swap3A_1314 {strides = array<i32>} : memref<1x32x128x64xbf16, #tpu.memory_space<vmem>>, vector<1x1x128x64xbf16>,
    %dot_general3A_1315 = arith.constant dense<0.000000e+00> : vector<128x64xf32>
    %dot_general3A_1316 = tpu.matmul %convert_element_type3A_1304, %convert_element_type3A_14, %dot_general3A_1315 {dimension_numbers = #tpu.dot_dimension_numbers<[1], [0], [0], [1], [0, 0, 1, 1], [], []>, transpose_lhs_hint = false} : vector<128x2048xbf16>, vector<2048x64xbf16>, vector<128x64xf32> -> vector<128x64xf32>
    %convert_element_type3A_1317 = arith.truncf %dot_general3A_1316 : vector<128x64xf32> to vector<128x64xbf16>
    %swap3A_1318 = arith.constant 0 : index
    %swap3A_1319 = arith.constant 27 : index
    %swap3A_1320 = arith.constant 0 : index
    %swap3A_1321 = arith.constant 0 : index
    %swap3A_1322 = vector.load %arg7[%swap3A_1318, %swap3A_1319, %swap3A_1320, %swap3A_1321] : memref<1x32x128x64xbf16, #tpu.memory_space<vmem>>, vector<1x1x128x64xbf16>
    %swap3A_1323 = vector.shape_cast %swap3A_1322 : vector<1x1x128x64xbf16> to vector<128x64xbf16>
    %swap3A_1324 = vector.shape_cast %convert_element_type3A_1317 : vector<128x64xbf16> to vector<1x1x128x64xbf16>
    tpu.vector_store %arg7[%swap3A_1318, %swap3A_1319, %swap3A_1320, %swap3A_1321], %swap3A_1324 {strides = array<i32>} : memref<1x32x128x64xbf16, #tpu.memory_space<vmem>>, vector<1x1x128x64xbf16>,
    %eq3A_1325 = vector.broadcast %broadcast_in_dim3A_1293 : vector<128x1xi32> to vector<128x2048xi32>
    %eq3A_1326 = arith.cmpi eq, %iota3A, %eq3A_1325 : vector<128x2048xi32>
    %jit3A_1327 = arith.constant 0xFF800000 : f32
    %broadcast_in_dim3A_1328 = vector.broadcast %jit3A_1327 : f32 to vector<128x2048xf32>
    %select_n3A_1329 = arith.select %eq3A_1326, %broadcast_in_dim3A_1328, %select_n3A_1282 : vector<128x2048xi1>, vector<128x2048xf32>
    %reduce_max3A_1330 = arith.constant dense<0xFF800000> : vector<128xf32>
    %reduce_max3A_1331 = vector.multi_reduction <maximumf>, %select_n3A_1329, %reduce_max3A_1330 [1] : vector<128x2048xf32> to vector<128xf32>
    %broadcast_in_dim3A_1332 = vector.shape_cast %reduce_max3A_1331 : vector<128xf32> to vector<128x1xf32>
    %eq3A_1333 = vector.broadcast %broadcast_in_dim3A_1332 : vector<128x1xf32> to vector<128x2048xf32>
    %eq3A_1334 = arith.cmpf oeq, %select_n3A_1329, %eq3A_1333 : vector<128x2048xf32>
    %jit3A_1335 = arith.constant 2048 : i32
    %broadcast_in_dim3A_1336 = vector.broadcast %jit3A_1335 : i32 to vector<128x2048xi32>
    %select_n3A_1337 = arith.select %eq3A_1334, %iota3A, %broadcast_in_dim3A_1336 : vector<128x2048xi1>, vector<128x2048xi32>
    %reduce_min3A_1338 = arith.constant dense<2147483647> : vector<128xi32>
    %reduce_min3A_1339 = vector.multi_reduction <minsi>, %select_n3A_1337, %reduce_min3A_1338 [1] : vector<128x2048xi32> to vector<128xi32>
    %broadcast_in_dim3A_1340 = vector.shape_cast %reduce_min3A_1339 : vector<128xi32> to vector<128x1xi32>
    %swap3A_1341 = arith.constant 0 : index
    %swap3A_1342 = arith.constant 0 : index
    %swap3A_1343 = arith.constant 28 : index
    %swap3A_1344 = vector.load %arg5[%swap3A_1341, %swap3A_1342, %swap3A_1343] : memref<1x128x32xi32, #tpu.memory_space<vmem>>, vector<1x128x1xi32>
    %swap3A_1345 = vector.shape_cast %swap3A_1344 : vector<1x128x1xi32> to vector<128x1xi32>
    %swap3A_1346 = vector.shape_cast %broadcast_in_dim3A_1340 : vector<128x1xi32> to vector<1x128x1xi32>
    tpu.vector_store %arg5[%swap3A_1341, %swap3A_1342, %swap3A_1343], %swap3A_1346 {strides = array<i32>} : memref<1x128x32xi32, #tpu.memory_space<vmem>>, vector<1x128x1xi32>,
    %eq3A_1347 = vector.broadcast %broadcast_in_dim3A_1340 : vector<128x1xi32> to vector<128x2048xi32>
    %eq3A_1348 = arith.cmpi eq, %iota3A, %eq3A_1347 : vector<128x2048xi32>
    %convert_element_type3A_1349 = arith.extui %eq3A_1348 : vector<128x2048xi1> to vector<128x2048xi32>
    %convert_element_type3A_1350 = arith.sitofp %convert_element_type3A_1349 : vector<128x2048xi32> to vector<128x2048xf32>
    %convert_element_type3A_1351 = arith.truncf %convert_element_type3A_1350 : vector<128x2048xf32> to vector<128x2048xbf16>
    %dot_general3A_1352 = arith.constant dense<0.000000e+00> : vector<128x64xf32>
    %dot_general3A_1353 = tpu.matmul %convert_element_type3A_1351, %convert_element_type3A, %dot_general3A_1352 {dimension_numbers = #tpu.dot_dimension_numbers<[1], [0], [0], [1], [0, 0, 1, 1], [], []>, transpose_lhs_hint = false} : vector<128x2048xbf16>, vector<2048x64xbf16>, vector<128x64xf32> -> vector<128x64xf32>
    %convert_element_type3A_1354 = arith.truncf %dot_general3A_1353 : vector<128x64xf32> to vector<128x64xbf16>
    %swap3A_1355 = arith.constant 0 : index
    %swap3A_1356 = arith.constant 28 : index
    %swap3A_1357 = arith.constant 0 : index
    %swap3A_1358 = arith.constant 0 : index
    %swap3A_1359 = vector.load %arg6[%swap3A_1355, %swap3A_1356, %swap3A_1357, %swap3A_1358] : memref<1x32x128x64xbf16, #tpu.memory_space<vmem>>, vector<1x1x128x64xbf16>
    %swap3A_1360 = vector.shape_cast %swap3A_1359 : vector<1x1x128x64xbf16> to vector<128x64xbf16>
    %swap3A_1361 = vector.shape_cast %convert_element_type3A_1354 : vector<128x64xbf16> to vector<1x1x128x64xbf16>
    tpu.vector_store %arg6[%swap3A_1355, %swap3A_1356, %swap3A_1357, %swap3A_1358], %swap3A_1361 {strides = array<i32>} : memref<1x32x128x64xbf16, #tpu.memory_space<vmem>>, vector<1x1x128x64xbf16>,
    %dot_general3A_1362 = arith.constant dense<0.000000e+00> : vector<128x64xf32>
    %dot_general3A_1363 = tpu.matmul %convert_element_type3A_1351, %convert_element_type3A_14, %dot_general3A_1362 {dimension_numbers = #tpu.dot_dimension_numbers<[1], [0], [0], [1], [0, 0, 1, 1], [], []>, transpose_lhs_hint = false} : vector<128x2048xbf16>, vector<2048x64xbf16>, vector<128x64xf32> -> vector<128x64xf32>
    %convert_element_type3A_1364 = arith.truncf %dot_general3A_1363 : vector<128x64xf32> to vector<128x64xbf16>
    %swap3A_1365 = arith.constant 0 : index
    %swap3A_1366 = arith.constant 28 : index
    %swap3A_1367 = arith.constant 0 : index
    %swap3A_1368 = arith.constant 0 : index
    %swap3A_1369 = vector.load %arg7[%swap3A_1365, %swap3A_1366, %swap3A_1367, %swap3A_1368] : memref<1x32x128x64xbf16, #tpu.memory_space<vmem>>, vector<1x1x128x64xbf16>
    %swap3A_1370 = vector.shape_cast %swap3A_1369 : vector<1x1x128x64xbf16> to vector<128x64xbf16>
    %swap3A_1371 = vector.shape_cast %convert_element_type3A_1364 : vector<128x64xbf16> to vector<1x1x128x64xbf16>
    tpu.vector_store %arg7[%swap3A_1365, %swap3A_1366, %swap3A_1367, %swap3A_1368], %swap3A_1371 {strides = array<i32>} : memref<1x32x128x64xbf16, #tpu.memory_space<vmem>>, vector<1x1x128x64xbf16>,
    %eq3A_1372 = vector.broadcast %broadcast_in_dim3A_1340 : vector<128x1xi32> to vector<128x2048xi32>
    %eq3A_1373 = arith.cmpi eq, %iota3A, %eq3A_1372 : vector<128x2048xi32>
    %jit3A_1374 = arith.constant 0xFF800000 : f32
    %broadcast_in_dim3A_1375 = vector.broadcast %jit3A_1374 : f32 to vector<128x2048xf32>
    %select_n3A_1376 = arith.select %eq3A_1373, %broadcast_in_dim3A_1375, %select_n3A_1329 : vector<128x2048xi1>, vector<128x2048xf32>
    %reduce_max3A_1377 = arith.constant dense<0xFF800000> : vector<128xf32>
    %reduce_max3A_1378 = vector.multi_reduction <maximumf>, %select_n3A_1376, %reduce_max3A_1377 [1] : vector<128x2048xf32> to vector<128xf32>
    %broadcast_in_dim3A_1379 = vector.shape_cast %reduce_max3A_1378 : vector<128xf32> to vector<128x1xf32>
    %eq3A_1380 = vector.broadcast %broadcast_in_dim3A_1379 : vector<128x1xf32> to vector<128x2048xf32>
    %eq3A_1381 = arith.cmpf oeq, %select_n3A_1376, %eq3A_1380 : vector<128x2048xf32>
    %jit3A_1382 = arith.constant 2048 : i32
    %broadcast_in_dim3A_1383 = vector.broadcast %jit3A_1382 : i32 to vector<128x2048xi32>
    %select_n3A_1384 = arith.select %eq3A_1381, %iota3A, %broadcast_in_dim3A_1383 : vector<128x2048xi1>, vector<128x2048xi32>
    %reduce_min3A_1385 = arith.constant dense<2147483647> : vector<128xi32>
    %reduce_min3A_1386 = vector.multi_reduction <minsi>, %select_n3A_1384, %reduce_min3A_1385 [1] : vector<128x2048xi32> to vector<128xi32>
    %broadcast_in_dim3A_1387 = vector.shape_cast %reduce_min3A_1386 : vector<128xi32> to vector<128x1xi32>
    %swap3A_1388 = arith.constant 0 : index
    %swap3A_1389 = arith.constant 0 : index
    %swap3A_1390 = arith.constant 29 : index
    %swap3A_1391 = vector.load %arg5[%swap3A_1388, %swap3A_1389, %swap3A_1390] : memref<1x128x32xi32, #tpu.memory_space<vmem>>, vector<1x128x1xi32>
    %swap3A_1392 = vector.shape_cast %swap3A_1391 : vector<1x128x1xi32> to vector<128x1xi32>
    %swap3A_1393 = vector.shape_cast %broadcast_in_dim3A_1387 : vector<128x1xi32> to vector<1x128x1xi32>
    tpu.vector_store %arg5[%swap3A_1388, %swap3A_1389, %swap3A_1390], %swap3A_1393 {strides = array<i32>} : memref<1x128x32xi32, #tpu.memory_space<vmem>>, vector<1x128x1xi32>,
    %eq3A_1394 = vector.broadcast %broadcast_in_dim3A_1387 : vector<128x1xi32> to vector<128x2048xi32>
    %eq3A_1395 = arith.cmpi eq, %iota3A, %eq3A_1394 : vector<128x2048xi32>
    %convert_element_type3A_1396 = arith.extui %eq3A_1395 : vector<128x2048xi1> to vector<128x2048xi32>
    %convert_element_type3A_1397 = arith.sitofp %convert_element_type3A_1396 : vector<128x2048xi32> to vector<128x2048xf32>
    %convert_element_type3A_1398 = arith.truncf %convert_element_type3A_1397 : vector<128x2048xf32> to vector<128x2048xbf16>
    %dot_general3A_1399 = arith.constant dense<0.000000e+00> : vector<128x64xf32>
    %dot_general3A_1400 = tpu.matmul %convert_element_type3A_1398, %convert_element_type3A, %dot_general3A_1399 {dimension_numbers = #tpu.dot_dimension_numbers<[1], [0], [0], [1], [0, 0, 1, 1], [], []>, transpose_lhs_hint = false} : vector<128x2048xbf16>, vector<2048x64xbf16>, vector<128x64xf32> -> vector<128x64xf32>
    %convert_element_type3A_1401 = arith.truncf %dot_general3A_1400 : vector<128x64xf32> to vector<128x64xbf16>
    %swap3A_1402 = arith.constant 0 : index
    %swap3A_1403 = arith.constant 29 : index
    %swap3A_1404 = arith.constant 0 : index
    %swap3A_1405 = arith.constant 0 : index
    %swap3A_1406 = vector.load %arg6[%swap3A_1402, %swap3A_1403, %swap3A_1404, %swap3A_1405] : memref<1x32x128x64xbf16, #tpu.memory_space<vmem>>, vector<1x1x128x64xbf16>
    %swap3A_1407 = vector.shape_cast %swap3A_1406 : vector<1x1x128x64xbf16> to vector<128x64xbf16>
    %swap3A_1408 = vector.shape_cast %convert_element_type3A_1401 : vector<128x64xbf16> to vector<1x1x128x64xbf16>
    tpu.vector_store %arg6[%swap3A_1402, %swap3A_1403, %swap3A_1404, %swap3A_1405], %swap3A_1408 {strides = array<i32>} : memref<1x32x128x64xbf16, #tpu.memory_space<vmem>>, vector<1x1x128x64xbf16>,
    %dot_general3A_1409 = arith.constant dense<0.000000e+00> : vector<128x64xf32>
    %dot_general3A_1410 = tpu.matmul %convert_element_type3A_1398, %convert_element_type3A_14, %dot_general3A_1409 {dimension_numbers = #tpu.dot_dimension_numbers<[1], [0], [0], [1], [0, 0, 1, 1], [], []>, transpose_lhs_hint = false} : vector<128x2048xbf16>, vector<2048x64xbf16>, vector<128x64xf32> -> vector<128x64xf32>
    %convert_element_type3A_1411 = arith.truncf %dot_general3A_1410 : vector<128x64xf32> to vector<128x64xbf16>
    %swap3A_1412 = arith.constant 0 : index
    %swap3A_1413 = arith.constant 29 : index
    %swap3A_1414 = arith.constant 0 : index
    %swap3A_1415 = arith.constant 0 : index
    %swap3A_1416 = vector.load %arg7[%swap3A_1412, %swap3A_1413, %swap3A_1414, %swap3A_1415] : memref<1x32x128x64xbf16, #tpu.memory_space<vmem>>, vector<1x1x128x64xbf16>
    %swap3A_1417 = vector.shape_cast %swap3A_1416 : vector<1x1x128x64xbf16> to vector<128x64xbf16>
    %swap3A_1418 = vector.shape_cast %convert_element_type3A_1411 : vector<128x64xbf16> to vector<1x1x128x64xbf16>
    tpu.vector_store %arg7[%swap3A_1412, %swap3A_1413, %swap3A_1414, %swap3A_1415], %swap3A_1418 {strides = array<i32>} : memref<1x32x128x64xbf16, #tpu.memory_space<vmem>>, vector<1x1x128x64xbf16>,
    %eq3A_1419 = vector.broadcast %broadcast_in_dim3A_1387 : vector<128x1xi32> to vector<128x2048xi32>
    %eq3A_1420 = arith.cmpi eq, %iota3A, %eq3A_1419 : vector<128x2048xi32>
    %jit3A_1421 = arith.constant 0xFF800000 : f32
    %broadcast_in_dim3A_1422 = vector.broadcast %jit3A_1421 : f32 to vector<128x2048xf32>
    %select_n3A_1423 = arith.select %eq3A_1420, %broadcast_in_dim3A_1422, %select_n3A_1376 : vector<128x2048xi1>, vector<128x2048xf32>
    %reduce_max3A_1424 = arith.constant dense<0xFF800000> : vector<128xf32>
    %reduce_max3A_1425 = vector.multi_reduction <maximumf>, %select_n3A_1423, %reduce_max3A_1424 [1] : vector<128x2048xf32> to vector<128xf32>
    %broadcast_in_dim3A_1426 = vector.shape_cast %reduce_max3A_1425 : vector<128xf32> to vector<128x1xf32>
    %eq3A_1427 = vector.broadcast %broadcast_in_dim3A_1426 : vector<128x1xf32> to vector<128x2048xf32>
    %eq3A_1428 = arith.cmpf oeq, %select_n3A_1423, %eq3A_1427 : vector<128x2048xf32>
    %jit3A_1429 = arith.constant 2048 : i32
    %broadcast_in_dim3A_1430 = vector.broadcast %jit3A_1429 : i32 to vector<128x2048xi32>
    %select_n3A_1431 = arith.select %eq3A_1428, %iota3A, %broadcast_in_dim3A_1430 : vector<128x2048xi1>, vector<128x2048xi32>
    %reduce_min3A_1432 = arith.constant dense<2147483647> : vector<128xi32>
    %reduce_min3A_1433 = vector.multi_reduction <minsi>, %select_n3A_1431, %reduce_min3A_1432 [1] : vector<128x2048xi32> to vector<128xi32>
    %broadcast_in_dim3A_1434 = vector.shape_cast %reduce_min3A_1433 : vector<128xi32> to vector<128x1xi32>
    %swap3A_1435 = arith.constant 0 : index
    %swap3A_1436 = arith.constant 0 : index
    %swap3A_1437 = arith.constant 30 : index
    %swap3A_1438 = vector.load %arg5[%swap3A_1435, %swap3A_1436, %swap3A_1437] : memref<1x128x32xi32, #tpu.memory_space<vmem>>, vector<1x128x1xi32>
    %swap3A_1439 = vector.shape_cast %swap3A_1438 : vector<1x128x1xi32> to vector<128x1xi32>
    %swap3A_1440 = vector.shape_cast %broadcast_in_dim3A_1434 : vector<128x1xi32> to vector<1x128x1xi32>
    tpu.vector_store %arg5[%swap3A_1435, %swap3A_1436, %swap3A_1437], %swap3A_1440 {strides = array<i32>} : memref<1x128x32xi32, #tpu.memory_space<vmem>>, vector<1x128x1xi32>,
    %eq3A_1441 = vector.broadcast %broadcast_in_dim3A_1434 : vector<128x1xi32> to vector<128x2048xi32>
    %eq3A_1442 = arith.cmpi eq, %iota3A, %eq3A_1441 : vector<128x2048xi32>
    %convert_element_type3A_1443 = arith.extui %eq3A_1442 : vector<128x2048xi1> to vector<128x2048xi32>
    %convert_element_type3A_1444 = arith.sitofp %convert_element_type3A_1443 : vector<128x2048xi32> to vector<128x2048xf32>
    %convert_element_type3A_1445 = arith.truncf %convert_element_type3A_1444 : vector<128x2048xf32> to vector<128x2048xbf16>
    %dot_general3A_1446 = arith.constant dense<0.000000e+00> : vector<128x64xf32>
    %dot_general3A_1447 = tpu.matmul %convert_element_type3A_1445, %convert_element_type3A, %dot_general3A_1446 {dimension_numbers = #tpu.dot_dimension_numbers<[1], [0], [0], [1], [0, 0, 1, 1], [], []>, transpose_lhs_hint = false} : vector<128x2048xbf16>, vector<2048x64xbf16>, vector<128x64xf32> -> vector<128x64xf32>
    %convert_element_type3A_1448 = arith.truncf %dot_general3A_1447 : vector<128x64xf32> to vector<128x64xbf16>
    %swap3A_1449 = arith.constant 0 : index
    %swap3A_1450 = arith.constant 30 : index
    %swap3A_1451 = arith.constant 0 : index
    %swap3A_1452 = arith.constant 0 : index
    %swap3A_1453 = vector.load %arg6[%swap3A_1449, %swap3A_1450, %swap3A_1451, %swap3A_1452] : memref<1x32x128x64xbf16, #tpu.memory_space<vmem>>, vector<1x1x128x64xbf16>
    %swap3A_1454 = vector.shape_cast %swap3A_1453 : vector<1x1x128x64xbf16> to vector<128x64xbf16>
    %swap3A_1455 = vector.shape_cast %convert_element_type3A_1448 : vector<128x64xbf16> to vector<1x1x128x64xbf16>
    tpu.vector_store %arg6[%swap3A_1449, %swap3A_1450, %swap3A_1451, %swap3A_1452], %swap3A_1455 {strides = array<i32>} : memref<1x32x128x64xbf16, #tpu.memory_space<vmem>>, vector<1x1x128x64xbf16>,
    %dot_general3A_1456 = arith.constant dense<0.000000e+00> : vector<128x64xf32>
    %dot_general3A_1457 = tpu.matmul %convert_element_type3A_1445, %convert_element_type3A_14, %dot_general3A_1456 {dimension_numbers = #tpu.dot_dimension_numbers<[1], [0], [0], [1], [0, 0, 1, 1], [], []>, transpose_lhs_hint = false} : vector<128x2048xbf16>, vector<2048x64xbf16>, vector<128x64xf32> -> vector<128x64xf32>
    %convert_element_type3A_1458 = arith.truncf %dot_general3A_1457 : vector<128x64xf32> to vector<128x64xbf16>
    %swap3A_1459 = arith.constant 0 : index
    %swap3A_1460 = arith.constant 30 : index
    %swap3A_1461 = arith.constant 0 : index
    %swap3A_1462 = arith.constant 0 : index
    %swap3A_1463 = vector.load %arg7[%swap3A_1459, %swap3A_1460, %swap3A_1461, %swap3A_1462] : memref<1x32x128x64xbf16, #tpu.memory_space<vmem>>, vector<1x1x128x64xbf16>
    %swap3A_1464 = vector.shape_cast %swap3A_1463 : vector<1x1x128x64xbf16> to vector<128x64xbf16>
    %swap3A_1465 = vector.shape_cast %convert_element_type3A_1458 : vector<128x64xbf16> to vector<1x1x128x64xbf16>
    tpu.vector_store %arg7[%swap3A_1459, %swap3A_1460, %swap3A_1461, %swap3A_1462], %swap3A_1465 {strides = array<i32>} : memref<1x32x128x64xbf16, #tpu.memory_space<vmem>>, vector<1x1x128x64xbf16>,
    %eq3A_1466 = vector.broadcast %broadcast_in_dim3A_1434 : vector<128x1xi32> to vector<128x2048xi32>
    %eq3A_1467 = arith.cmpi eq, %iota3A, %eq3A_1466 : vector<128x2048xi32>
    %jit3A_1468 = arith.constant 0xFF800000 : f32
    %broadcast_in_dim3A_1469 = vector.broadcast %jit3A_1468 : f32 to vector<128x2048xf32>
    %select_n3A_1470 = arith.select %eq3A_1467, %broadcast_in_dim3A_1469, %select_n3A_1423 : vector<128x2048xi1>, vector<128x2048xf32>
    %reduce_max3A_1471 = arith.constant dense<0xFF800000> : vector<128xf32>
    %reduce_max3A_1472 = vector.multi_reduction <maximumf>, %select_n3A_1470, %reduce_max3A_1471 [1] : vector<128x2048xf32> to vector<128xf32>
    %broadcast_in_dim3A_1473 = vector.shape_cast %reduce_max3A_1472 : vector<128xf32> to vector<128x1xf32>
    %eq3A_1474 = vector.broadcast %broadcast_in_dim3A_1473 : vector<128x1xf32> to vector<128x2048xf32>
    %eq3A_1475 = arith.cmpf oeq, %select_n3A_1470, %eq3A_1474 : vector<128x2048xf32>
    %jit3A_1476 = arith.constant 2048 : i32
    %broadcast_in_dim3A_1477 = vector.broadcast %jit3A_1476 : i32 to vector<128x2048xi32>
    %select_n3A_1478 = arith.select %eq3A_1475, %iota3A, %broadcast_in_dim3A_1477 : vector<128x2048xi1>, vector<128x2048xi32>
    %reduce_min3A_1479 = arith.constant dense<2147483647> : vector<128xi32>
    %reduce_min3A_1480 = vector.multi_reduction <minsi>, %select_n3A_1478, %reduce_min3A_1479 [1] : vector<128x2048xi32> to vector<128xi32>
    %broadcast_in_dim3A_1481 = vector.shape_cast %reduce_min3A_1480 : vector<128xi32> to vector<128x1xi32>
    %swap3A_1482 = arith.constant 0 : index
    %swap3A_1483 = arith.constant 0 : index
    %swap3A_1484 = arith.constant 31 : index
    %swap3A_1485 = vector.load %arg5[%swap3A_1482, %swap3A_1483, %swap3A_1484] : memref<1x128x32xi32, #tpu.memory_space<vmem>>, vector<1x128x1xi32>
    %swap3A_1486 = vector.shape_cast %swap3A_1485 : vector<1x128x1xi32> to vector<128x1xi32>
    %swap3A_1487 = vector.shape_cast %broadcast_in_dim3A_1481 : vector<128x1xi32> to vector<1x128x1xi32>
    tpu.vector_store %arg5[%swap3A_1482, %swap3A_1483, %swap3A_1484], %swap3A_1487 {strides = array<i32>} : memref<1x128x32xi32, #tpu.memory_space<vmem>>, vector<1x128x1xi32>,
    %eq3A_1488 = vector.broadcast %broadcast_in_dim3A_1481 : vector<128x1xi32> to vector<128x2048xi32>
    %eq3A_1489 = arith.cmpi eq, %iota3A, %eq3A_1488 : vector<128x2048xi32>
    %convert_element_type3A_1490 = arith.extui %eq3A_1489 : vector<128x2048xi1> to vector<128x2048xi32>
    %convert_element_type3A_1491 = arith.sitofp %convert_element_type3A_1490 : vector<128x2048xi32> to vector<128x2048xf32>
    %convert_element_type3A_1492 = arith.truncf %convert_element_type3A_1491 : vector<128x2048xf32> to vector<128x2048xbf16>
    %dot_general3A_1493 = arith.constant dense<0.000000e+00> : vector<128x64xf32>
    %dot_general3A_1494 = tpu.matmul %convert_element_type3A_1492, %convert_element_type3A, %dot_general3A_1493 {dimension_numbers = #tpu.dot_dimension_numbers<[1], [0], [0], [1], [0, 0, 1, 1], [], []>, transpose_lhs_hint = false} : vector<128x2048xbf16>, vector<2048x64xbf16>, vector<128x64xf32> -> vector<128x64xf32>
    %convert_element_type3A_1495 = arith.truncf %dot_general3A_1494 : vector<128x64xf32> to vector<128x64xbf16>
    %swap3A_1496 = arith.constant 0 : index
    %swap3A_1497 = arith.constant 31 : index
    %swap3A_1498 = arith.constant 0 : index
    %swap3A_1499 = arith.constant 0 : index
    %swap3A_1500 = vector.load %arg6[%swap3A_1496, %swap3A_1497, %swap3A_1498, %swap3A_1499] : memref<1x32x128x64xbf16, #tpu.memory_space<vmem>>, vector<1x1x128x64xbf16>
    %swap3A_1501 = vector.shape_cast %swap3A_1500 : vector<1x1x128x64xbf16> to vector<128x64xbf16>
    %swap3A_1502 = vector.shape_cast %convert_element_type3A_1495 : vector<128x64xbf16> to vector<1x1x128x64xbf16>
    tpu.vector_store %arg6[%swap3A_1496, %swap3A_1497, %swap3A_1498, %swap3A_1499], %swap3A_1502 {strides = array<i32>} : memref<1x32x128x64xbf16, #tpu.memory_space<vmem>>, vector<1x1x128x64xbf16>,
    %dot_general3A_1503 = arith.constant dense<0.000000e+00> : vector<128x64xf32>
    %dot_general3A_1504 = tpu.matmul %convert_element_type3A_1492, %convert_element_type3A_14, %dot_general3A_1503 {dimension_numbers = #tpu.dot_dimension_numbers<[1], [0], [0], [1], [0, 0, 1, 1], [], []>, transpose_lhs_hint = false} : vector<128x2048xbf16>, vector<2048x64xbf16>, vector<128x64xf32> -> vector<128x64xf32>
    %convert_element_type3A_1505 = arith.truncf %dot_general3A_1504 : vector<128x64xf32> to vector<128x64xbf16>
    %swap3A_1506 = arith.constant 0 : index
    %swap3A_1507 = arith.constant 31 : index
    %swap3A_1508 = arith.constant 0 : index
    %swap3A_1509 = arith.constant 0 : index
    %swap3A_1510 = vector.load %arg7[%swap3A_1506, %swap3A_1507, %swap3A_1508, %swap3A_1509] : memref<1x32x128x64xbf16, #tpu.memory_space<vmem>>, vector<1x1x128x64xbf16>
    %swap3A_1511 = vector.shape_cast %swap3A_1510 : vector<1x1x128x64xbf16> to vector<128x64xbf16>
    %swap3A_1512 = vector.shape_cast %convert_element_type3A_1505 : vector<128x64xbf16> to vector<1x1x128x64xbf16>
    tpu.vector_store %arg7[%swap3A_1506, %swap3A_1507, %swap3A_1508, %swap3A_1509], %swap3A_1512 {strides = array<i32>} : memref<1x32x128x64xbf16, #tpu.memory_space<vmem>>, vector<1x1x128x64xbf16>,
    return
  }
  func.func @transform_0(%arg0: i32) -> (i32, i32, i32) {
    %c0_i32 = arith.constant 0 : i32
    %c0_i32_0 = arith.constant 0 : i32
    %c0_i32_1 = arith.constant 0 : i32
    return %arg0, %c0_i32, %c0_i32_0 : i32, i32, i32
  }
  func.func @transform_1(%arg0: i32) -> (i32, i32, i32) {
    %c0_i32 = arith.constant 0 : i32
    %c0_i32_0 = arith.constant 0 : i32
    %c0_i32_1 = arith.constant 0 : i32
    return %arg0, %c0_i32, %c0_i32_0 : i32, i32, i32
  }
  func.func @transform_2(%arg0: i32) -> (i32, i32, i32) {
    %c0_i32 = arith.constant 0 : i32
    %c0_i32_0 = arith.constant 0 : i32
    %c0_i32_1 = arith.constant 0 : i32
    return %arg0, %c0_i32, %c0_i32_0 : i32, i32, i32
  }
  func.func @transform_3(%arg0: i32) -> (i32, i32) {
    %c0_i32 = arith.constant 0 : i32
    %c0_i32_0 = arith.constant 0 : i32
    %c0_i32_1 = arith.constant 0 : i32
    return %c0_i32, %c0_i32_0 : i32, i32
  }
  func.func @transform_4(%arg0: i32) -> (i32, i32, i32) {
    %c0_i32 = arith.constant 0 : i32
    %c0_i32_0 = arith.constant 0 : i32
    %c0_i32_1 = arith.constant 0 : i32
    return %arg0, %c0_i32, %c0_i32_0 : i32, i32, i32
  }
  func.func @transform_5(%arg0: i32) -> (i32, i32, i32, i32) {
    %c0_i32 = arith.constant 0 : i32
    %c0_i32_0 = arith.constant 0 : i32
    %c0_i32_1 = arith.constant 0 : i32
    %c0_i32_2 = arith.constant 0 : i32
    return %arg0, %c0_i32, %c0_i32_0, %c0_i32_1 : i32, i32, i32, i32
  }
  func.func @transform_6(%arg0: i32) -> (i32, i32, i32, i32) {
    %c0_i32 = arith.constant 0 : i32
    %c0_i32_0 = arith.constant 0 : i32
    %c0_i32_1 = arith.constant 0 : i32
    %c0_i32_2 = arith.constant 0 : i32
    return %arg0, %c0_i32, %c0_i32_0, %c0_i32_1 : i32, i32, i32, i32
  }
}

module attributes {stable_mosaic.version = 14 : i64} {
  func.func @_attn_kernel(%arg0: i32, %arg1: i32, %arg2: memref<12x8x2xi32, #tpu.memory_space<smem>>, %arg3: memref<1x256x64xbf16, #tpu.memory_space<vmem>>, %arg4: memref<1x256x1xi32, #tpu.memory_space<vmem>>, %arg5: memref<1x256x1xi32, #tpu.memory_space<vmem>>, %arg6: memref<1x16x256xi32, #tpu.memory_space<vmem>>, %arg7: memref<1x4096x64xbf16, #tpu.memory_space<vmem>>, %arg8: memref<1x4096x64xbf16, #tpu.memory_space<vmem>>, %arg9: memref<1x256x64xf32, #tpu.memory_space<vmem>>) attributes {dimension_semantics = [#tpu.dimension_semantics<arbitrary>, #tpu.dimension_semantics<arbitrary>], iteration_bounds = array<i64: 12, 8>, scalar_prefetch = 1 : i64, scratch_operands = 0 : i64, tpu.core_type = #tpu.core_type<tc>, window_params = [{transform_indices = @transform_0, window_bounds = array<i64: 1, 256, 64>}, {transform_indices = @transform_1, window_bounds = array<i64: 1, 256, 1>}, {transform_indices = @transform_2, window_bounds = array<i64: 1, 256, 1>}, {transform_indices = @transform_3, window_bounds = array<i64: 1, 16, 256>}, {transform_indices = @transform_4, window_bounds = array<i64: 1, 4096, 64>}, {transform_indices = @transform_5, window_bounds = array<i64: 1, 4096, 64>}, {transform_indices = @transform_6, window_bounds = array<i64: 1, 256, 64>}]} {
    %get3A = arith.index_cast %arg0 : i32 to index
    %get3A_0 = arith.index_cast %arg1 : i32 to index
    %get3A_1 = arith.constant 0 : index
    %get3A_2 = memref.load %arg2[%get3A, %get3A_0, %get3A_1] : memref<12x8x2xi32, #tpu.memory_space<smem>>
    %jit3A = arith.constant 8 : i32
    %div3A = arith.divsi %get3A_2, %jit3A : i32
    %sign3A = arith.constant 0 : i32
    %sign3A_3 = arith.cmpi sgt, %get3A_2, %sign3A : i32
    %sign3A_4 = arith.extui %sign3A_3 : i1 to i32
    %sign3A_5 = arith.constant 0 : i32
    %sign3A_6 = arith.cmpi slt, %get3A_2, %sign3A_5 : i32
    %sign3A_7 = arith.extui %sign3A_6 : i1 to i32
    %sign3A_8 = arith.subi %sign3A_4, %sign3A_7 : i32
    %sign3A_9 = arith.constant 0 : i32
    %sign3A_10 = arith.cmpi sgt, %jit3A, %sign3A_9 : i32
    %sign3A_11 = arith.extui %sign3A_10 : i1 to i32
    %sign3A_12 = arith.constant 0 : i32
    %sign3A_13 = arith.cmpi slt, %jit3A, %sign3A_12 : i32
    %sign3A_14 = arith.extui %sign3A_13 : i1 to i32
    %sign3A_15 = arith.subi %sign3A_11, %sign3A_14 : i32
    %ne3A = arith.cmpi ne, %sign3A_8, %sign3A_15 : i32
    %rem3A = arith.remsi %get3A_2, %jit3A : i32
    %ne3A_16 = arith.constant 0 : i32
    %ne3A_17 = arith.cmpi ne, %rem3A, %ne3A_16 : i32
    %and3A = arith.andi %ne3A, %ne3A_17 : i1
    %sub3A = arith.constant 1 : i32
    %sub3A_18 = arith.subi %div3A, %sub3A : i32
    %select_n3A = arith.select %and3A, %sub3A_18, %div3A : i32
    %get3A_19 = arith.index_cast %arg0 : i32 to index
    %get3A_20 = arith.index_cast %arg1 : i32 to index
    %get3A_21 = arith.constant 1 : index
    %get3A_22 = memref.load %arg2[%get3A_19, %get3A_20, %get3A_21] : memref<12x8x2xi32, #tpu.memory_space<smem>>
    %jit3A_23 = arith.constant 8 : i32
    %div3A_24 = arith.divsi %get3A_22, %jit3A_23 : i32
    %sign3A_25 = arith.constant 0 : i32
    %sign3A_26 = arith.cmpi sgt, %get3A_22, %sign3A_25 : i32
    %sign3A_27 = arith.extui %sign3A_26 : i1 to i32
    %sign3A_28 = arith.constant 0 : i32
    %sign3A_29 = arith.cmpi slt, %get3A_22, %sign3A_28 : i32
    %sign3A_30 = arith.extui %sign3A_29 : i1 to i32
    %sign3A_31 = arith.subi %sign3A_27, %sign3A_30 : i32
    %sign3A_32 = arith.constant 0 : i32
    %sign3A_33 = arith.cmpi sgt, %jit3A_23, %sign3A_32 : i32
    %sign3A_34 = arith.extui %sign3A_33 : i1 to i32
    %sign3A_35 = arith.constant 0 : i32
    %sign3A_36 = arith.cmpi slt, %jit3A_23, %sign3A_35 : i32
    %sign3A_37 = arith.extui %sign3A_36 : i1 to i32
    %sign3A_38 = arith.subi %sign3A_34, %sign3A_37 : i32
    %ne3A_39 = arith.cmpi ne, %sign3A_31, %sign3A_38 : i32
    %rem3A_40 = arith.remsi %get3A_22, %jit3A_23 : i32
    %ne3A_41 = arith.constant 0 : i32
    %ne3A_42 = arith.cmpi ne, %rem3A_40, %ne3A_41 : i32
    %and3A_43 = arith.andi %ne3A_39, %ne3A_42 : i1
    %sub3A_44 = arith.constant 1 : i32
    %sub3A_45 = arith.subi %div3A_24, %sub3A_44 : i32
    %select_n3A_46 = arith.select %and3A_43, %sub3A_45, %div3A_24 : i32
    %get3A_47 = arith.constant 0 : index
    %get3A_48 = arith.constant 0 : index
    %get3A_49 = arith.constant 0 : index
    %get3A_50 = vector.load %arg3[%get3A_47, %get3A_48, %get3A_49] : memref<1x256x64xbf16, #tpu.memory_space<vmem>>, vector<1x256x64xbf16>
    %get3A_51 = vector.shape_cast %get3A_50 : vector<1x256x64xbf16> to vector<256x64xbf16>
    %get3A_52 = arith.constant 0 : index
    %get3A_53 = arith.constant 0 : index
    %get3A_54 = arith.constant 0 : index
    %get3A_55 = vector.load %arg4[%get3A_52, %get3A_53, %get3A_54] : memref<1x256x1xi32, #tpu.memory_space<vmem>>, vector<1x256x1xi32>
    %get3A_56 = vector.shape_cast %get3A_55 : vector<1x256x1xi32> to vector<256x1xi32>
    %get3A_57 = arith.constant 0 : index
    %get3A_58 = arith.constant 0 : index
    %get3A_59 = arith.constant 0 : index
    %get3A_60 = vector.load %arg5[%get3A_57, %get3A_58, %get3A_59] : memref<1x256x1xi32, #tpu.memory_space<vmem>>, vector<1x256x1xi32>
    %get3A_61 = vector.shape_cast %get3A_60 : vector<1x256x1xi32> to vector<256x1xi32>
    %iota3A = tpu.iota {dimensions = array<i32: 1>} : vector<1x256xi32>
    %jit3A_62 = arith.constant 32 : i32
    %div3A_63 = vector.broadcast %jit3A_62 : i32 to vector<1x256xi32>
    %div3A_64 = arith.divsi %iota3A, %div3A_63 : vector<1x256xi32>
    %sign3A_65 = arith.constant 0 : i32
    %sign3A_66 = vector.broadcast %sign3A_65 : i32 to vector<1x256xi32>
    %sign3A_67 = arith.cmpi sgt, %iota3A, %sign3A_66 : vector<1x256xi32>
    %sign3A_68 = arith.extui %sign3A_67 : vector<1x256xi1> to vector<1x256xi32>
    %sign3A_69 = arith.constant 0 : i32
    %sign3A_70 = vector.broadcast %sign3A_69 : i32 to vector<1x256xi32>
    %sign3A_71 = arith.cmpi slt, %iota3A, %sign3A_70 : vector<1x256xi32>
    %sign3A_72 = arith.extui %sign3A_71 : vector<1x256xi1> to vector<1x256xi32>
    %sign3A_73 = arith.subi %sign3A_68, %sign3A_72 : vector<1x256xi32>
    %sign3A_74 = arith.constant 0 : i32
    %sign3A_75 = arith.cmpi sgt, %jit3A_62, %sign3A_74 : i32
    %sign3A_76 = arith.extui %sign3A_75 : i1 to i32
    %sign3A_77 = arith.constant 0 : i32
    %sign3A_78 = arith.cmpi slt, %jit3A_62, %sign3A_77 : i32
    %sign3A_79 = arith.extui %sign3A_78 : i1 to i32
    %sign3A_80 = arith.subi %sign3A_76, %sign3A_79 : i32
    %ne3A_81 = vector.broadcast %sign3A_80 : i32 to vector<1x256xi32>
    %ne3A_82 = arith.cmpi ne, %sign3A_73, %ne3A_81 : vector<1x256xi32>
    %rem3A_83 = vector.broadcast %jit3A_62 : i32 to vector<1x256xi32>
    %rem3A_84 = arith.remsi %iota3A, %rem3A_83 : vector<1x256xi32>
    %ne3A_85 = arith.constant 0 : i32
    %ne3A_86 = vector.broadcast %ne3A_85 : i32 to vector<1x256xi32>
    %ne3A_87 = arith.cmpi ne, %rem3A_84, %ne3A_86 : vector<1x256xi32>
    %and3A_88 = arith.andi %ne3A_82, %ne3A_87 : vector<1x256xi1>
    %sub3A_89 = arith.constant 1 : i32
    %sub3A_90 = vector.broadcast %sub3A_89 : i32 to vector<1x256xi32>
    %sub3A_91 = arith.subi %div3A_64, %sub3A_90 : vector<1x256xi32>
    %select_n3A_92 = arith.select %and3A_88, %sub3A_91, %div3A_64 : vector<1x256xi1>, vector<1x256xi32>
    %add3A = arith.constant 1 : i32
    %add3A_93 = arith.addi %select_n3A_46, %add3A : i32
    %broadcast_in_dim3A = arith.constant 0.000000e+00 : f32
    %broadcast_in_dim3A_94 = vector.broadcast %broadcast_in_dim3A : f32 to vector<256x64xf32>
    %while3A = arith.constant 0xFF800000 : f32
    %while3A_95 = arith.subi %add3A_93, %select_n3A : i32
    %while3A_96 = arith.addi %select_n3A, %while3A_95 : i32
    %while3A_97 = arith.constant 1 : i32
    %while3A_98 = arith.divsi %while3A_95, %while3A_97 : i32
    %while3A_99 = arith.muli %while3A_98, %while3A_97 : i32
    %while3A_100 = arith.addi %select_n3A, %while3A_99 : i32
    %while3A_101 = arith.constant 1 : i32
    %while3A_102 = scf.for %while3A_110 = %select_n3A to %while3A_100 step %while3A_101 iter_args(%while3A_111 = %broadcast_in_dim3A_94) -> (vector<256x64xf32>)  : i32 {
      %mul3A = arith.constant 256 : i32
      %mul3A_112 = arith.muli %while3A_110, %mul3A : i32
      %get3A_113 = arith.constant 0 : index
      %get3A_114 = arith.index_cast %mul3A_112 : i32 to index
      %get3A_115 = arith.constant 0 : index
      %get3A_116 = vector.load %arg7[%get3A_113, %get3A_114, %get3A_115] : memref<1x4096x64xbf16, #tpu.memory_space<vmem>>, vector<1x256x64xbf16>
      %get3A_117 = vector.shape_cast %get3A_116 : vector<1x256x64xbf16> to vector<256x64xbf16>
      %mul3A_118 = arith.constant 256 : i32
      %mul3A_119 = arith.muli %while3A_110, %mul3A_118 : i32
      %get3A_120 = arith.constant 0 : index
      %get3A_121 = arith.index_cast %mul3A_119 : i32 to index
      %get3A_122 = arith.constant 0 : index
      %get3A_123 = vector.load %arg8[%get3A_120, %get3A_121, %get3A_122] : memref<1x4096x64xbf16, #tpu.memory_space<vmem>>, vector<1x256x64xbf16>
      %get3A_124 = vector.shape_cast %get3A_123 : vector<1x256x64xbf16> to vector<256x64xbf16>
      %get3A_125 = arith.constant 0 : index
      %get3A_126 = arith.index_cast %while3A_110 : i32 to index
      %get3A_127 = arith.constant 0 : index
      %get3A_128 = vector.load %arg6[%get3A_125, %get3A_126, %get3A_127] : memref<1x16x256xi32, #tpu.memory_space<vmem>>, vector<1x1x256xi32>
      %get3A_129 = vector.shape_cast %get3A_128 : vector<1x1x256xi32> to vector<1x256xi32>
      %dot_general3A = arith.constant dense<0.000000e+00> : vector<256x256xf32>
      %dot_general3A_130 = tpu.matmul %get3A_51, %get3A_117, %dot_general3A {dimension_numbers = #tpu.dot_dimension_numbers<[1], [1], [0], [0], [0, 0, 1, 0], [], []>, transpose_lhs_hint = false} : vector<256x64xbf16>, vector<256x64xbf16>, vector<256x256xf32> -> vector<256x256xf32>
      %gt3A = vector.broadcast %get3A_129 : vector<1x256xi32> to vector<256x256xi32>
      %gt3A_131 = vector.broadcast %get3A_56 : vector<256x1xi32> to vector<256x256xi32>
      %gt3A_132 = arith.cmpi sgt, %gt3A, %gt3A_131 : vector<256x256xi32>
      %mul3A_133 = arith.constant 8 : i32
      %mul3A_134 = arith.muli %while3A_110, %mul3A_133 : i32
      %add3A_135 = vector.broadcast %mul3A_134 : i32 to vector<1x256xi32>
      %add3A_136 = arith.addi %select_n3A_92, %add3A_135 : vector<1x256xi32>
      %eq3A = vector.broadcast %get3A_61 : vector<256x1xi32> to vector<256x256xi32>
      %eq3A_137 = vector.broadcast %add3A_136 : vector<1x256xi32> to vector<256x256xi32>
      %eq3A_138 = arith.cmpi eq, %eq3A, %eq3A_137 : vector<256x256xi32>
      %jit3A_139 = arith.constant -1.000000e+07 : f32
      %broadcast_in_dim3A_140 = vector.broadcast %jit3A_139 : f32 to vector<256x256xf32>
      %select_n3A_141 = arith.select %gt3A_132, %broadcast_in_dim3A_140, %dot_general3A_130 : vector<256x256xi1>, vector<256x256xf32>
      %mul3A_142 = arith.constant 1.250000e-01 : f32
      %mul3A_143 = vector.broadcast %mul3A_142 : f32 to vector<256x256xf32>
      %mul3A_144 = arith.mulf %select_n3A_141, %mul3A_143 : vector<256x256xf32>
      %broadcast_in_dim3A_145 = vector.broadcast %while3A : f32 to vector<256x256xf32>
      %select_n3A_146 = arith.select %eq3A_138, %mul3A_144, %broadcast_in_dim3A_145 : vector<256x256xi1>, vector<256x256xf32>
      %reduce_max3A = arith.constant dense<0xFF800000> : vector<256xf32>
      %reduce_max3A_147 = vector.multi_reduction <maximumf>, %select_n3A_146, %reduce_max3A [1] : vector<256x256xf32> to vector<256xf32>
      %broadcast_in_dim3A_148 = vector.shape_cast %reduce_max3A_147 : vector<256xf32> to vector<256x1xf32>
      %max3A = arith.constant -1.000000e+30 : f32
      %max3A_149 = vector.broadcast %max3A : f32 to vector<256x1xf32>
      %max3A_150 = arith.maximumf %broadcast_in_dim3A_148, %max3A_149 : vector<256x1xf32>
      %sub3A_151 = vector.broadcast %max3A_150 : vector<256x1xf32> to vector<256x256xf32>
      %sub3A_152 = arith.subf %select_n3A_146, %sub3A_151 : vector<256x256xf32>
      %exp3A = math.exp %sub3A_152 : vector<256x256xf32>
      %reduce_sum3A = arith.constant dense<0.000000e+00> : vector<256xf32>
      %reduce_sum3A_153 = vector.multi_reduction <add>, %exp3A, %reduce_sum3A [1] : vector<256x256xf32> to vector<256xf32>
      %broadcast_in_dim3A_154 = vector.shape_cast %reduce_sum3A_153 : vector<256xf32> to vector<256x1xf32>
      %max3A_155 = arith.constant 1.000000e-30 : f32
      %max3A_156 = vector.broadcast %max3A_155 : f32 to vector<256x1xf32>
      %max3A_157 = arith.maximumf %broadcast_in_dim3A_154, %max3A_156 : vector<256x1xf32>
      %div3A_158 = vector.broadcast %max3A_157 : vector<256x1xf32> to vector<256x256xf32>
      %div3A_159 = arith.divf %exp3A, %div3A_158 : vector<256x256xf32>
      %jit3A_160 = arith.constant 0.000000e+00 : f32
      %broadcast_in_dim3A_161 = vector.broadcast %jit3A_160 : f32 to vector<256x256xf32>
      %select_n3A_162 = arith.select %gt3A_132, %broadcast_in_dim3A_161, %div3A_159 : vector<256x256xi1>, vector<256x256xf32>
      %convert_element_type3A = arith.truncf %select_n3A_162 : vector<256x256xf32> to vector<256x256xbf16>
      %dot_general3A_163 = arith.constant dense<0.000000e+00> : vector<256x64xf32>
      %dot_general3A_164 = tpu.matmul %convert_element_type3A, %get3A_124, %dot_general3A_163 {dimension_numbers = #tpu.dot_dimension_numbers<[1], [0], [0], [1], [0, 0, 1, 1], [], []>, transpose_lhs_hint = false} : vector<256x256xbf16>, vector<256x64xbf16>, vector<256x64xf32> -> vector<256x64xf32>
      %add3A_165 = arith.addf %while3A_111, %dot_general3A_164 : vector<256x64xf32>
      scf.yield %add3A_165 : vector<256x64xf32>
    }
    %while3A_103 = arith.constant 1 : i32
    %while3A_104 = scf.for %while3A_110 = %while3A_100 to %while3A_96 step %while3A_103 iter_args(%while3A_111 = %while3A_102) -> (vector<256x64xf32>)  : i32 {
      %mul3A = arith.constant 256 : i32
      %mul3A_112 = arith.muli %while3A_110, %mul3A : i32
      %get3A_113 = arith.constant 0 : index
      %get3A_114 = arith.index_cast %mul3A_112 : i32 to index
      %get3A_115 = arith.constant 0 : index
      %get3A_116 = vector.load %arg7[%get3A_113, %get3A_114, %get3A_115] : memref<1x4096x64xbf16, #tpu.memory_space<vmem>>, vector<1x256x64xbf16>
      %get3A_117 = vector.shape_cast %get3A_116 : vector<1x256x64xbf16> to vector<256x64xbf16>
      %mul3A_118 = arith.constant 256 : i32
      %mul3A_119 = arith.muli %while3A_110, %mul3A_118 : i32
      %get3A_120 = arith.constant 0 : index
      %get3A_121 = arith.index_cast %mul3A_119 : i32 to index
      %get3A_122 = arith.constant 0 : index
      %get3A_123 = vector.load %arg8[%get3A_120, %get3A_121, %get3A_122] : memref<1x4096x64xbf16, #tpu.memory_space<vmem>>, vector<1x256x64xbf16>
      %get3A_124 = vector.shape_cast %get3A_123 : vector<1x256x64xbf16> to vector<256x64xbf16>
      %get3A_125 = arith.constant 0 : index
      %get3A_126 = arith.index_cast %while3A_110 : i32 to index
      %get3A_127 = arith.constant 0 : index
      %get3A_128 = vector.load %arg6[%get3A_125, %get3A_126, %get3A_127] : memref<1x16x256xi32, #tpu.memory_space<vmem>>, vector<1x1x256xi32>
      %get3A_129 = vector.shape_cast %get3A_128 : vector<1x1x256xi32> to vector<1x256xi32>
      %dot_general3A = arith.constant dense<0.000000e+00> : vector<256x256xf32>
      %dot_general3A_130 = tpu.matmul %get3A_51, %get3A_117, %dot_general3A {dimension_numbers = #tpu.dot_dimension_numbers<[1], [1], [0], [0], [0, 0, 1, 0], [], []>, transpose_lhs_hint = false} : vector<256x64xbf16>, vector<256x64xbf16>, vector<256x256xf32> -> vector<256x256xf32>
      %gt3A = vector.broadcast %get3A_129 : vector<1x256xi32> to vector<256x256xi32>
      %gt3A_131 = vector.broadcast %get3A_56 : vector<256x1xi32> to vector<256x256xi32>
      %gt3A_132 = arith.cmpi sgt, %gt3A, %gt3A_131 : vector<256x256xi32>
      %mul3A_133 = arith.constant 8 : i32
      %mul3A_134 = arith.muli %while3A_110, %mul3A_133 : i32
      %add3A_135 = vector.broadcast %mul3A_134 : i32 to vector<1x256xi32>
      %add3A_136 = arith.addi %select_n3A_92, %add3A_135 : vector<1x256xi32>
      %eq3A = vector.broadcast %get3A_61 : vector<256x1xi32> to vector<256x256xi32>
      %eq3A_137 = vector.broadcast %add3A_136 : vector<1x256xi32> to vector<256x256xi32>
      %eq3A_138 = arith.cmpi eq, %eq3A, %eq3A_137 : vector<256x256xi32>
      %jit3A_139 = arith.constant -1.000000e+07 : f32
      %broadcast_in_dim3A_140 = vector.broadcast %jit3A_139 : f32 to vector<256x256xf32>
      %select_n3A_141 = arith.select %gt3A_132, %broadcast_in_dim3A_140, %dot_general3A_130 : vector<256x256xi1>, vector<256x256xf32>
      %mul3A_142 = arith.constant 1.250000e-01 : f32
      %mul3A_143 = vector.broadcast %mul3A_142 : f32 to vector<256x256xf32>
      %mul3A_144 = arith.mulf %select_n3A_141, %mul3A_143 : vector<256x256xf32>
      %broadcast_in_dim3A_145 = vector.broadcast %while3A : f32 to vector<256x256xf32>
      %select_n3A_146 = arith.select %eq3A_138, %mul3A_144, %broadcast_in_dim3A_145 : vector<256x256xi1>, vector<256x256xf32>
      %reduce_max3A = arith.constant dense<0xFF800000> : vector<256xf32>
      %reduce_max3A_147 = vector.multi_reduction <maximumf>, %select_n3A_146, %reduce_max3A [1] : vector<256x256xf32> to vector<256xf32>
      %broadcast_in_dim3A_148 = vector.shape_cast %reduce_max3A_147 : vector<256xf32> to vector<256x1xf32>
      %max3A = arith.constant -1.000000e+30 : f32
      %max3A_149 = vector.broadcast %max3A : f32 to vector<256x1xf32>
      %max3A_150 = arith.maximumf %broadcast_in_dim3A_148, %max3A_149 : vector<256x1xf32>
      %sub3A_151 = vector.broadcast %max3A_150 : vector<256x1xf32> to vector<256x256xf32>
      %sub3A_152 = arith.subf %select_n3A_146, %sub3A_151 : vector<256x256xf32>
      %exp3A = math.exp %sub3A_152 : vector<256x256xf32>
      %reduce_sum3A = arith.constant dense<0.000000e+00> : vector<256xf32>
      %reduce_sum3A_153 = vector.multi_reduction <add>, %exp3A, %reduce_sum3A [1] : vector<256x256xf32> to vector<256xf32>
      %broadcast_in_dim3A_154 = vector.shape_cast %reduce_sum3A_153 : vector<256xf32> to vector<256x1xf32>
      %max3A_155 = arith.constant 1.000000e-30 : f32
      %max3A_156 = vector.broadcast %max3A_155 : f32 to vector<256x1xf32>
      %max3A_157 = arith.maximumf %broadcast_in_dim3A_154, %max3A_156 : vector<256x1xf32>
      %div3A_158 = vector.broadcast %max3A_157 : vector<256x1xf32> to vector<256x256xf32>
      %div3A_159 = arith.divf %exp3A, %div3A_158 : vector<256x256xf32>
      %jit3A_160 = arith.constant 0.000000e+00 : f32
      %broadcast_in_dim3A_161 = vector.broadcast %jit3A_160 : f32 to vector<256x256xf32>
      %select_n3A_162 = arith.select %gt3A_132, %broadcast_in_dim3A_161, %div3A_159 : vector<256x256xi1>, vector<256x256xf32>
      %convert_element_type3A = arith.truncf %select_n3A_162 : vector<256x256xf32> to vector<256x256xbf16>
      %dot_general3A_163 = arith.constant dense<0.000000e+00> : vector<256x64xf32>
      %dot_general3A_164 = tpu.matmul %convert_element_type3A, %get3A_124, %dot_general3A_163 {dimension_numbers = #tpu.dot_dimension_numbers<[1], [0], [0], [1], [0, 0, 1, 1], [], []>, transpose_lhs_hint = false} : vector<256x256xbf16>, vector<256x64xbf16>, vector<256x64xf32> -> vector<256x64xf32>
      %add3A_165 = arith.addf %while3A_111, %dot_general3A_164 : vector<256x64xf32>
      scf.yield %add3A_165 : vector<256x64xf32>
    }
    %swap3A = arith.constant 0 : index
    %swap3A_105 = arith.constant 0 : index
    %swap3A_106 = arith.constant 0 : index
    %swap3A_107 = vector.load %arg9[%swap3A, %swap3A_105, %swap3A_106] : memref<1x256x64xf32, #tpu.memory_space<vmem>>, vector<1x256x64xf32>
    %swap3A_108 = vector.shape_cast %swap3A_107 : vector<1x256x64xf32> to vector<256x64xf32>
    %swap3A_109 = vector.shape_cast %while3A_104 : vector<256x64xf32> to vector<1x256x64xf32>
    tpu.vector_store %arg9[%swap3A, %swap3A_105, %swap3A_106], %swap3A_109 {strides = array<i32>} : memref<1x256x64xf32, #tpu.memory_space<vmem>>, vector<1x256x64xf32>,
    return
  }
  func.func @transform_0(%arg0: i32, %arg1: i32, %arg2: memref<12x8x2xi32, #tpu.memory_space<smem>>) -> (i32, i32, i32) {
    %c0_i32 = arith.constant 0 : i32
    %c0_i32_0 = arith.constant 0 : i32
    return %arg0, %arg1, %c0_i32 : i32, i32, i32
  }
  func.func @transform_1(%arg0: i32, %arg1: i32, %arg2: memref<12x8x2xi32, #tpu.memory_space<smem>>) -> (i32, i32, i32) {
    %mul3A = arith.constant 8 : i32
    %mul3A_0 = arith.muli %arg0, %mul3A : i32
    %add3A = arith.addi %mul3A_0, %arg1 : i32
    %c0_i32 = arith.constant 0 : i32
    %c0_i32_1 = arith.constant 0 : i32
    %c0_i32_2 = arith.constant 0 : i32
    return %add3A, %c0_i32, %c0_i32_1 : i32, i32, i32
  }
  func.func @transform_2(%arg0: i32, %arg1: i32, %arg2: memref<12x8x2xi32, #tpu.memory_space<smem>>) -> (i32, i32, i32) {
    %mul3A = arith.constant 8 : i32
    %mul3A_0 = arith.muli %arg0, %mul3A : i32
    %add3A = arith.addi %mul3A_0, %arg1 : i32
    %c0_i32 = arith.constant 0 : i32
    %c0_i32_1 = arith.constant 0 : i32
    %c0_i32_2 = arith.constant 0 : i32
    return %add3A, %c0_i32, %c0_i32_1 : i32, i32, i32
  }
  func.func @transform_3(%arg0: i32, %arg1: i32, %arg2: memref<12x8x2xi32, #tpu.memory_space<smem>>) -> (i32, i32, i32) {
    %c0_i32 = arith.constant 0 : i32
    %c0_i32_0 = arith.constant 0 : i32
    %c0_i32_1 = arith.constant 0 : i32
    return %arg0, %c0_i32, %c0_i32_0 : i32, i32, i32
  }
  func.func @transform_4(%arg0: i32, %arg1: i32, %arg2: memref<12x8x2xi32, #tpu.memory_space<smem>>) -> (i32, i32, i32) {
    %c0_i32 = arith.constant 0 : i32
    %c0_i32_0 = arith.constant 0 : i32
    %c0_i32_1 = arith.constant 0 : i32
    return %arg0, %c0_i32, %c0_i32_0 : i32, i32, i32
  }
  func.func @transform_5(%arg0: i32, %arg1: i32, %arg2: memref<12x8x2xi32, #tpu.memory_space<smem>>) -> (i32, i32, i32) {
    %c0_i32 = arith.constant 0 : i32
    %c0_i32_0 = arith.constant 0 : i32
    %c0_i32_1 = arith.constant 0 : i32
    return %arg0, %c0_i32, %c0_i32_0 : i32, i32, i32
  }
  func.func @transform_6(%arg0: i32, %arg1: i32, %arg2: memref<12x8x2xi32, #tpu.memory_space<smem>>) -> (i32, i32, i32) {
    %c0_i32 = arith.constant 0 : i32
    %c0_i32_0 = arith.constant 0 : i32
    return %arg0, %arg1, %c0_i32 : i32, i32, i32
  }
}

</mosaic_0001>

<sc_bundles>
// kernel: gather_offload_async_start
scs
__scs_entry_jumppad:
0x0: {  	(pc) =	sbr.rel $0x88, $3  }
0x1: {  	(tag) =	ssettag $0x0;
	lr =	simm.s32 $0x1  }
0x2: {  	[smem:$0x3F9B] =	sst lr;
	_ =	strace $0xD0000000  }
0x3: {  	_ = 	snop  }
0x4: {  	_ = 	snop  }
0x5: {  	_ = 	snop  }
0x6: {  	_ = 	snop  }
0x7: {  	_ = 	snop  }
__scs_overlays_trampoline_lowered:
0x8: {  	[smem:$0x3FAA] =	sst s0  }
0x9: {  	[smem:$0x3FAB] =	sst s1  }
0xa: {  	[smem:$0x3FAC] =	sst s2  }
0xb: {  	[smem:$0x3FAD] =	sst s3  }
0xc: {  	[smem:$0x3FAE] =	sst s4  }
0xd: {  	[smem:$0x3FAF] =	sst s5  }
0xe: {  	[smem:$0x3FB0] =	sst s6  }
0xf: {  	[smem:$0x3FB1] =	sst s7  }
0x10: {  	[smem:$0x3FB2] =	sst s8  }
0x11: {  	[smem:$0x3FB3] =	sst s9;
	s0 =	simm.s32 @!p0 $0x0  }
0x12: {  	s1 =	sld [smem:$0x3F99];
	s0 =	simm.s32 @p0 $0x1  }
0x13: {  	[smem:$0x3FB4] =	sst s0;
	s0 =	simm.s32 @!p1 $0x0  }
0x14: {  	s2 =	sld [smem:$0x3F98];
	s0 =	simm.s32 @p1 $0x1  }
0x15: {  	[smem:$0x3FB5] =	sst s0;
	s0 =	simm.s32 @!p2 $0x0  }
0x16: {  	s3 =	sld [smem:$0x3FDB];
	s0 =	simm.s32 @p2 $0x1  }
0x17: {  	s4 =	simm.s32 $0x1BF5;
	[smem:$0x3FB7] =	sst s0  }
0x18: {  	s0 =	sld [smem:$0x3F9A];
	_ =	swait.ge [sflag:s4], $0x0  }
0x19: {  	s7 =	sld [smem:$0x3F9B]  }
0x1a: {  	s8 =	sadd.s32 $0xFFFFE003, lr  }
0x1b: {  	s9 =	sadd.s32 $0xFFFFFEF7, lr;
	s5 =	simm.s32 $0xFFFFFFFF;
	p2 =	slt.u32 s8, $0xFFFFF086  }
0x1c: {  	p1 =	slt.u32 s9, $0xF7A;
	s5 =	simm.s32 @!p2 $0x0  }
0x1d: {  	s5 =	simm.s32 @p1 $0x1;
	p0 =	seq.s32 s7, s2  }
0x1e: {  	s7 =	smul.u32 @!p0 $0xF7A, s2;
	p2 =	seq.s32 @!p0 s5, $0x0  }
0x1f: {  	s9 =	smul.u32 $0xF7A, s1;
	s8 =	simm.s32 @!p0 $0x1BF5;
	p2 =	por !p2, p0  }
0x20: {  	[sflag:s8] =	ssyncset.s32 @!p0 $0xFFFFF086;
	s6 =	sadd.s32 @!p0 s3, s7;
	s7 =	simm.s32 @!p0 $0x108  }
0x21: {  	s3 =	sadd.s32 s3, s9;
	s6 =	sadd.s32 @!p0 $0x88, s6;
	s7 =	simm.s32 @p2 $0x1082  }
0x22: {  	[simem:s7], [sflag:s8] =	dma.local @!p0 [hbm:s6], $0xF7A  }
0x23: {  	s9 =	sor.u32 $0xD0000000, s2;
	s6 =	simm.s32 $0x108;
	_ =	swait.ge @!p0 [sflag:s8], $0x0  }
0x24: {  	s3 =	sadd.s32 $0x88, s3;
	s6 =	simm.s32 @!p1 $0x1082;
	[sflag:s4] =	ssyncset.s32 $0xFFFFF086  }
0x25: {  	[simem:s6], [sflag:s4] =	dma.local [hbm:s3], $0xF7A  }
0x26: {  	[smem:$0x3F9B] =	sst s1;
	(tag) =	ssettag s2;
	_ =	strace s9  }
0x27: {  	s1 =	sld [smem:$0x3FAB]  }
0x28: {  	s2 =	sld [smem:$0x3FAC]  }
0x29: {  	s4 =	sld [smem:$0x3FAE]  }
0x2a: {  	p0 =	seq.s32 s5, $0x0;
	s5 =	sld [smem:$0x3FAF]  }
0x2b: {  	s6 =	sld [smem:$0x3FB0]  }
0x2c: {  	s7 =	sld [smem:$0x3FB1]  }
0x2d: {  	s3 =	simm.s32 $0x108;
	s8 =	sld [smem:$0x3FB2]  }
0x2e: {  	s3 =	simm.s32 @!p0 $0x1082;
	s9 =	sld [smem:$0x3FB3]  }
0x2f: {  	lr =	sadd.s32 s0, s3;
	s0 =	sld [smem:$0x3FAA]  }
0x30: {  	s3 =	sld [smem:$0x3FAD]  }
0x31: {  	[smem:$0x3FB6] =	sst s10  }
0x32: {  	s10 =	sld [smem:$0x3FB4];
	_ =	sdelay $0x3  }
0x33: {  	p0 =	seq.s32 s10, $0x1;
	s10 =	sld [smem:$0x3FB6];
	_ =	sdelay $0x3  }
0x34: {  	[smem:$0x3FB6] =	sst s10  }
0x35: {  	s10 =	sld [smem:$0x3FB5];
	_ =	sdelay $0x3  }
0x36: {  	p1 =	seq.s32 s10, $0x1;
	s10 =	sld [smem:$0x3FB6];
	_ =	sdelay $0x3  }
0x37: {  	[smem:$0x3FB6] =	sst s10  }
0x38: {  	s10 =	sld [smem:$0x3FB7]  }
0x39: {  	_ = 	snop;
	(pc) =	sbr.ind lr, $3  }
0x3a: {  	_ = 	snop  }
0x3b: {  	_ = 	snop  }
0x3c: {  	p2 =	seq.s32 s10, $0x1;
	s10 =	sld [smem:$0x3FB6]  }
0x3d: {  	_ =	shalt  }
0x3e: {  	_ =	shalt  }
0x3f: {  	_ =	shalt  }
0x40: {  	_ =	shalt  }
0x41: {  	_ =	shalt  }
0x42: {  	_ =	shalt  }
0x43: {  	_ =	shalt  }
0x44: {  	_ =	shalt  }
0x45: {  	_ =	shalt  }
0x46: {  	_ =	shalt  }
0x47: {  	_ =	shalt  }
0x48: {  	_ =	shalt  }
0x49: {  	_ =	shalt  }
0x4a: {  	_ =	shalt  }
0x4b: {  	_ =	shalt  }
0x4c: {  	_ =	shalt  }
0x4d: {  	_ =	shalt  }
0x4e: {  	_ =	shalt  }
0x4f: {  	_ =	shalt  }
0x50: {  	_ =	shalt  }
0x51: {  	_ =	shalt  }
0x52: {  	_ =	shalt  }
0x53: {  	_ =	shalt  }
0x54: {  	_ =	shalt  }
0x55: {  	_ =	shalt  }
0x56: {  	_ =	shalt  }
0x57: {  	_ =	shalt  }
0x58: {  	_ =	shalt  }
0x59: {  	_ =	shalt  }
0x5a: {  	_ =	shalt  }
0x5b: {  	_ =	shalt  }
0x5c: {  	_ =	shalt  }
0x5d: {  	_ =	shalt  }
0x5e: {  	_ =	shalt  }
0x5f: {  	_ =	shalt  }
0x60: {  	_ =	shalt  }
0x61: {  	_ =	shalt  }
0x62: {  	_ =	shalt  }
0x63: {  	_ =	shalt  }
0x64: {  	_ =	shalt  }
0x65: {  	_ =	shalt  }
0x66: {  	_ =	shalt  }
0x67: {  	_ =	shalt  }
0x68: {  	_ =	shalt  }
0x69: {  	_ =	shalt  }
0x6a: {  	_ =	shalt  }
0x6b: {  	_ =	shalt  }
0x6c: {  	_ =	shalt  }
0x6d: {  	_ =	shalt  }
0x6e: {  	_ =	shalt  }
0x6f: {  	_ =	shalt  }
0x70: {  	_ =	shalt  }
0x71: {  	_ =	shalt  }
0x72: {  	_ =	shalt  }
0x73: {  	_ =	shalt  }
0x74: {  	_ =	shalt  }
0x75: {  	_ =	shalt  }
0x76: {  	_ =	shalt  }
0x77: {  	_ =	shalt  }
0x78: {  	_ =	shalt  }
0x79: {  	_ =	shalt  }
0x7a: {  	_ =	shalt  }
0x7b: {  	_ =	shalt  }
0x7c: {  	_ =	shalt  }
0x7d: {  	_ =	shalt  }
0x7e: {  	_ =	shalt  }
0x7f: {  	_ =	shalt  }
0x80: {  	_ =	shalt  }
0x81: {  	_ =	shalt  }
0x82: {  	_ =	shalt  }
0x83: {  	_ =	shalt  }
0x84: {  	_ =	shalt  }
0x85: {  	_ =	shalt  }
0x86: {  	_ =	shalt  }
0x87: {  	_ =	shalt  }
.Lfunc_end0:
.L_simem_size_0:
called_computation_lowered:
.L_overlay_start_0:
0x88: {  	s2 =	sld [smem:$0x3FD9]  }
0x89: {  	s3 =	sld [smem:$0x3FFE];
	_ =	sdelay $0x1  }
0x8a: {  	s1 =	srdreg.scid  }
0x8b: {  	s0 =	sand.u32 $0x1, s1  }
0x8c: {  	s17 =	sshll.u32 s0, $0xA;
	s2 =	sadd.s32 s3, s2  }
0x8d: {  	s2 =	sadd.s32 s2, s17  }
0x8e: {  	[smem:$0x3FC2] =	sst s2  }
0x8f: {  	_ = 	snop  }
0x90: {  	s2 =	sld [smem:$0x3FD0];
	(tm) =	ssettm $0x1  }
0x91: {  	s18 =	sld [smem:$0x3FFB];
	_ =	sdelay $0x3  }
0x92: {  	_ =	strace s18  }
0x93: {  	s3 =	sld [smem:$0x3FFC];
	_ =	sdelay $0x3  }
0x94: {  	_ =	strace s3  }
0x95: {  	s3 =	sld [smem:$0x3FFD];
	_ =	sdelay $0x3  }
0x96: {  	_ =	strace s3  }
0x97: {  	_ =	strace $0x8FFFFFFF  }
0x98: {  	s19 =	sld [smem:$0x3FDB];
	_ =	sdelay $0x1  }
0x99: {  	s4 =	simm.s32 $_scs_section_size  }
0x9a: {  	s5 =	simm.s32 $_size__tile_overlayer_lowered;
	s6 =	simm.s32 $_tile_overlayer_lowered  }
0x9b: {  	s22 =	simm.s32 $0x1BFF;
	s21 =	sshll.u32 s6, $0x1;
	s3 =	sadd.s32 s4, s19  }
0x9c: {  	s7 =	simm.s32 $0x0;
	s20 =	sshll.u32 s5, $0x1;
	s5 =	sadd.s32 s21, s3  }
0x9d: {  	[timem:s7], [sflag:s22] =	dma.local [hbm:s5], s20  }
0x9e: {  	_ =	swait.ge [sflag:s22], s20  }
0x9f: {  	s4 =	ssub.s32 $0x0, s20;
	[sflag:s22] =	ssyncset.done $0x0  }
0xa0: {  	[sflag:s22] =	ssyncadd.s32 s4;
	_ =	sdelay $0x1  }
0xa1: {  	s23 =	simm.s32 $0x1B8B  }
0xa2: {  	_ =	swait.ge [sflag:s23], $0x1  }
0xa3: {  	[sflag:s23] =	ssyncset.done $0x0  }
0xa4: {  	s25 =	simm.s32 $0x1B8E;
	s24 =	sld [smem:$0x3FFE];
	[sflag:s23] =	ssyncadd.s32 $0xFFFFFFFF  }
0xa5: {  	s26 =	simm.s32 $execute0_lowered;
	[smem:$0x3FD2] =	sst s25  }
0xa6: {  	s5 =	sshll.u32 s26, $0x1;
	_ =	strace $0x80000046;
	[dreg:$0x1] =	wrdreg $0xFFFFFFFF  }
0xa7: {  	s28 =	simm.s32 $_size_execute0_lowered;
	s3 =	sadd.s32 s3, s5;
	[dreg:$0x0] =	wrdreg $0x0  }
0xa8: {  	s5 =	sshll.u32 s28, $0x1;
	[dreg:$0x2] =	wrdreg s3  }
0xa9: {  	[dreg:$0x3] =	wrdreg s5  }
0xaa: {  	[dreg:$0x4] =	wrdreg $0xC0  }
0xab: {  	_ =	task [dreg:s7], $0x5FFFF  }
0xac: {  	[dreg:$0x1] =	wrdreg $0xFFFFFFFF  }
0xad: {  	[dreg:$0x0] =	wrdreg $0x60  }
0xae: {  	[dreg:$0x2] =	wrdreg s24  }
0xaf: {  	[dreg:$0x3] =	wrdreg s2  }
0xb0: {  	[dreg:$0x4] =	wrdreg $0x9  }
0xb1: {  	_ =	task.clear_ibuf [dreg:s7], $0x5FFFF;
	_ =	strace $0x90000046  }
0xb2: {  	s29 =	simm.s32 $0x9;
	_ =	strace $0x80000048  }
0xb3: {  	_ =	swait.ge [sflag:s29], $0x1  }
0xb4: {  	[sflag:s29] =	ssyncadd.s32 $0xFFFFFFFF  }
0xb5: {  	_ =	strace $0x90000048  }
0xb6: {  	_ =	sfence  }
0xb7: {  	s30 =	sld [smem:$0x0];
	_ =	sdelay $0x2  }
0xb8: {  	s31 =	sshll.u32 s1, $0xD;
	s1 =	sshrl.u32 s1, $0x2  }
0xb9: {  	s3 =	sand.u32 $0x4000, s31;
	s1 =	sadd.s32 s1, s30  }
0xba: {  	s0 =	sor.u32 s3, s0;
	s1 =	sshll.u32 s1, $0x11  }
0xbb: {  	s0 =	sor.u32 s1, s0  }
0xbc: {  	s0 =	sadd.s32 $0x8F2B, s0  }
0xbd: {  	[sflag:s0] =	ssyncadd.remote.s32 $0x1  }
0xbe: {  	_ =	sfence.sel $0xFFFF  }
0xbf: {  	[dreg:$0x0] =	wrdreg $0xFFFFFFFF;
	(pc) =	sbr.abs _section_cstart, $3  }
0xc0: {  	[dreg:$0x1] =	wrdreg $0xFFFFFFFF  }
0xc1: {  	_ =	task.clear_ibuf [dreg:s7], $0x2FFFF;
	_ =	strace $0x9FFFFFFF  }
0xc2: {  	(tm) =	ssettm $0x7FFFFFFF  }
0xc3: {  	_ =	shalt  }
tec
execute0_lowered:
.L_overlay_start_1:
0x0: {  	(tag) =	ssettag $0x1  }
0x1: {  	s7 =	rddreg [dreg:$0x0]  }
0x2: {  	s0 =	srdreg.scid;
	s2 =	rddreg [dreg:$0x1]  }
0x3: {  	s1 =	stileid.u32;
	s5 =	simm.s32 $0x2;
	s9 =	simm.s32 $0x3  }
0x4: {  	s3 =	sshll.u32 s0, $0x4;
	s0 =	rddreg [dreg:$0x2];
	_ =	strace $0x80000047  }
.Ltmp0:
0x5: {  	s4 =	sand.u32 $0x10, s3;
	s3 =	simm.s32 $0x1;
	(pc) =	sbr.rel .LBB2_1-.Ltmp0, $4  }
0x6: {  	s11 =	simm.s32 $0x0;
	s4 =	sor.u32 s1, s4;
	[sflag:s3] =	ssyncpa.u1 $0x0  }
0x7: {  	p0 =	por $0x0, $0x0;
	s4 =	smul.u32 $0x300, s4;
	[sflag:s5] =	ssyncpa.u1 $0x0  }
0x8: {  	s6 =	sadd.s32 $0x61E00, s7;
	s7 =	sadd.s32 $0xC1E00, s7;
	[sflag:s9] =	ssyncpa.u1 $0x0  }
0x9: {  	vm0 =	vmmov $0xff;
	vm1 =	vcmask $0x3F20;
	s9 =	simm.s32 $0x0;
	s8 =	sadd.s32 $0x300, s4;
	s10 =	smov.u32 s4  }
.LBB2_6:
0xa: {  	[hbm:s15] =	stream.linear.scatter [tilespmem:s12], [sflag:$0x3], $0x400, $0x38;
	[tilespmem:$0x18300] =	vst v63  }
.LBB2_7:
0xb: {  	p1 =	slt.u32 s9, $0x2;
	s11 =	sadd.s32 $0x180, s10  }
0xc: {  	s13 =	smov.u32 s4;
	s9 =	sadd.s32 $0x1, s9;
	p2 =	slt.s32 s11, s8  }
0xd: {  	s13 =	smov.u32 @p2 s11;
	p2 =	sne.s32 s9, $0x4  }
.Ltmp1:
0xe: {  	_ = 	snop;
	(pc) =	sbr.rel @!p2 .LBB2_8-.Ltmp1, $4  }
0xf: {  	s12 =	simm.s32 @!p1 $0x3  }
0x10: {  	_ =	swait.ge @!p1 [sflag:s12], $0xC000  }
0x11: {  	p0 =	por !p0, !p0;
	[sflag:s12] =	ssyncset.done @!p1 $0x0  }
0x12: {  	s11 =	smov.u32 s10;
	s10 =	smov.u32 s13;
	[sflag:s12] =	ssyncadd.s32 @!p1 $0xFFFF4000  }
.LBB2_1:
0x13: {  	p1 =	sgt.u32 s9, $0x1  }
0x14: {  	s12 =	sxor.u32 @!p1 $0x1, s9  }
0x15: {  	s12 =	smul.u32 @!p1 $0x600, s12  }
0x16: {  	s31 =	sadd.s32 $0xFFFFFFFF, s9;
	s13 =	sshrl.u32 @!p1 s10, $0x3  }
0x17: {  	s14 =	sand.u32 @!p1 $0x7, s10;
	s13 =	sadd.s32 @!p1 s2, s13;
	s12 =	sshra.s32 @!p1 s12, $0x2  }
0x18: {  	[tilespmem:s12], [sflag:$0x2] =	stream.linear.gather @!p1 [hbm4b:s13+s14], $0x180, $0x38;
	[tilespmem:$0x18300] =	vst v63  }
0x19: {  	p1 =	sgt.u32 s31, $0x1  }
.Ltmp2:
0x1a: {  	_ = 	snop;
	(pc) =	sbr.rel @p1 .LBB2_7-.Ltmp2, $1  }
0x1b: {  	_ =	sdelay $0x3  }
0x1c: {  	s12 =	simm.s32 $0x1  }
0x1d: {  	s12 =	simm.s32 @!p0 $0x0  }
0x1e: {  	s13 =	smul.u32 $0x600, s12  }
0x1f: {  	_ =	swait.ge [sflag:s5], $0x180  }
0x20: {  	[sflag:s5] =	ssyncset.done $0x0;
	s14 =	sshrl.u32 s13, $0x2  }
0x21: {  	[sflag:s5] =	ssyncadd.s32 $0xFFFFFE80;
	s13 =	sadd.s32 $0x0, s14  }
0x22: {  	v0 =	vld.msk [tilespmem:s13+$0x0 ss:$0x1], $0xffff;
	_ =	sdelay $0x4  }
0x23: {  	v1 =	vshll.u32 v0, $0x3  }
0x24: {  	vm2 =	veq.s32 v0, $0x80000000;
	v0 =	vshll.u32 v0, $0x12;
	v1 =	vand.u32 $0x3FF80, v1  }
0x25: {  	v0 =	vand.u32 $0x3C0000, v0;
	v1 =	vsel vm2, $0xFFFFFF80, v1  }
0x26: {  	v0 =	vsel vm2, $0xFFFC0000, v0;
	v2 =	vand.u32 $0xFFFFFC00, v1  }
0x27: {  	v1 =	vand.u32 $0x380, v1;
	v0 =	vadd.s32 v0, v2  }
0x28: {  	v0 =	vor.u32 v1, v0  }
0x29: {  	v0 =	vshrl.u32 v0, $0x3  }
0x2a: {  	s12 =	smul.u32 $0x30000, s12;
	_ =	sdelay $0x1  }
0x2b: {  	s12 =	sshrl.u32 s12, $0x2  }
0x2c: {  	s12 =	sor.u32 $0x300, s12  }
0x2d: {  	[tilespmem:s12], [sflag:$0x1] =	stream.indirect_vreg.gather [hbm:s6], $0x80, v0, vm0, $0x38;
	[tilespmem:$0x18300] =	vst v63  }
0x2e: {  	s15 =	sadd.s32 $0x10, s14;
	s13 =	sadd.s32 $0x400, s12  }
0x2f: {  	[tilespmem:s13], [sflag:$0x1] =	stream.indirect_vreg.gather [hbm:s6], $0x80, v0, vm1, $0x38;
	[tilespmem:$0x18300] =	vst v63  }
0x30: {  	s16 =	simm.s32 $0x80;
	v0 =	vld.msk [tilespmem:s15+$0x0 ss:$0x1], $0xffff;
	s15 =	smov.u32 s12  }
.LBB2_3:
0x31: {  	p1 =	sne.s32 s16, $0x5C0;
	_ =	sdelay $0x4  }
0x32: {  	v1 =	vshll.u32 v0, $0x3  }
0x33: {  	vm2 =	veq.s32 v0, $0x80000000;
	v0 =	vshll.u32 v0, $0x12;
	v1 =	vand.u32 $0x3FF80, v1  }
0x34: {  	v0 =	vand.u32 $0x3C0000, v0;
	v1 =	vsel vm2, $0xFFFFFF80, v1  }
0x35: {  	v0 =	vsel vm2, $0xFFFC0000, v0;
	v2 =	vand.u32 $0xFFFFFC00, v1  }
0x36: {  	v1 =	vand.u32 $0x380, v1;
	v0 =	vadd.s32 v0, v2  }
0x37: {  	v0 =	vor.u32 v1, v0  }
0x38: {  	v0 =	vshrl.u32 v0, $0x3;
	_ =	sdelay $0x3  }
.Ltmp3:
0x39: {  	s17 =	sshra.s32 s16, $0x2;
	s15 =	sadd.s32 $0x800, s15;
	(pc) =	sbr.rel @p1 .LBB2_3-.Ltmp3, $4  }
0x3a: {  	[tilespmem:s15], [sflag:$0x1] =	stream.indirect_vreg.gather [hbm:s6], $0x80, v0, vm0, $0x38;
	[tilespmem:$0x18300] =	vst v63  }
0x3b: {  	s17 =	sadd.s32 s17, s14;
	s18 =	sadd.s32 $0x400, s15  }
0x3c: {  	[tilespmem:s18], [sflag:$0x1] =	stream.indirect_vreg.gather [hbm:s6], $0x80, v0, vm1, $0x38;
	[tilespmem:$0x18300] =	vst v63  }
0x3d: {  	s16 =	sadd.s32 $0x40, s16;
	v0 =	vld.msk [tilespmem:s17+$0x0 ss:$0x1], $0xffff  }
0x3e: {  	_ =	sdelay $0x3  }
0x3f: {  	v1 =	vshll.u32 v0, $0x3  }
0x40: {  	vm2 =	veq.s32 v0, $0x80000000;
	v63 =	vshll.u32 v0, $0x12;
	v1 =	vand.u32 $0x3FF80, v1  }
0x41: {  	v0 =	vand.u32 $0x3C0000, v63;
	v1 =	vsel vm2, $0xFFFFFF80, v1  }
0x42: {  	v0 =	vsel vm2, $0xFFFC0000, v0;
	v2 =	vand.u32 $0xFFFFFC00, v1  }
0x43: {  	v1 =	vand.u32 $0x380, v1;
	v0 =	vadd.s32 v0, v2  }
0x44: {  	v0 =	vor.u32 v1, v0  }
0x45: {  	v0 =	vshrl.u32 v0, $0x3;
	_ =	sdelay $0x3  }
0x46: {  	s14 =	sadd.s32 $0x800, s15  }
0x47: {  	[tilespmem:s14], [sflag:$0x1] =	stream.indirect_vreg.gather [hbm:s6], $0x80, v0, vm0, $0x38;
	[tilespmem:$0x18300] =	vst v63  }
0x48: {  	s14 =	sadd.s32 $0x400, s14  }
0x49: {  	[tilespmem:s14], [sflag:$0x1] =	stream.indirect_vreg.gather [hbm:s6], $0x80, v0, vm1, $0x38;
	[tilespmem:$0x18300] =	vst v63  }
0x4a: {  	s11 =	sshll.u32 s11, $0x4;
	_ =	swait.ge [sflag:s3], $0xC000  }
0x4b: {  	s11 =	sadd.s32 s11, s7;
	[sflag:s3] =	ssyncset.done $0x0  }
0x4c: {  	s15 =	sadd.s32 $0x0, s11;
	s14 =	simm.s32 $0x80;
	[sflag:s3] =	ssyncadd.s32 $0xFFFF4000  }
.LBB2_5:
0x4d: {  	[hbm:s15] =	stream.linear.scatter [tilespmem:s12], [sflag:$0x3], $0x400, $0x38;
	[tilespmem:$0x18300] =	vst v63  }
0x4e: {  	s15 =	smov.u32 s14;
	s12 =	smov.u32 s13;
	p1 =	sne.s32 s14, $0x1780  }
.Ltmp4:
0x4f: {  	s14 =	sadd.s32 $0x80, s14;
	(pc) =	sbr.rel @p1 .LBB2_5-.Ltmp4, $2  }
0x50: {  	_ =	sdelay $0x2  }
0x51: {  	s13 =	sadd.s32 $0x400, s13;
	s15 =	sadd.s32 s15, s11  }
.Ltmp5:
0x52: {  	_ = 	snop;
	(pc) =	sbr.rel .LBB2_6-.Ltmp5, $1  }
0x53: {  	_ =	sdelay $0x3  }
.LBB2_8:
0x54: {  	_ =	sfence.sel $0x180000  }
0x55: {  	s2 =	simm.s32 $0x2;
	[bflag:$0x0] =	sbarrier.arrive $0xFFFF  }
0x56: {  	s30 =	simm.s32 $0x3;
	[sflag:s2] =	ssyncpa.u1 $0x1  }
0x57: {  	s31 =	simm.s32 $0x1;
	[sflag:s30] =	ssyncpa.u1 $0x1  }
0x58: {  	[sflag:s31] =	ssyncpa.u1 $0x1  }
0x59: {  	p0 =	sne.s32 s1, $0x0;
	_ =	strace $0x90000047  }
0x5a: {  	s0 =	sadd.s32 @!p0 $0x100000, s0;
	[bflag:$0x2] =	sbarrier.arrive $0xFFFF  }
0x5b: {  	[sflag:s0] =	ssyncadd.tile.s32 @!p0 $0x1;
	_ =	shalt  }
.Lfunc_end2:
_tile_overlayer_lowered:
.L_overlay_start_2:
0x5c: {  	(tag) =	ssettag $0x2  }
0x5d: {  	s0 =	rddreg [dreg:$0x0];
	s2 =	stileid.u32  }
0x5e: {  	s1 =	rddreg [dreg:$0x1];
	p0 =	sne.s32 s2, $0x0  }
0x5f: {  	s3 =	rddreg [dreg:$0x2];
	[bflag:$0x3] =	sbarrier.arrive $0xFFFF;
	s2 =	simm.s32 @!p0 $0x1C01  }
0x60: {  	[timem:s3], [sflag:s2] =	dma.local @!p0 [hbm:s0], s1  }
0x61: {  	s0 =	simm.s32 @!p0 $0x1  }
0x62: {  	_ =	swait.ge @!p0 [sflag:s0], s1  }
0x63: {  	s1 =	ssub.s32 @!p0 $0x0, s1;
	[sflag:s0] =	ssyncset.done @!p0 $0x0  }
0x64: {  	[sflag:s0] =	ssyncadd.s32 @!p0 s1  }
0x65: {  	[bflag:$0x3] =	sbarrier.arrive $0xFFFF  }
0x66: {  	_ =	shalt  }

</sc_bundles>
